<compile_context>
chip_gen: v7x
topology: tpu7x:2x2x1
jax: 0.10.2.dev20260603
libtpu: 0.0.44.dev20260713+nightly
codegen_flags: <defaults>
</compile_context>

<pallas_src>
import jax
import jax.numpy as jnp
from jax import lax
from jax.experimental import pallas as pl
from jax.experimental.pallas import tpu as pltpu
from jax.experimental.pallas import tpu_sc as plsc

N = 10000
E = 320000
D = 128
NC = 2
NS = 16
NW = NC * NS
EPT = E // NW
B = 80
NB = EPT // B
NG = 5
CB = NB // NG
RPT = 624
REM = N - RPT * NS
ZR = 48

_mesh = plsc.VectorSubcoreMesh(
    core_axis_name="c", subcore_axis_name="s", num_cores=NC, num_subcores=NS
)


def _sc_body(with_cnt):
    def body(edges_hbm, x_hbm, agg_out, *rest):
        if with_cnt:
            (cnt_out, src_v, dst_v, rows_a, rows_b, rows_c, cnt_v, agg_sh,
             gsem_a, gsem_b, gsem_c, ssem_a, ssem_b, ssem_c) = rest
        else:
            cnt_v = None
            (src_v, dst_v, rows_a, rows_b, rows_c, agg_sh,
             gsem_a, gsem_b, gsem_c, ssem_a, ssem_b, ssem_c) = rest
        zeros16i = jnp.zeros((16,), jnp.int32)
        c = lax.axis_index("c")
        s = lax.axis_index("s")
        wid = c * NS + s

        zeros16 = jnp.zeros((16,), jnp.float32)

        pltpu.async_copy(edges_hbm.at[0, wid, 0], src_v, gsem_a)
        pltpu.async_copy(edges_hbm.at[1, wid, 0], dst_v, gsem_b)

        def zrow(r, carry):
            for j in range(D // 16):
                rows_a[r, pl.ds(j * 16, 16)] = zeros16
            return carry

        lax.fori_loop(0, ZR, zrow, 0)

        zsrc = rows_a.at[pl.ds(0, ZR)]
        for k in range(RPT // ZR):
            pltpu.async_copy(zsrc, agg_sh.at[pl.ds(s * RPT + k * ZR, ZR)],
                             ssem_a)

        @pl.when(s == NS - 1)
        def _zero_rem():
            pltpu.async_copy(
                rows_a.at[pl.ds(0, REM)], agg_sh.at[pl.ds(RPT * NS, REM)],
                ssem_b,
            )

        if with_cnt:
            def zcnt(i, carry):
                cnt_v[0, pl.ds(i * 16, 16)] = zeros16
                return carry

            lax.fori_loop(0, N // 16, zcnt, 0)

        for k in range(RPT // ZR):
            pltpu.make_async_copy(
                zsrc, agg_sh.at[pl.ds(s * RPT + k * ZR, ZR)], ssem_a
            ).wait()

        @pl.when(s == NS - 1)
        def _zero_rem_wait():
            pltpu.make_async_copy(
                rows_a.at[pl.ds(0, REM)], agg_sh.at[pl.ds(RPT * NS, REM)],
                ssem_b,
            ).wait()

        pltpu.make_async_copy(edges_hbm.at[0, wid, 0], src_v, gsem_a).wait()
        pltpu.make_async_copy(edges_hbm.at[1, wid, 0], dst_v, gsem_b).wait()
        plsc.subcore_barrier()

        ones16 = jnp.ones((16,), jnp.float32)
        rows = (rows_a, rows_b, rows_c)
        gsems = (gsem_a, gsem_b, gsem_c)
        ssems = (ssem_a, ssem_b, ssem_c)

        def start_g(sv, b, k):
            pltpu.async_copy(x_hbm.at[sv.at[b]], rows[k], gsems[k])

        def wait_g(sv, b, k):
            pltpu.make_async_copy(
                x_hbm.at[sv.at[b]], rows[k], gsems[k]
            ).wait()

        def start_s(dv, b, k):
            pltpu.async_copy(
                rows[k], agg_sh.at[dv.at[b]], ssems[k], add=True
            )

        def wait_s(dv, b, k):
            pltpu.make_async_copy(
                rows[k], agg_sh.at[dv.at[b]], ssems[k]
            ).wait()

        def cnt_add(dv, b):
            if with_cnt:
                for j in range(B // 16):
                    d16 = dv[b, pl.ds(j * 16, 16)]
                    plsc.addupdate_scatter(cnt_v, [zeros16i, d16], ones16)

        def chunk(g, carry):
            sv = src_v
            dv = dst_v

            @pl.when(g > 0)
            def _load():
                pltpu.sync_copy(edges_hbm.at[0, wid, g], src_v)
                pltpu.sync_copy(edges_hbm.at[1, wid, g], dst_v)

            start_g(sv, 0, 0)
            start_g(sv, 1, 1)

            def group(q, carry2):
                for r in range(3):
                    i = 3 * q + r
                    wait_g(sv, i, r)
                    start_s(dv, i, r)
                    cnt_add(dv, i)
                    prev = (r + 2) % 3
                    if r == 0:
                        @pl.when(q > 0)
                        def _ws():
                            wait_s(dv, 3 * q - 1, prev)
                    else:
                        wait_s(dv, i - 1, prev)

                    @pl.when(i + 2 < CB)
                    def _sg():
                        start_g(sv, i + 2, prev)
                return carry2

            lax.fori_loop(0, (CB - 1) // 3, group, 0)
            last = CB - 1
            wait_g(sv, last, 0)
            start_s(dv, last, 0)
            cnt_add(dv, last)
            wait_s(dv, last - 1, 2)
            wait_s(dv, last, 0)
            return carry

        lax.fori_loop(0, NG, chunk, 0)
        plsc.subcore_barrier()

        pltpu.sync_copy(
            agg_sh.at[pl.ds(s * RPT, RPT)], agg_out.at[c, pl.ds(s * RPT, RPT)]
        )

        @pl.when(s == NS - 1)
        def _copy_rem():
            pltpu.sync_copy(
                agg_sh.at[pl.ds(RPT * NS, REM)],
                agg_out.at[c, pl.ds(RPT * NS, REM)],
            )

        if with_cnt:
            pltpu.sync_copy(cnt_v, cnt_out.at[wid])

    return body


def _make_sc(with_cnt):
    out_type = [jax.ShapeDtypeStruct((NC, N, D), jnp.float32)]
    if with_cnt:
        out_type.append(jax.ShapeDtypeStruct((NW, 1, N), jnp.float32))
    return pl.kernel(
        _sc_body(with_cnt),
        out_type=tuple(out_type),
        mesh=_mesh,
        scratch_types=(
            [
                pltpu.VMEM((CB, B), jnp.int32),
                pltpu.VMEM((CB, B), jnp.int32),
                pltpu.VMEM((B, D), jnp.float32),
                pltpu.VMEM((B, D), jnp.float32),
                pltpu.VMEM((B, D), jnp.float32),
            ]
            + ([pltpu.VMEM((1, N), jnp.float32)] if with_cnt else [])
            + [
                pltpu.VMEM_SHARED((N, D), jnp.float32),
            ]
            + [pltpu.SemaphoreType.DMA] * 6
        ),
        name="sc_sage_agg_cnt" if with_cnt else "sc_sage_agg",
        compiler_params=pltpu.CompilerParams(needs_layout_passes=False),
    )


_sc_agg_cnt = _make_sc(True)
_sc_agg = _make_sc(False)

def _tc_pre_body(x_ref, wr_ref, b_ref, o_ref):
    o_ref[...] = (
        jnp.dot(x_ref[...], wr_ref[...], preferred_element_type=jnp.float32)
        + b_ref[...]
    )


def _tc_pre(x, wrT, b2d):
    return pl.pallas_call(
        _tc_pre_body,
        out_shape=jax.ShapeDtypeStruct((N, D), jnp.float32),
        name="tc_sage_pre",
    )(x, wrT, b2d)


def _mean_lin(ap_ref, cp_ref, xr_ref, wl_ref):
    p = ap_ref[...]
    agg = p[0] + p[1]
    cnt = jnp.sum(cp_ref[...], axis=(0, 1))
    scale = 1.0 / jnp.maximum(cnt, 1.0)
    m = agg * scale[:, None]
    y = jnp.dot(m, wl_ref[...], preferred_element_type=jnp.float32)
    return y + xr_ref[...]


def _tc_post_body(leaky):
    def body(ap_ref, cp_ref, xr_ref, wl_ref, o_ref):
        y = _mean_lin(ap_ref, cp_ref, xr_ref, wl_ref)
        if leaky:
            y = jnp.where(y > 0, y, 0.01 * y)
        o_ref[...] = y

    return body


def _tc_post(agg_parts, cnt_flat, xr, wlT, leaky):
    return pl.pallas_call(
        _tc_post_body(leaky),
        out_shape=jax.ShapeDtypeStruct((N, D), jnp.float32),
        name="tc_sage_post",
    )(agg_parts, cnt_flat, xr, wlT)


@jax.jit
def kernel(features, edges, edges2, edge_features, additional_feature,
           W1l, W1r, b1, W2l, W2r, b2):
    e5 = edges.astype(jnp.int32).reshape(2, NW, NG, CB, B)

    agg1, cnt3 = _sc_agg_cnt(e5, features)
    xr1 = _tc_pre(features, W1r.T, b1.reshape(1, D))
    h = _tc_post(agg1, cnt3, xr1, W1l.T, leaky=True)
    (agg2,) = _sc_agg(e5, h)
    xr2 = _tc_pre(h, W2r.T, b2.reshape(1, D))
    out = _tc_post(agg2, cnt3, xr2, W2l.T, leaky=False)
    return out

# --- scband reference (transcript-rebuilt; emitter-appended) ---
"""Pipeline reference for scband-sageconv-model-17712445128820 (READ-ONLY COPY).

The authoritative reference and input builder live on the scoring server;
editing this copy changes nothing except your own understanding.
"""

import jax, jax.numpy as jnp
import numpy as np

N = 10000
E = 320000
D_IN = 128
D_HID = 128
D_OUT = 128
D_EDGE = 16


def setup_inputs(seed: int = 0) -> dict:
    key = jax.random.key(seed)
    ks = jax.random.split(key, 11)
    features = jax.random.normal(ks[0], (N, D_IN), dtype=jnp.float32)
    edges = jax.random.randint(ks[1], (2, E), 0, N)
    edges2 = jax.random.randint(ks[2], (2, E), 0, N)
    edge_features = jax.random.normal(ks[3], (E, D_EDGE), dtype=jnp.float32)
    additional_feature = jax.random.normal(ks[4], (N, D_IN), dtype=jnp.float32)
    s1 = 1.0 / np.sqrt(D_IN)
    W1l = jax.random.uniform(ks[5], (D_HID, D_IN), minval=-s1, maxval=s1, dtype=jnp.float32)
    W1r = jax.random.uniform(ks[6], (D_HID, D_IN), minval=-s1, maxval=s1, dtype=jnp.float32)
    b1 = jax.random.uniform(ks[7], (D_HID,), minval=-s1, maxval=s1, dtype=jnp.float32)
    s2 = 1.0 / np.sqrt(D_HID)
    W2l = jax.random.uniform(ks[8], (D_OUT, D_HID), minval=-s2, maxval=s2, dtype=jnp.float32)
    W2r = jax.random.uniform(ks[9], (D_OUT, D_HID), minval=-s2, maxval=s2, dtype=jnp.float32)
    b2 = jax.random.uniform(ks[10], (D_OUT,), minval=-s2, maxval=s2, dtype=jnp.float32)
    return {
        "features": features,
        "edges": edges,
        "edges2": edges2,
        "edge_features": edge_features,
        "additional_feature": additional_feature,
        "W1l": W1l, "W1r": W1r, "b1": b1,
        "W2l": W2l, "W2r": W2r, "b2": b2,
    }


def _sage_conv(x, src, dst, Wl, Wr, b):
    # PyG SAGEConv(aggr='mean'): out = lin_l(mean_{j in N(i)} x_j) + lin_r(x_i)
    msg = jnp.take(x, src, axis=0)
    agg = jax.ops.segment_sum(msg, dst, num_segments=N)
    cnt = jax.ops.segment_sum(jnp.ones((dst.shape[0],), x.dtype), dst, num_segments=N)
    agg = agg / jnp.maximum(cnt, 1.0)[:, None]
    return agg @ Wl.T + b + x @ Wr.T


def reference(features, edges, edges2, edge_features, additional_feature, W1l, W1r, b1, W2l, W2r, b2):
    src, dst = edges[0], edges[1]
    h = _sage_conv(features, src, dst, W1l, W1r, b1)
    h = jax.nn.leaky_relu(h, negative_slope=0.01)
    # F.dropout with training=False is identity (eval mode)
    out = _sage_conv(h, src, dst, W2l, W2r, b2)
    return out

if __name__ == "__main__":
    import jax
    _d = setup_inputs()
    print(jax.jit(kernel)(*tuple(_d.values())))

</pallas_src>

<mosaic_0001>
#map = affine_map<(d0, d1) -> (0, 0, 0, 0, 0)>
#map1 = affine_map<(d0, d1) -> (0, 0)>
#map2 = affine_map<(d0, d1) -> (0, 0, 0)>
module attributes {stable_mosaic.version = 14 : i64} {
  func.func @sc_sage_agg_cnt(%arg0: i32, %arg1: i32, %arg2: memref<2x32x5x25x80xi32, #tpu.memory_space<hbm>>, %arg3: memref<10000x128xf32, #tpu.memory_space<hbm>>, %arg4: memref<2x10000x128xf32, #tpu.memory_space<hbm>>, %arg5: memref<32x1x10000xf32, #tpu.memory_space<hbm>>, %arg6: memref<25x80xi32, #tpu.memory_space<vmem>>, %arg7: memref<25x80xi32, #tpu.memory_space<vmem>>, %arg8: memref<80x128xf32, #tpu.memory_space<vmem>>, %arg9: memref<80x128xf32, #tpu.memory_space<vmem>>, %arg10: memref<80x128xf32, #tpu.memory_space<vmem>>, %arg11: memref<1x10000xf32, #tpu.memory_space<vmem>>, %arg12: memref<10000x128xf32, #tpu.memory_space<vmem_shared>>, %arg13: memref<!tpu.dma_semaphore, #tpu.memory_space<semaphore_mem>>, %arg14: memref<!tpu.dma_semaphore, #tpu.memory_space<semaphore_mem>>, %arg15: memref<!tpu.dma_semaphore, #tpu.memory_space<semaphore_mem>>, %arg16: memref<!tpu.dma_semaphore, #tpu.memory_space<semaphore_mem>>, %arg17: memref<!tpu.dma_semaphore, #tpu.memory_space<semaphore_mem>>, %arg18: memref<!tpu.dma_semaphore, #tpu.memory_space<semaphore_mem>>) attributes {dimension_semantics = [#tpu.dimension_semantics<core_parallel>, #tpu.dimension_semantics<subcore_parallel>], iteration_bounds = array<i64: 2, 16>, scalar_prefetch = 0 : i64, scratch_operands = 13 : i64, tpu.core_type = #tpu.core_type<sc_vector_subcore>, window_params = [{transform_indices = #map}, {transform_indices = #map1}, {transform_indices = #map2}, {transform_indices = #map2}]} {
    %broadcast_in_dim3A = arith.constant 0 : i32
    %broadcast_in_dim3A_0 = vector.broadcast %broadcast_in_dim3A : i32 to vector<16xi32>
    %mul3A = arith.constant 16 : i32
    %mul3A_1 = arith.muli %arg0, %mul3A : i32
    %add3A = arith.addi %mul3A_1, %arg1 : i32
    %broadcast_in_dim3A_2 = arith.constant 0.000000e+00 : f32
    %broadcast_in_dim3A_3 = vector.broadcast %broadcast_in_dim3A_2 : f32 to vector<16xf32>
    %dma_start3A = arith.constant 0 : i32
    %dma_start3A_4 = arith.constant 0 : i32
    %dma_start3A_5 = arith.constant 0 : i32
    %dma_start3A_6 = arith.constant 0 : i32
    %dma_start3A_7 = tpu.memref_slice %arg2[%dma_start3A, %add3A, %dma_start3A_4, %dma_start3A_5, %dma_start3A_6] : memref<2x32x5x25x80xi32, #tpu.memory_space<hbm>> -> memref<1x1x1x25x80xi32, #tpu.memory_space<hbm>>
    %dma_start3A_8 = tpu.memref_squeeze %dma_start3A_7 : memref<1x1x1x25x80xi32, #tpu.memory_space<hbm>> -> memref<25x80xi32, #tpu.memory_space<hbm>>
    %dma_start3A_9 = arith.constant 0 : i32
    %dma_start3A_10 = arith.constant 0 : i32
    %dma_start3A_11 = tpu.memref_slice %arg2[%dma_start3A, %add3A, %dma_start3A_4, %dma_start3A_9, %dma_start3A_10] : memref<2x32x5x25x80xi32, #tpu.memory_space<hbm>> -> memref<1x1x1x25x80xi32, #tpu.memory_space<hbm>>
    %dma_start3A_12 = tpu.memref_squeeze %dma_start3A_11 : memref<1x1x1x25x80xi32, #tpu.memory_space<hbm>> -> memref<25x80xi32, #tpu.memory_space<hbm>>
    tpu.enqueue_dma source(%dma_start3A_12 : memref<25x80xi32, #tpu.memory_space<hbm>>) target(%arg6 : memref<25x80xi32, #tpu.memory_space<vmem>>) target_semaphore(%arg13 : memref<!tpu.dma_semaphore, #tpu.memory_space<semaphore_mem>>)
    %dma_start3A_13 = arith.constant 1 : i32
    %dma_start3A_14 = arith.constant 0 : i32
    %dma_start3A_15 = arith.constant 0 : i32
    %dma_start3A_16 = arith.constant 0 : i32
    %dma_start3A_17 = tpu.memref_slice %arg2[%dma_start3A_13, %add3A, %dma_start3A_14, %dma_start3A_15, %dma_start3A_16] : memref<2x32x5x25x80xi32, #tpu.memory_space<hbm>> -> memref<1x1x1x25x80xi32, #tpu.memory_space<hbm>>
    %dma_start3A_18 = tpu.memref_squeeze %dma_start3A_17 : memref<1x1x1x25x80xi32, #tpu.memory_space<hbm>> -> memref<25x80xi32, #tpu.memory_space<hbm>>
    %dma_start3A_19 = arith.constant 0 : i32
    %dma_start3A_20 = arith.constant 0 : i32
    %dma_start3A_21 = tpu.memref_slice %arg2[%dma_start3A_13, %add3A, %dma_start3A_14, %dma_start3A_19, %dma_start3A_20] : memref<2x32x5x25x80xi32, #tpu.memory_space<hbm>> -> memref<1x1x1x25x80xi32, #tpu.memory_space<hbm>>
    %dma_start3A_22 = tpu.memref_squeeze %dma_start3A_21 : memref<1x1x1x25x80xi32, #tpu.memory_space<hbm>> -> memref<25x80xi32, #tpu.memory_space<hbm>>
    tpu.enqueue_dma source(%dma_start3A_22 : memref<25x80xi32, #tpu.memory_space<hbm>>) target(%arg7 : memref<25x80xi32, #tpu.memory_space<vmem>>) target_semaphore(%arg14 : memref<!tpu.dma_semaphore, #tpu.memory_space<semaphore_mem>>)
    %scan3A = arith.constant 0 : i32
    %scan3A_23 = arith.constant 0 : i32
    %scan3A_24 = arith.constant 48 : i32
    %scan3A_25 = arith.addi %scan3A_23, %scan3A_24 : i32
    %scan3A_26 = arith.constant 1 : i32
    scf.for %scan3A_442 = %scan3A_23 to %scan3A_25 step %scan3A_26  : i32 {
      %swap3A = arith.index_cast %scan3A_442 : i32 to index
      %swap3A_443 = arith.constant 0 : index
      %swap3A_444 = tpu.vector_load %arg8[%swap3A, %swap3A_443] {strides = array<i32>} : memref<80x128xf32, #tpu.memory_space<vmem>>, vector<16xf32>,
      tpu.vector_store %arg8[%swap3A, %swap3A_443], %broadcast_in_dim3A_3 {strides = array<i32>} : memref<80x128xf32, #tpu.memory_space<vmem>>, vector<16xf32>,
      %swap3A_445 = arith.index_cast %scan3A_442 : i32 to index
      %swap3A_446 = arith.constant 16 : index
      %swap3A_447 = tpu.vector_load %arg8[%swap3A_445, %swap3A_446] {strides = array<i32>} : memref<80x128xf32, #tpu.memory_space<vmem>>, vector<16xf32>,
      tpu.vector_store %arg8[%swap3A_445, %swap3A_446], %broadcast_in_dim3A_3 {strides = array<i32>} : memref<80x128xf32, #tpu.memory_space<vmem>>, vector<16xf32>,
      %swap3A_448 = arith.index_cast %scan3A_442 : i32 to index
      %swap3A_449 = arith.constant 32 : index
      %swap3A_450 = tpu.vector_load %arg8[%swap3A_448, %swap3A_449] {strides = array<i32>} : memref<80x128xf32, #tpu.memory_space<vmem>>, vector<16xf32>,
      tpu.vector_store %arg8[%swap3A_448, %swap3A_449], %broadcast_in_dim3A_3 {strides = array<i32>} : memref<80x128xf32, #tpu.memory_space<vmem>>, vector<16xf32>,
      %swap3A_451 = arith.index_cast %scan3A_442 : i32 to index
      %swap3A_452 = arith.constant 48 : index
      %swap3A_453 = tpu.vector_load %arg8[%swap3A_451, %swap3A_452] {strides = array<i32>} : memref<80x128xf32, #tpu.memory_space<vmem>>, vector<16xf32>,
      tpu.vector_store %arg8[%swap3A_451, %swap3A_452], %broadcast_in_dim3A_3 {strides = array<i32>} : memref<80x128xf32, #tpu.memory_space<vmem>>, vector<16xf32>,
      %swap3A_454 = arith.index_cast %scan3A_442 : i32 to index
      %swap3A_455 = arith.constant 64 : index
      %swap3A_456 = tpu.vector_load %arg8[%swap3A_454, %swap3A_455] {strides = array<i32>} : memref<80x128xf32, #tpu.memory_space<vmem>>, vector<16xf32>,
      tpu.vector_store %arg8[%swap3A_454, %swap3A_455], %broadcast_in_dim3A_3 {strides = array<i32>} : memref<80x128xf32, #tpu.memory_space<vmem>>, vector<16xf32>,
      %swap3A_457 = arith.index_cast %scan3A_442 : i32 to index
      %swap3A_458 = arith.constant 80 : index
      %swap3A_459 = tpu.vector_load %arg8[%swap3A_457, %swap3A_458] {strides = array<i32>} : memref<80x128xf32, #tpu.memory_space<vmem>>, vector<16xf32>,
      tpu.vector_store %arg8[%swap3A_457, %swap3A_458], %broadcast_in_dim3A_3 {strides = array<i32>} : memref<80x128xf32, #tpu.memory_space<vmem>>, vector<16xf32>,
      %swap3A_460 = arith.index_cast %scan3A_442 : i32 to index
      %swap3A_461 = arith.constant 96 : index
      %swap3A_462 = tpu.vector_load %arg8[%swap3A_460, %swap3A_461] {strides = array<i32>} : memref<80x128xf32, #tpu.memory_space<vmem>>, vector<16xf32>,
      tpu.vector_store %arg8[%swap3A_460, %swap3A_461], %broadcast_in_dim3A_3 {strides = array<i32>} : memref<80x128xf32, #tpu.memory_space<vmem>>, vector<16xf32>,
      %swap3A_463 = arith.index_cast %scan3A_442 : i32 to index
      %swap3A_464 = arith.constant 112 : index
      %swap3A_465 = tpu.vector_load %arg8[%swap3A_463, %swap3A_464] {strides = array<i32>} : memref<80x128xf32, #tpu.memory_space<vmem>>, vector<16xf32>,
      tpu.vector_store %arg8[%swap3A_463, %swap3A_464], %broadcast_in_dim3A_3 {strides = array<i32>} : memref<80x128xf32, #tpu.memory_space<vmem>>, vector<16xf32>,
    }
    %scan3A_27 = arith.constant 48 : i32
    %mul3A_28 = arith.constant 624 : i32
    %mul3A_29 = arith.muli %arg1, %mul3A_28 : i32
    %add3A_30 = arith.constant 0 : i32
    %add3A_31 = arith.addi %mul3A_29, %add3A_30 : i32
    %dma_start3A_32 = arith.constant 0 : i32
    %dma_start3A_33 = arith.constant 0 : i32
    %dma_start3A_34 = tpu.memref_slice %arg8[%dma_start3A_32, %dma_start3A_33] : memref<80x128xf32, #tpu.memory_space<vmem>> -> memref<48x128xf32, #tpu.memory_space<vmem>>
    %dma_start3A_35 = arith.constant 0 : i32
    %dma_start3A_36 = tpu.memref_slice %arg12[%add3A_31, %dma_start3A_35] : memref<10000x128xf32, #tpu.memory_space<vmem_shared>> -> memref<48x128xf32, #tpu.memory_space<vmem_shared>>
    %dma_start3A_37 = arith.constant 0 : i32
    %dma_start3A_38 = tpu.memref_slice %arg12[%add3A_31, %dma_start3A_37] : memref<10000x128xf32, #tpu.memory_space<vmem_shared>> -> memref<48x128xf32, #tpu.memory_space<vmem_shared>>
    %dma_start3A_39 = arith.constant 0 : i32
    %dma_start3A_40 = arith.constant 0 : i32
    %dma_start3A_41 = tpu.memref_slice %arg8[%dma_start3A_39, %dma_start3A_40] : memref<80x128xf32, #tpu.memory_space<vmem>> -> memref<48x128xf32, #tpu.memory_space<vmem>>
    tpu.enqueue_dma source(%dma_start3A_41 : memref<48x128xf32, #tpu.memory_space<vmem>>) target(%dma_start3A_38 : memref<48x128xf32, #tpu.memory_space<vmem_shared>>) target_semaphore(%arg16 : memref<!tpu.dma_semaphore, #tpu.memory_space<semaphore_mem>>)
    %mul3A_42 = arith.constant 624 : i32
    %mul3A_43 = arith.muli %arg1, %mul3A_42 : i32
    %add3A_44 = arith.constant 48 : i32
    %add3A_45 = arith.addi %mul3A_43, %add3A_44 : i32
    %dma_start3A_46 = arith.constant 0 : i32
    %dma_start3A_47 = arith.constant 0 : i32
    %dma_start3A_48 = tpu.memref_slice %arg8[%dma_start3A_46, %dma_start3A_47] : memref<80x128xf32, #tpu.memory_space<vmem>> -> memref<48x128xf32, #tpu.memory_space<vmem>>
    %dma_start3A_49 = arith.constant 0 : i32
    %dma_start3A_50 = tpu.memref_slice %arg12[%add3A_45, %dma_start3A_49] : memref<10000x128xf32, #tpu.memory_space<vmem_shared>> -> memref<48x128xf32, #tpu.memory_space<vmem_shared>>
    %dma_start3A_51 = arith.constant 0 : i32
    %dma_start3A_52 = tpu.memref_slice %arg12[%add3A_45, %dma_start3A_51] : memref<10000x128xf32, #tpu.memory_space<vmem_shared>> -> memref<48x128xf32, #tpu.memory_space<vmem_shared>>
    %dma_start3A_53 = arith.constant 0 : i32
    %dma_start3A_54 = arith.constant 0 : i32
    %dma_start3A_55 = tpu.memref_slice %arg8[%dma_start3A_53, %dma_start3A_54] : memref<80x128xf32, #tpu.memory_space<vmem>> -> memref<48x128xf32, #tpu.memory_space<vmem>>
    tpu.enqueue_dma source(%dma_start3A_55 : memref<48x128xf32, #tpu.memory_space<vmem>>) target(%dma_start3A_52 : memref<48x128xf32, #tpu.memory_space<vmem_shared>>) target_semaphore(%arg16 : memref<!tpu.dma_semaphore, #tpu.memory_space<semaphore_mem>>)
    %mul3A_56 = arith.constant 624 : i32
    %mul3A_57 = arith.muli %arg1, %mul3A_56 : i32
    %add3A_58 = arith.constant 96 : i32
    %add3A_59 = arith.addi %mul3A_57, %add3A_58 : i32
    %dma_start3A_60 = arith.constant 0 : i32
    %dma_start3A_61 = arith.constant 0 : i32
    %dma_start3A_62 = tpu.memref_slice %arg8[%dma_start3A_60, %dma_start3A_61] : memref<80x128xf32, #tpu.memory_space<vmem>> -> memref<48x128xf32, #tpu.memory_space<vmem>>
    %dma_start3A_63 = arith.constant 0 : i32
    %dma_start3A_64 = tpu.memref_slice %arg12[%add3A_59, %dma_start3A_63] : memref<10000x128xf32, #tpu.memory_space<vmem_shared>> -> memref<48x128xf32, #tpu.memory_space<vmem_shared>>
    %dma_start3A_65 = arith.constant 0 : i32
    %dma_start3A_66 = tpu.memref_slice %arg12[%add3A_59, %dma_start3A_65] : memref<10000x128xf32, #tpu.memory_space<vmem_shared>> -> memref<48x128xf32, #tpu.memory_space<vmem_shared>>
    %dma_start3A_67 = arith.constant 0 : i32
    %dma_start3A_68 = arith.constant 0 : i32
    %dma_start3A_69 = tpu.memref_slice %arg8[%dma_start3A_67, %dma_start3A_68] : memref<80x128xf32, #tpu.memory_space<vmem>> -> memref<48x128xf32, #tpu.memory_space<vmem>>
    tpu.enqueue_dma source(%dma_start3A_69 : memref<48x128xf32, #tpu.memory_space<vmem>>) target(%dma_start3A_66 : memref<48x128xf32, #tpu.memory_space<vmem_shared>>) target_semaphore(%arg16 : memref<!tpu.dma_semaphore, #tpu.memory_space<semaphore_mem>>)
    %mul3A_70 = arith.constant 624 : i32
    %mul3A_71 = arith.muli %arg1, %mul3A_70 : i32
    %add3A_72 = arith.constant 144 : i32
    %add3A_73 = arith.addi %mul3A_71, %add3A_72 : i32
    %dma_start3A_74 = arith.constant 0 : i32
    %dma_start3A_75 = arith.constant 0 : i32
    %dma_start3A_76 = tpu.memref_slice %arg8[%dma_start3A_74, %dma_start3A_75] : memref<80x128xf32, #tpu.memory_space<vmem>> -> memref<48x128xf32, #tpu.memory_space<vmem>>
    %dma_start3A_77 = arith.constant 0 : i32
    %dma_start3A_78 = tpu.memref_slice %arg12[%add3A_73, %dma_start3A_77] : memref<10000x128xf32, #tpu.memory_space<vmem_shared>> -> memref<48x128xf32, #tpu.memory_space<vmem_shared>>
    %dma_start3A_79 = arith.constant 0 : i32
    %dma_start3A_80 = tpu.memref_slice %arg12[%add3A_73, %dma_start3A_79] : memref<10000x128xf32, #tpu.memory_space<vmem_shared>> -> memref<48x128xf32, #tpu.memory_space<vmem_shared>>
    %dma_start3A_81 = arith.constant 0 : i32
    %dma_start3A_82 = arith.constant 0 : i32
    %dma_start3A_83 = tpu.memref_slice %arg8[%dma_start3A_81, %dma_start3A_82] : memref<80x128xf32, #tpu.memory_space<vmem>> -> memref<48x128xf32, #tpu.memory_space<vmem>>
    tpu.enqueue_dma source(%dma_start3A_83 : memref<48x128xf32, #tpu.memory_space<vmem>>) target(%dma_start3A_80 : memref<48x128xf32, #tpu.memory_space<vmem_shared>>) target_semaphore(%arg16 : memref<!tpu.dma_semaphore, #tpu.memory_space<semaphore_mem>>)
    %mul3A_84 = arith.constant 624 : i32
    %mul3A_85 = arith.muli %arg1, %mul3A_84 : i32
    %add3A_86 = arith.constant 192 : i32
    %add3A_87 = arith.addi %mul3A_85, %add3A_86 : i32
    %dma_start3A_88 = arith.constant 0 : i32
    %dma_start3A_89 = arith.constant 0 : i32
    %dma_start3A_90 = tpu.memref_slice %arg8[%dma_start3A_88, %dma_start3A_89] : memref<80x128xf32, #tpu.memory_space<vmem>> -> memref<48x128xf32, #tpu.memory_space<vmem>>
    %dma_start3A_91 = arith.constant 0 : i32
    %dma_start3A_92 = tpu.memref_slice %arg12[%add3A_87, %dma_start3A_91] : memref<10000x128xf32, #tpu.memory_space<vmem_shared>> -> memref<48x128xf32, #tpu.memory_space<vmem_shared>>
    %dma_start3A_93 = arith.constant 0 : i32
    %dma_start3A_94 = tpu.memref_slice %arg12[%add3A_87, %dma_start3A_93] : memref<10000x128xf32, #tpu.memory_space<vmem_shared>> -> memref<48x128xf32, #tpu.memory_space<vmem_shared>>
    %dma_start3A_95 = arith.constant 0 : i32
    %dma_start3A_96 = arith.constant 0 : i32
    %dma_start3A_97 = tpu.memref_slice %arg8[%dma_start3A_95, %dma_start3A_96] : memref<80x128xf32, #tpu.memory_space<vmem>> -> memref<48x128xf32, #tpu.memory_space<vmem>>
    tpu.enqueue_dma source(%dma_start3A_97 : memref<48x128xf32, #tpu.memory_space<vmem>>) target(%dma_start3A_94 : memref<48x128xf32, #tpu.memory_space<vmem_shared>>) target_semaphore(%arg16 : memref<!tpu.dma_semaphore, #tpu.memory_space<semaphore_mem>>)
    %mul3A_98 = arith.constant 624 : i32
    %mul3A_99 = arith.muli %arg1, %mul3A_98 : i32
    %add3A_100 = arith.constant 240 : i32
    %add3A_101 = arith.addi %mul3A_99, %add3A_100 : i32
    %dma_start3A_102 = arith.constant 0 : i32
    %dma_start3A_103 = arith.constant 0 : i32
    %dma_start3A_104 = tpu.memref_slice %arg8[%dma_start3A_102, %dma_start3A_103] : memref<80x128xf32, #tpu.memory_space<vmem>> -> memref<48x128xf32, #tpu.memory_space<vmem>>
    %dma_start3A_105 = arith.constant 0 : i32
    %dma_start3A_106 = tpu.memref_slice %arg12[%add3A_101, %dma_start3A_105] : memref<10000x128xf32, #tpu.memory_space<vmem_shared>> -> memref<48x128xf32, #tpu.memory_space<vmem_shared>>
    %dma_start3A_107 = arith.constant 0 : i32
    %dma_start3A_108 = tpu.memref_slice %arg12[%add3A_101, %dma_start3A_107] : memref<10000x128xf32, #tpu.memory_space<vmem_shared>> -> memref<48x128xf32, #tpu.memory_space<vmem_shared>>
    %dma_start3A_109 = arith.constant 0 : i32
    %dma_start3A_110 = arith.constant 0 : i32
    %dma_start3A_111 = tpu.memref_slice %arg8[%dma_start3A_109, %dma_start3A_110] : memref<80x128xf32, #tpu.memory_space<vmem>> -> memref<48x128xf32, #tpu.memory_space<vmem>>
    tpu.enqueue_dma source(%dma_start3A_111 : memref<48x128xf32, #tpu.memory_space<vmem>>) target(%dma_start3A_108 : memref<48x128xf32, #tpu.memory_space<vmem_shared>>) target_semaphore(%arg16 : memref<!tpu.dma_semaphore, #tpu.memory_space<semaphore_mem>>)
    %mul3A_112 = arith.constant 624 : i32
    %mul3A_113 = arith.muli %arg1, %mul3A_112 : i32
    %add3A_114 = arith.constant 288 : i32
    %add3A_115 = arith.addi %mul3A_113, %add3A_114 : i32
    %dma_start3A_116 = arith.constant 0 : i32
    %dma_start3A_117 = arith.constant 0 : i32
    %dma_start3A_118 = tpu.memref_slice %arg8[%dma_start3A_116, %dma_start3A_117] : memref<80x128xf32, #tpu.memory_space<vmem>> -> memref<48x128xf32, #tpu.memory_space<vmem>>
    %dma_start3A_119 = arith.constant 0 : i32
    %dma_start3A_120 = tpu.memref_slice %arg12[%add3A_115, %dma_start3A_119] : memref<10000x128xf32, #tpu.memory_space<vmem_shared>> -> memref<48x128xf32, #tpu.memory_space<vmem_shared>>
    %dma_start3A_121 = arith.constant 0 : i32
    %dma_start3A_122 = tpu.memref_slice %arg12[%add3A_115, %dma_start3A_121] : memref<10000x128xf32, #tpu.memory_space<vmem_shared>> -> memref<48x128xf32, #tpu.memory_space<vmem_shared>>
    %dma_start3A_123 = arith.constant 0 : i32
    %dma_start3A_124 = arith.constant 0 : i32
    %dma_start3A_125 = tpu.memref_slice %arg8[%dma_start3A_123, %dma_start3A_124] : memref<80x128xf32, #tpu.memory_space<vmem>> -> memref<48x128xf32, #tpu.memory_space<vmem>>
    tpu.enqueue_dma source(%dma_start3A_125 : memref<48x128xf32, #tpu.memory_space<vmem>>) target(%dma_start3A_122 : memref<48x128xf32, #tpu.memory_space<vmem_shared>>) target_semaphore(%arg16 : memref<!tpu.dma_semaphore, #tpu.memory_space<semaphore_mem>>)
    %mul3A_126 = arith.constant 624 : i32
    %mul3A_127 = arith.muli %arg1, %mul3A_126 : i32
    %add3A_128 = arith.constant 336 : i32
    %add3A_129 = arith.addi %mul3A_127, %add3A_128 : i32
    %dma_start3A_130 = arith.constant 0 : i32
    %dma_start3A_131 = arith.constant 0 : i32
    %dma_start3A_132 = tpu.memref_slice %arg8[%dma_start3A_130, %dma_start3A_131] : memref<80x128xf32, #tpu.memory_space<vmem>> -> memref<48x128xf32, #tpu.memory_space<vmem>>
    %dma_start3A_133 = arith.constant 0 : i32
    %dma_start3A_134 = tpu.memref_slice %arg12[%add3A_129, %dma_start3A_133] : memref<10000x128xf32, #tpu.memory_space<vmem_shared>> -> memref<48x128xf32, #tpu.memory_space<vmem_shared>>
    %dma_start3A_135 = arith.constant 0 : i32
    %dma_start3A_136 = tpu.memref_slice %arg12[%add3A_129, %dma_start3A_135] : memref<10000x128xf32, #tpu.memory_space<vmem_shared>> -> memref<48x128xf32, #tpu.memory_space<vmem_shared>>
    %dma_start3A_137 = arith.constant 0 : i32
    %dma_start3A_138 = arith.constant 0 : i32
    %dma_start3A_139 = tpu.memref_slice %arg8[%dma_start3A_137, %dma_start3A_138] : memref<80x128xf32, #tpu.memory_space<vmem>> -> memref<48x128xf32, #tpu.memory_space<vmem>>
    tpu.enqueue_dma source(%dma_start3A_139 : memref<48x128xf32, #tpu.memory_space<vmem>>) target(%dma_start3A_136 : memref<48x128xf32, #tpu.memory_space<vmem_shared>>) target_semaphore(%arg16 : memref<!tpu.dma_semaphore, #tpu.memory_space<semaphore_mem>>)
    %mul3A_140 = arith.constant 624 : i32
    %mul3A_141 = arith.muli %arg1, %mul3A_140 : i32
    %add3A_142 = arith.constant 384 : i32
    %add3A_143 = arith.addi %mul3A_141, %add3A_142 : i32
    %dma_start3A_144 = arith.constant 0 : i32
    %dma_start3A_145 = arith.constant 0 : i32
    %dma_start3A_146 = tpu.memref_slice %arg8[%dma_start3A_144, %dma_start3A_145] : memref<80x128xf32, #tpu.memory_space<vmem>> -> memref<48x128xf32, #tpu.memory_space<vmem>>
    %dma_start3A_147 = arith.constant 0 : i32
    %dma_start3A_148 = tpu.memref_slice %arg12[%add3A_143, %dma_start3A_147] : memref<10000x128xf32, #tpu.memory_space<vmem_shared>> -> memref<48x128xf32, #tpu.memory_space<vmem_shared>>
    %dma_start3A_149 = arith.constant 0 : i32
    %dma_start3A_150 = tpu.memref_slice %arg12[%add3A_143, %dma_start3A_149] : memref<10000x128xf32, #tpu.memory_space<vmem_shared>> -> memref<48x128xf32, #tpu.memory_space<vmem_shared>>
    %dma_start3A_151 = arith.constant 0 : i32
    %dma_start3A_152 = arith.constant 0 : i32
    %dma_start3A_153 = tpu.memref_slice %arg8[%dma_start3A_151, %dma_start3A_152] : memref<80x128xf32, #tpu.memory_space<vmem>> -> memref<48x128xf32, #tpu.memory_space<vmem>>
    tpu.enqueue_dma source(%dma_start3A_153 : memref<48x128xf32, #tpu.memory_space<vmem>>) target(%dma_start3A_150 : memref<48x128xf32, #tpu.memory_space<vmem_shared>>) target_semaphore(%arg16 : memref<!tpu.dma_semaphore, #tpu.memory_space<semaphore_mem>>)
    %mul3A_154 = arith.constant 624 : i32
    %mul3A_155 = arith.muli %arg1, %mul3A_154 : i32
    %add3A_156 = arith.constant 432 : i32
    %add3A_157 = arith.addi %mul3A_155, %add3A_156 : i32
    %dma_start3A_158 = arith.constant 0 : i32
    %dma_start3A_159 = arith.constant 0 : i32
    %dma_start3A_160 = tpu.memref_slice %arg8[%dma_start3A_158, %dma_start3A_159] : memref<80x128xf32, #tpu.memory_space<vmem>> -> memref<48x128xf32, #tpu.memory_space<vmem>>
    %dma_start3A_161 = arith.constant 0 : i32
    %dma_start3A_162 = tpu.memref_slice %arg12[%add3A_157, %dma_start3A_161] : memref<10000x128xf32, #tpu.memory_space<vmem_shared>> -> memref<48x128xf32, #tpu.memory_space<vmem_shared>>
    %dma_start3A_163 = arith.constant 0 : i32
    %dma_start3A_164 = tpu.memref_slice %arg12[%add3A_157, %dma_start3A_163] : memref<10000x128xf32, #tpu.memory_space<vmem_shared>> -> memref<48x128xf32, #tpu.memory_space<vmem_shared>>
    %dma_start3A_165 = arith.constant 0 : i32
    %dma_start3A_166 = arith.constant 0 : i32
    %dma_start3A_167 = tpu.memref_slice %arg8[%dma_start3A_165, %dma_start3A_166] : memref<80x128xf32, #tpu.memory_space<vmem>> -> memref<48x128xf32, #tpu.memory_space<vmem>>
    tpu.enqueue_dma source(%dma_start3A_167 : memref<48x128xf32, #tpu.memory_space<vmem>>) target(%dma_start3A_164 : memref<48x128xf32, #tpu.memory_space<vmem_shared>>) target_semaphore(%arg16 : memref<!tpu.dma_semaphore, #tpu.memory_space<semaphore_mem>>)
    %mul3A_168 = arith.constant 624 : i32
    %mul3A_169 = arith.muli %arg1, %mul3A_168 : i32
    %add3A_170 = arith.constant 480 : i32
    %add3A_171 = arith.addi %mul3A_169, %add3A_170 : i32
    %dma_start3A_172 = arith.constant 0 : i32
    %dma_start3A_173 = arith.constant 0 : i32
    %dma_start3A_174 = tpu.memref_slice %arg8[%dma_start3A_172, %dma_start3A_173] : memref<80x128xf32, #tpu.memory_space<vmem>> -> memref<48x128xf32, #tpu.memory_space<vmem>>
    %dma_start3A_175 = arith.constant 0 : i32
    %dma_start3A_176 = tpu.memref_slice %arg12[%add3A_171, %dma_start3A_175] : memref<10000x128xf32, #tpu.memory_space<vmem_shared>> -> memref<48x128xf32, #tpu.memory_space<vmem_shared>>
    %dma_start3A_177 = arith.constant 0 : i32
    %dma_start3A_178 = tpu.memref_slice %arg12[%add3A_171, %dma_start3A_177] : memref<10000x128xf32, #tpu.memory_space<vmem_shared>> -> memref<48x128xf32, #tpu.memory_space<vmem_shared>>
    %dma_start3A_179 = arith.constant 0 : i32
    %dma_start3A_180 = arith.constant 0 : i32
    %dma_start3A_181 = tpu.memref_slice %arg8[%dma_start3A_179, %dma_start3A_180] : memref<80x128xf32, #tpu.memory_space<vmem>> -> memref<48x128xf32, #tpu.memory_space<vmem>>
    tpu.enqueue_dma source(%dma_start3A_181 : memref<48x128xf32, #tpu.memory_space<vmem>>) target(%dma_start3A_178 : memref<48x128xf32, #tpu.memory_space<vmem_shared>>) target_semaphore(%arg16 : memref<!tpu.dma_semaphore, #tpu.memory_space<semaphore_mem>>)
    %mul3A_182 = arith.constant 624 : i32
    %mul3A_183 = arith.muli %arg1, %mul3A_182 : i32
    %add3A_184 = arith.constant 528 : i32
    %add3A_185 = arith.addi %mul3A_183, %add3A_184 : i32
    %dma_start3A_186 = arith.constant 0 : i32
    %dma_start3A_187 = arith.constant 0 : i32
    %dma_start3A_188 = tpu.memref_slice %arg8[%dma_start3A_186, %dma_start3A_187] : memref<80x128xf32, #tpu.memory_space<vmem>> -> memref<48x128xf32, #tpu.memory_space<vmem>>
    %dma_start3A_189 = arith.constant 0 : i32
    %dma_start3A_190 = tpu.memref_slice %arg12[%add3A_185, %dma_start3A_189] : memref<10000x128xf32, #tpu.memory_space<vmem_shared>> -> memref<48x128xf32, #tpu.memory_space<vmem_shared>>
    %dma_start3A_191 = arith.constant 0 : i32
    %dma_start3A_192 = tpu.memref_slice %arg12[%add3A_185, %dma_start3A_191] : memref<10000x128xf32, #tpu.memory_space<vmem_shared>> -> memref<48x128xf32, #tpu.memory_space<vmem_shared>>
    %dma_start3A_193 = arith.constant 0 : i32
    %dma_start3A_194 = arith.constant 0 : i32
    %dma_start3A_195 = tpu.memref_slice %arg8[%dma_start3A_193, %dma_start3A_194] : memref<80x128xf32, #tpu.memory_space<vmem>> -> memref<48x128xf32, #tpu.memory_space<vmem>>
    tpu.enqueue_dma source(%dma_start3A_195 : memref<48x128xf32, #tpu.memory_space<vmem>>) target(%dma_start3A_192 : memref<48x128xf32, #tpu.memory_space<vmem_shared>>) target_semaphore(%arg16 : memref<!tpu.dma_semaphore, #tpu.memory_space<semaphore_mem>>)
    %mul3A_196 = arith.constant 624 : i32
    %mul3A_197 = arith.muli %arg1, %mul3A_196 : i32
    %add3A_198 = arith.constant 576 : i32
    %add3A_199 = arith.addi %mul3A_197, %add3A_198 : i32
    %dma_start3A_200 = arith.constant 0 : i32
    %dma_start3A_201 = arith.constant 0 : i32
    %dma_start3A_202 = tpu.memref_slice %arg8[%dma_start3A_200, %dma_start3A_201] : memref<80x128xf32, #tpu.memory_space<vmem>> -> memref<48x128xf32, #tpu.memory_space<vmem>>
    %dma_start3A_203 = arith.constant 0 : i32
    %dma_start3A_204 = tpu.memref_slice %arg12[%add3A_199, %dma_start3A_203] : memref<10000x128xf32, #tpu.memory_space<vmem_shared>> -> memref<48x128xf32, #tpu.memory_space<vmem_shared>>
    %dma_start3A_205 = arith.constant 0 : i32
    %dma_start3A_206 = tpu.memref_slice %arg12[%add3A_199, %dma_start3A_205] : memref<10000x128xf32, #tpu.memory_space<vmem_shared>> -> memref<48x128xf32, #tpu.memory_space<vmem_shared>>
    %dma_start3A_207 = arith.constant 0 : i32
    %dma_start3A_208 = arith.constant 0 : i32
    %dma_start3A_209 = tpu.memref_slice %arg8[%dma_start3A_207, %dma_start3A_208] : memref<80x128xf32, #tpu.memory_space<vmem>> -> memref<48x128xf32, #tpu.memory_space<vmem>>
    tpu.enqueue_dma source(%dma_start3A_209 : memref<48x128xf32, #tpu.memory_space<vmem>>) target(%dma_start3A_206 : memref<48x128xf32, #tpu.memory_space<vmem_shared>>) target_semaphore(%arg16 : memref<!tpu.dma_semaphore, #tpu.memory_space<semaphore_mem>>)
    %eq3A = arith.constant 15 : i32
    %eq3A_210 = arith.cmpi eq, %arg1, %eq3A : i32
    %convert_element_type3A = arith.extui %eq3A_210 : i1 to i32
    %cond3A = arith.constant 0 : i32
    %cond3A_211 = arith.cmpi ne, %convert_element_type3A, %cond3A : i32
    scf.if %cond3A_211 {
      %dma_start3A_442 = arith.constant 0 : i32
      %dma_start3A_443 = arith.constant 0 : i32
      %dma_start3A_444 = tpu.memref_slice %arg8[%dma_start3A_442, %dma_start3A_443] : memref<80x128xf32, #tpu.memory_space<vmem>> -> memref<16x128xf32, #tpu.memory_space<vmem>>
      %dma_start3A_445 = arith.constant 9984 : i32
      %dma_start3A_446 = arith.constant 0 : i32
      %dma_start3A_447 = tpu.memref_slice %arg12[%dma_start3A_445, %dma_start3A_446] : memref<10000x128xf32, #tpu.memory_space<vmem_shared>> -> memref<16x128xf32, #tpu.memory_space<vmem_shared>>
      %dma_start3A_448 = arith.constant 9984 : i32
      %dma_start3A_449 = arith.constant 0 : i32
      %dma_start3A_450 = tpu.memref_slice %arg12[%dma_start3A_448, %dma_start3A_449] : memref<10000x128xf32, #tpu.memory_space<vmem_shared>> -> memref<16x128xf32, #tpu.memory_space<vmem_shared>>
      %dma_start3A_451 = arith.constant 0 : i32
      %dma_start3A_452 = arith.constant 0 : i32
      %dma_start3A_453 = tpu.memref_slice %arg8[%dma_start3A_451, %dma_start3A_452] : memref<80x128xf32, #tpu.memory_space<vmem>> -> memref<16x128xf32, #tpu.memory_space<vmem>>
      tpu.enqueue_dma source(%dma_start3A_453 : memref<16x128xf32, #tpu.memory_space<vmem>>) target(%dma_start3A_450 : memref<16x128xf32, #tpu.memory_space<vmem_shared>>) target_semaphore(%arg17 : memref<!tpu.dma_semaphore, #tpu.memory_space<semaphore_mem>>)
    } else {
    }
    %scan3A_212 = arith.constant 0 : i32
    %scan3A_213 = arith.constant 0 : i32
    %scan3A_214 = arith.constant 625 : i32
    %scan3A_215 = arith.addi %scan3A_213, %scan3A_214 : i32
    %scan3A_216 = arith.constant 1 : i32
    scf.for %scan3A_442 = %scan3A_213 to %scan3A_215 step %scan3A_216  : i32 {
      %mul3A_443 = arith.constant 16 : i32
      %mul3A_444 = arith.muli %scan3A_442, %mul3A_443 : i32
      %swap3A = arith.constant 0 : i32
      %swap3A_445 = arith.index_cast %swap3A : i32 to index
      %swap3A_446 = arith.index_cast %mul3A_444 : i32 to index
      %swap3A_447 = tpu.vector_load %arg11[%swap3A_445, %swap3A_446] {strides = array<i32>} : memref<1x10000xf32, #tpu.memory_space<vmem>>, vector<16xf32>,
      tpu.vector_store %arg11[%swap3A_445, %swap3A_446], %broadcast_in_dim3A_3 {strides = array<i32>} : memref<1x10000xf32, #tpu.memory_space<vmem>>, vector<16xf32>,
    }
    %scan3A_217 = arith.constant 625 : i32
    %mul3A_218 = arith.constant 624 : i32
    %mul3A_219 = arith.muli %arg1, %mul3A_218 : i32
    %add3A_220 = arith.constant 0 : i32
    %add3A_221 = arith.addi %mul3A_219, %add3A_220 : i32
    %dma_wait3A = arith.constant 0 : i32
    %dma_wait3A_222 = arith.constant 0 : i32
    %dma_wait3A_223 = tpu.memref_slice %arg8[%dma_wait3A, %dma_wait3A_222] : memref<80x128xf32, #tpu.memory_space<vmem>> -> memref<48x128xf32, #tpu.memory_space<vmem>>
    %dma_wait3A_224 = arith.constant 0 : i32
    %dma_wait3A_225 = tpu.memref_slice %arg12[%add3A_221, %dma_wait3A_224] : memref<10000x128xf32, #tpu.memory_space<vmem_shared>> -> memref<48x128xf32, #tpu.memory_space<vmem_shared>>
    %dma_wait3A_226 = arith.constant 0 : i32
    %dma_wait3A_227 = tpu.memref_slice %arg12[%add3A_221, %dma_wait3A_226] : memref<10000x128xf32, #tpu.memory_space<vmem_shared>> -> memref<48x128xf32, #tpu.memory_space<vmem_shared>>
    %dma_wait3A_228 = arith.constant 0 : i32
    %dma_wait3A_229 = arith.constant 0 : i32
    %dma_wait3A_230 = tpu.memref_slice %arg8[%dma_wait3A_228, %dma_wait3A_229] : memref<80x128xf32, #tpu.memory_space<vmem>> -> memref<48x128xf32, #tpu.memory_space<vmem>>
    tpu.wait_dma2 semaphore(%arg16 : memref<!tpu.dma_semaphore, #tpu.memory_space<semaphore_mem>>) src(%dma_wait3A_230 : memref<48x128xf32, #tpu.memory_space<vmem>>) dst(%dma_wait3A_227 : memref<48x128xf32, #tpu.memory_space<vmem_shared>>)
    %mul3A_231 = arith.constant 624 : i32
    %mul3A_232 = arith.muli %arg1, %mul3A_231 : i32
    %add3A_233 = arith.constant 48 : i32
    %add3A_234 = arith.addi %mul3A_232, %add3A_233 : i32
    %dma_wait3A_235 = arith.constant 0 : i32
    %dma_wait3A_236 = arith.constant 0 : i32
    %dma_wait3A_237 = tpu.memref_slice %arg8[%dma_wait3A_235, %dma_wait3A_236] : memref<80x128xf32, #tpu.memory_space<vmem>> -> memref<48x128xf32, #tpu.memory_space<vmem>>
    %dma_wait3A_238 = arith.constant 0 : i32
    %dma_wait3A_239 = tpu.memref_slice %arg12[%add3A_234, %dma_wait3A_238] : memref<10000x128xf32, #tpu.memory_space<vmem_shared>> -> memref<48x128xf32, #tpu.memory_space<vmem_shared>>
    %dma_wait3A_240 = arith.constant 0 : i32
    %dma_wait3A_241 = tpu.memref_slice %arg12[%add3A_234, %dma_wait3A_240] : memref<10000x128xf32, #tpu.memory_space<vmem_shared>> -> memref<48x128xf32, #tpu.memory_space<vmem_shared>>
    %dma_wait3A_242 = arith.constant 0 : i32
    %dma_wait3A_243 = arith.constant 0 : i32
    %dma_wait3A_244 = tpu.memref_slice %arg8[%dma_wait3A_242, %dma_wait3A_243] : memref<80x128xf32, #tpu.memory_space<vmem>> -> memref<48x128xf32, #tpu.memory_space<vmem>>
    tpu.wait_dma2 semaphore(%arg16 : memref<!tpu.dma_semaphore, #tpu.memory_space<semaphore_mem>>) src(%dma_wait3A_244 : memref<48x128xf32, #tpu.memory_space<vmem>>) dst(%dma_wait3A_241 : memref<48x128xf32, #tpu.memory_space<vmem_shared>>)
    %mul3A_245 = arith.constant 624 : i32
    %mul3A_246 = arith.muli %arg1, %mul3A_245 : i32
    %add3A_247 = arith.constant 96 : i32
    %add3A_248 = arith.addi %mul3A_246, %add3A_247 : i32
    %dma_wait3A_249 = arith.constant 0 : i32
    %dma_wait3A_250 = arith.constant 0 : i32
    %dma_wait3A_251 = tpu.memref_slice %arg8[%dma_wait3A_249, %dma_wait3A_250] : memref<80x128xf32, #tpu.memory_space<vmem>> -> memref<48x128xf32, #tpu.memory_space<vmem>>
    %dma_wait3A_252 = arith.constant 0 : i32
    %dma_wait3A_253 = tpu.memref_slice %arg12[%add3A_248, %dma_wait3A_252] : memref<10000x128xf32, #tpu.memory_space<vmem_shared>> -> memref<48x128xf32, #tpu.memory_space<vmem_shared>>
    %dma_wait3A_254 = arith.constant 0 : i32
    %dma_wait3A_255 = tpu.memref_slice %arg12[%add3A_248, %dma_wait3A_254] : memref<10000x128xf32, #tpu.memory_space<vmem_shared>> -> memref<48x128xf32, #tpu.memory_space<vmem_shared>>
    %dma_wait3A_256 = arith.constant 0 : i32
    %dma_wait3A_257 = arith.constant 0 : i32
    %dma_wait3A_258 = tpu.memref_slice %arg8[%dma_wait3A_256, %dma_wait3A_257] : memref<80x128xf32, #tpu.memory_space<vmem>> -> memref<48x128xf32, #tpu.memory_space<vmem>>
    tpu.wait_dma2 semaphore(%arg16 : memref<!tpu.dma_semaphore, #tpu.memory_space<semaphore_mem>>) src(%dma_wait3A_258 : memref<48x128xf32, #tpu.memory_space<vmem>>) dst(%dma_wait3A_255 : memref<48x128xf32, #tpu.memory_space<vmem_shared>>)
    %mul3A_259 = arith.constant 624 : i32
    %mul3A_260 = arith.muli %arg1, %mul3A_259 : i32
    %add3A_261 = arith.constant 144 : i32
    %add3A_262 = arith.addi %mul3A_260, %add3A_261 : i32
    %dma_wait3A_263 = arith.constant 0 : i32
    %dma_wait3A_264 = arith.constant 0 : i32
    %dma_wait3A_265 = tpu.memref_slice %arg8[%dma_wait3A_263, %dma_wait3A_264] : memref<80x128xf32, #tpu.memory_space<vmem>> -> memref<48x128xf32, #tpu.memory_space<vmem>>
    %dma_wait3A_266 = arith.constant 0 : i32
    %dma_wait3A_267 = tpu.memref_slice %arg12[%add3A_262, %dma_wait3A_266] : memref<10000x128xf32, #tpu.memory_space<vmem_shared>> -> memref<48x128xf32, #tpu.memory_space<vmem_shared>>
    %dma_wait3A_268 = arith.constant 0 : i32
    %dma_wait3A_269 = tpu.memref_slice %arg12[%add3A_262, %dma_wait3A_268] : memref<10000x128xf32, #tpu.memory_space<vmem_shared>> -> memref<48x128xf32, #tpu.memory_space<vmem_shared>>
    %dma_wait3A_270 = arith.constant 0 : i32
    %dma_wait3A_271 = arith.constant 0 : i32
    %dma_wait3A_272 = tpu.memref_slice %arg8[%dma_wait3A_270, %dma_wait3A_271] : memref<80x128xf32, #tpu.memory_space<vmem>> -> memref<48x128xf32, #tpu.memory_space<vmem>>
    tpu.wait_dma2 semaphore(%arg16 : memref<!tpu.dma_semaphore, #tpu.memory_space<semaphore_mem>>) src(%dma_wait3A_272 : memref<48x128xf32, #tpu.memory_space<vmem>>) dst(%dma_wait3A_269 : memref<48x128xf32, #tpu.memory_space<vmem_shared>>)
    %mul3A_273 = arith.constant 624 : i32
    %mul3A_274 = arith.muli %arg1, %mul3A_273 : i32
    %add3A_275 = arith.constant 192 : i32
    %add3A_276 = arith.addi %mul3A_274, %add3A_275 : i32
    %dma_wait3A_277 = arith.constant 0 : i32
    %dma_wait3A_278 = arith.constant 0 : i32
    %dma_wait3A_279 = tpu.memref_slice %arg8[%dma_wait3A_277, %dma_wait3A_278] : memref<80x128xf32, #tpu.memory_space<vmem>> -> memref<48x128xf32, #tpu.memory_space<vmem>>
    %dma_wait3A_280 = arith.constant 0 : i32
    %dma_wait3A_281 = tpu.memref_slice %arg12[%add3A_276, %dma_wait3A_280] : memref<10000x128xf32, #tpu.memory_space<vmem_shared>> -> memref<48x128xf32, #tpu.memory_space<vmem_shared>>
    %dma_wait3A_282 = arith.constant 0 : i32
    %dma_wait3A_283 = tpu.memref_slice %arg12[%add3A_276, %dma_wait3A_282] : memref<10000x128xf32, #tpu.memory_space<vmem_shared>> -> memref<48x128xf32, #tpu.memory_space<vmem_shared>>
    %dma_wait3A_284 = arith.constant 0 : i32
    %dma_wait3A_285 = arith.constant 0 : i32
    %dma_wait3A_286 = tpu.memref_slice %arg8[%dma_wait3A_284, %dma_wait3A_285] : memref<80x128xf32, #tpu.memory_space<vmem>> -> memref<48x128xf32, #tpu.memory_space<vmem>>
    tpu.wait_dma2 semaphore(%arg16 : memref<!tpu.dma_semaphore, #tpu.memory_space<semaphore_mem>>) src(%dma_wait3A_286 : memref<48x128xf32, #tpu.memory_space<vmem>>) dst(%dma_wait3A_283 : memref<48x128xf32, #tpu.memory_space<vmem_shared>>)
    %mul3A_287 = arith.constant 624 : i32
    %mul3A_288 = arith.muli %arg1, %mul3A_287 : i32
    %add3A_289 = arith.constant 240 : i32
    %add3A_290 = arith.addi %mul3A_288, %add3A_289 : i32
    %dma_wait3A_291 = arith.constant 0 : i32
    %dma_wait3A_292 = arith.constant 0 : i32
    %dma_wait3A_293 = tpu.memref_slice %arg8[%dma_wait3A_291, %dma_wait3A_292] : memref<80x128xf32, #tpu.memory_space<vmem>> -> memref<48x128xf32, #tpu.memory_space<vmem>>
    %dma_wait3A_294 = arith.constant 0 : i32
    %dma_wait3A_295 = tpu.memref_slice %arg12[%add3A_290, %dma_wait3A_294] : memref<10000x128xf32, #tpu.memory_space<vmem_shared>> -> memref<48x128xf32, #tpu.memory_space<vmem_shared>>
    %dma_wait3A_296 = arith.constant 0 : i32
    %dma_wait3A_297 = tpu.memref_slice %arg12[%add3A_290, %dma_wait3A_296] : memref<10000x128xf32, #tpu.memory_space<vmem_shared>> -> memref<48x128xf32, #tpu.memory_space<vmem_shared>>
    %dma_wait3A_298 = arith.constant 0 : i32
    %dma_wait3A_299 = arith.constant 0 : i32
    %dma_wait3A_300 = tpu.memref_slice %arg8[%dma_wait3A_298, %dma_wait3A_299] : memref<80x128xf32, #tpu.memory_space<vmem>> -> memref<48x128xf32, #tpu.memory_space<vmem>>
    tpu.wait_dma2 semaphore(%arg16 : memref<!tpu.dma_semaphore, #tpu.memory_space<semaphore_mem>>) src(%dma_wait3A_300 : memref<48x128xf32, #tpu.memory_space<vmem>>) dst(%dma_wait3A_297 : memref<48x128xf32, #tpu.memory_space<vmem_shared>>)
    %mul3A_301 = arith.constant 624 : i32
    %mul3A_302 = arith.muli %arg1, %mul3A_301 : i32
    %add3A_303 = arith.constant 288 : i32
    %add3A_304 = arith.addi %mul3A_302, %add3A_303 : i32
    %dma_wait3A_305 = arith.constant 0 : i32
    %dma_wait3A_306 = arith.constant 0 : i32
    %dma_wait3A_307 = tpu.memref_slice %arg8[%dma_wait3A_305, %dma_wait3A_306] : memref<80x128xf32, #tpu.memory_space<vmem>> -> memref<48x128xf32, #tpu.memory_space<vmem>>
    %dma_wait3A_308 = arith.constant 0 : i32
    %dma_wait3A_309 = tpu.memref_slice %arg12[%add3A_304, %dma_wait3A_308] : memref<10000x128xf32, #tpu.memory_space<vmem_shared>> -> memref<48x128xf32, #tpu.memory_space<vmem_shared>>
    %dma_wait3A_310 = arith.constant 0 : i32
    %dma_wait3A_311 = tpu.memref_slice %arg12[%add3A_304, %dma_wait3A_310] : memref<10000x128xf32, #tpu.memory_space<vmem_shared>> -> memref<48x128xf32, #tpu.memory_space<vmem_shared>>
    %dma_wait3A_312 = arith.constant 0 : i32
    %dma_wait3A_313 = arith.constant 0 : i32
    %dma_wait3A_314 = tpu.memref_slice %arg8[%dma_wait3A_312, %dma_wait3A_313] : memref<80x128xf32, #tpu.memory_space<vmem>> -> memref<48x128xf32, #tpu.memory_space<vmem>>
    tpu.wait_dma2 semaphore(%arg16 : memref<!tpu.dma_semaphore, #tpu.memory_space<semaphore_mem>>) src(%dma_wait3A_314 : memref<48x128xf32, #tpu.memory_space<vmem>>) dst(%dma_wait3A_311 : memref<48x128xf32, #tpu.memory_space<vmem_shared>>)
    %mul3A_315 = arith.constant 624 : i32
    %mul3A_316 = arith.muli %arg1, %mul3A_315 : i32
    %add3A_317 = arith.constant 336 : i32
    %add3A_318 = arith.addi %mul3A_316, %add3A_317 : i32
    %dma_wait3A_319 = arith.constant 0 : i32
    %dma_wait3A_320 = arith.constant 0 : i32
    %dma_wait3A_321 = tpu.memref_slice %arg8[%dma_wait3A_319, %dma_wait3A_320] : memref<80x128xf32, #tpu.memory_space<vmem>> -> memref<48x128xf32, #tpu.memory_space<vmem>>
    %dma_wait3A_322 = arith.constant 0 : i32
    %dma_wait3A_323 = tpu.memref_slice %arg12[%add3A_318, %dma_wait3A_322] : memref<10000x128xf32, #tpu.memory_space<vmem_shared>> -> memref<48x128xf32, #tpu.memory_space<vmem_shared>>
    %dma_wait3A_324 = arith.constant 0 : i32
    %dma_wait3A_325 = tpu.memref_slice %arg12[%add3A_318, %dma_wait3A_324] : memref<10000x128xf32, #tpu.memory_space<vmem_shared>> -> memref<48x128xf32, #tpu.memory_space<vmem_shared>>
    %dma_wait3A_326 = arith.constant 0 : i32
    %dma_wait3A_327 = arith.constant 0 : i32
    %dma_wait3A_328 = tpu.memref_slice %arg8[%dma_wait3A_326, %dma_wait3A_327] : memref<80x128xf32, #tpu.memory_space<vmem>> -> memref<48x128xf32, #tpu.memory_space<vmem>>
    tpu.wait_dma2 semaphore(%arg16 : memref<!tpu.dma_semaphore, #tpu.memory_space<semaphore_mem>>) src(%dma_wait3A_328 : memref<48x128xf32, #tpu.memory_space<vmem>>) dst(%dma_wait3A_325 : memref<48x128xf32, #tpu.memory_space<vmem_shared>>)
    %mul3A_329 = arith.constant 624 : i32
    %mul3A_330 = arith.muli %arg1, %mul3A_329 : i32
    %add3A_331 = arith.constant 384 : i32
    %add3A_332 = arith.addi %mul3A_330, %add3A_331 : i32
    %dma_wait3A_333 = arith.constant 0 : i32
    %dma_wait3A_334 = arith.constant 0 : i32
    %dma_wait3A_335 = tpu.memref_slice %arg8[%dma_wait3A_333, %dma_wait3A_334] : memref<80x128xf32, #tpu.memory_space<vmem>> -> memref<48x128xf32, #tpu.memory_space<vmem>>
    %dma_wait3A_336 = arith.constant 0 : i32
    %dma_wait3A_337 = tpu.memref_slice %arg12[%add3A_332, %dma_wait3A_336] : memref<10000x128xf32, #tpu.memory_space<vmem_shared>> -> memref<48x128xf32, #tpu.memory_space<vmem_shared>>
    %dma_wait3A_338 = arith.constant 0 : i32
    %dma_wait3A_339 = tpu.memref_slice %arg12[%add3A_332, %dma_wait3A_338] : memref<10000x128xf32, #tpu.memory_space<vmem_shared>> -> memref<48x128xf32, #tpu.memory_space<vmem_shared>>
    %dma_wait3A_340 = arith.constant 0 : i32
    %dma_wait3A_341 = arith.constant 0 : i32
    %dma_wait3A_342 = tpu.memref_slice %arg8[%dma_wait3A_340, %dma_wait3A_341] : memref<80x128xf32, #tpu.memory_space<vmem>> -> memref<48x128xf32, #tpu.memory_space<vmem>>
    tpu.wait_dma2 semaphore(%arg16 : memref<!tpu.dma_semaphore, #tpu.memory_space<semaphore_mem>>) src(%dma_wait3A_342 : memref<48x128xf32, #tpu.memory_space<vmem>>) dst(%dma_wait3A_339 : memref<48x128xf32, #tpu.memory_space<vmem_shared>>)
    %mul3A_343 = arith.constant 624 : i32
    %mul3A_344 = arith.muli %arg1, %mul3A_343 : i32
    %add3A_345 = arith.constant 432 : i32
    %add3A_346 = arith.addi %mul3A_344, %add3A_345 : i32
    %dma_wait3A_347 = arith.constant 0 : i32
    %dma_wait3A_348 = arith.constant 0 : i32
    %dma_wait3A_349 = tpu.memref_slice %arg8[%dma_wait3A_347, %dma_wait3A_348] : memref<80x128xf32, #tpu.memory_space<vmem>> -> memref<48x128xf32, #tpu.memory_space<vmem>>
    %dma_wait3A_350 = arith.constant 0 : i32
    %dma_wait3A_351 = tpu.memref_slice %arg12[%add3A_346, %dma_wait3A_350] : memref<10000x128xf32, #tpu.memory_space<vmem_shared>> -> memref<48x128xf32, #tpu.memory_space<vmem_shared>>
    %dma_wait3A_352 = arith.constant 0 : i32
    %dma_wait3A_353 = tpu.memref_slice %arg12[%add3A_346, %dma_wait3A_352] : memref<10000x128xf32, #tpu.memory_space<vmem_shared>> -> memref<48x128xf32, #tpu.memory_space<vmem_shared>>
    %dma_wait3A_354 = arith.constant 0 : i32
    %dma_wait3A_355 = arith.constant 0 : i32
    %dma_wait3A_356 = tpu.memref_slice %arg8[%dma_wait3A_354, %dma_wait3A_355] : memref<80x128xf32, #tpu.memory_space<vmem>> -> memref<48x128xf32, #tpu.memory_space<vmem>>
    tpu.wait_dma2 semaphore(%arg16 : memref<!tpu.dma_semaphore, #tpu.memory_space<semaphore_mem>>) src(%dma_wait3A_356 : memref<48x128xf32, #tpu.memory_space<vmem>>) dst(%dma_wait3A_353 : memref<48x128xf32, #tpu.memory_space<vmem_shared>>)
    %mul3A_357 = arith.constant 624 : i32
    %mul3A_358 = arith.muli %arg1, %mul3A_357 : i32
    %add3A_359 = arith.constant 480 : i32
    %add3A_360 = arith.addi %mul3A_358, %add3A_359 : i32
    %dma_wait3A_361 = arith.constant 0 : i32
    %dma_wait3A_362 = arith.constant 0 : i32
    %dma_wait3A_363 = tpu.memref_slice %arg8[%dma_wait3A_361, %dma_wait3A_362] : memref<80x128xf32, #tpu.memory_space<vmem>> -> memref<48x128xf32, #tpu.memory_space<vmem>>
    %dma_wait3A_364 = arith.constant 0 : i32
    %dma_wait3A_365 = tpu.memref_slice %arg12[%add3A_360, %dma_wait3A_364] : memref<10000x128xf32, #tpu.memory_space<vmem_shared>> -> memref<48x128xf32, #tpu.memory_space<vmem_shared>>
    %dma_wait3A_366 = arith.constant 0 : i32
    %dma_wait3A_367 = tpu.memref_slice %arg12[%add3A_360, %dma_wait3A_366] : memref<10000x128xf32, #tpu.memory_space<vmem_shared>> -> memref<48x128xf32, #tpu.memory_space<vmem_shared>>
    %dma_wait3A_368 = arith.constant 0 : i32
    %dma_wait3A_369 = arith.constant 0 : i32
    %dma_wait3A_370 = tpu.memref_slice %arg8[%dma_wait3A_368, %dma_wait3A_369] : memref<80x128xf32, #tpu.memory_space<vmem>> -> memref<48x128xf32, #tpu.memory_space<vmem>>
    tpu.wait_dma2 semaphore(%arg16 : memref<!tpu.dma_semaphore, #tpu.memory_space<semaphore_mem>>) src(%dma_wait3A_370 : memref<48x128xf32, #tpu.memory_space<vmem>>) dst(%dma_wait3A_367 : memref<48x128xf32, #tpu.memory_space<vmem_shared>>)
    %mul3A_371 = arith.constant 624 : i32
    %mul3A_372 = arith.muli %arg1, %mul3A_371 : i32
    %add3A_373 = arith.constant 528 : i32
    %add3A_374 = arith.addi %mul3A_372, %add3A_373 : i32
    %dma_wait3A_375 = arith.constant 0 : i32
    %dma_wait3A_376 = arith.constant 0 : i32
    %dma_wait3A_377 = tpu.memref_slice %arg8[%dma_wait3A_375, %dma_wait3A_376] : memref<80x128xf32, #tpu.memory_space<vmem>> -> memref<48x128xf32, #tpu.memory_space<vmem>>
    %dma_wait3A_378 = arith.constant 0 : i32
    %dma_wait3A_379 = tpu.memref_slice %arg12[%add3A_374, %dma_wait3A_378] : memref<10000x128xf32, #tpu.memory_space<vmem_shared>> -> memref<48x128xf32, #tpu.memory_space<vmem_shared>>
    %dma_wait3A_380 = arith.constant 0 : i32
    %dma_wait3A_381 = tpu.memref_slice %arg12[%add3A_374, %dma_wait3A_380] : memref<10000x128xf32, #tpu.memory_space<vmem_shared>> -> memref<48x128xf32, #tpu.memory_space<vmem_shared>>
    %dma_wait3A_382 = arith.constant 0 : i32
    %dma_wait3A_383 = arith.constant 0 : i32
    %dma_wait3A_384 = tpu.memref_slice %arg8[%dma_wait3A_382, %dma_wait3A_383] : memref<80x128xf32, #tpu.memory_space<vmem>> -> memref<48x128xf32, #tpu.memory_space<vmem>>
    tpu.wait_dma2 semaphore(%arg16 : memref<!tpu.dma_semaphore, #tpu.memory_space<semaphore_mem>>) src(%dma_wait3A_384 : memref<48x128xf32, #tpu.memory_space<vmem>>) dst(%dma_wait3A_381 : memref<48x128xf32, #tpu.memory_space<vmem_shared>>)
    %mul3A_385 = arith.constant 624 : i32
    %mul3A_386 = arith.muli %arg1, %mul3A_385 : i32
    %add3A_387 = arith.constant 576 : i32
    %add3A_388 = arith.addi %mul3A_386, %add3A_387 : i32
    %dma_wait3A_389 = arith.constant 0 : i32
    %dma_wait3A_390 = arith.constant 0 : i32
    %dma_wait3A_391 = tpu.memref_slice %arg8[%dma_wait3A_389, %dma_wait3A_390] : memref<80x128xf32, #tpu.memory_space<vmem>> -> memref<48x128xf32, #tpu.memory_space<vmem>>
    %dma_wait3A_392 = arith.constant 0 : i32
    %dma_wait3A_393 = tpu.memref_slice %arg12[%add3A_388, %dma_wait3A_392] : memref<10000x128xf32, #tpu.memory_space<vmem_shared>> -> memref<48x128xf32, #tpu.memory_space<vmem_shared>>
    %dma_wait3A_394 = arith.constant 0 : i32
    %dma_wait3A_395 = tpu.memref_slice %arg12[%add3A_388, %dma_wait3A_394] : memref<10000x128xf32, #tpu.memory_space<vmem_shared>> -> memref<48x128xf32, #tpu.memory_space<vmem_shared>>
    %dma_wait3A_396 = arith.constant 0 : i32
    %dma_wait3A_397 = arith.constant 0 : i32
    %dma_wait3A_398 = tpu.memref_slice %arg8[%dma_wait3A_396, %dma_wait3A_397] : memref<80x128xf32, #tpu.memory_space<vmem>> -> memref<48x128xf32, #tpu.memory_space<vmem>>
    tpu.wait_dma2 semaphore(%arg16 : memref<!tpu.dma_semaphore, #tpu.memory_space<semaphore_mem>>) src(%dma_wait3A_398 : memref<48x128xf32, #tpu.memory_space<vmem>>) dst(%dma_wait3A_395 : memref<48x128xf32, #tpu.memory_space<vmem_shared>>)
    %eq3A_399 = arith.constant 15 : i32
    %eq3A_400 = arith.cmpi eq, %arg1, %eq3A_399 : i32
    %convert_element_type3A_401 = arith.extui %eq3A_400 : i1 to i32
    %cond3A_402 = arith.constant 0 : i32
    %cond3A_403 = arith.cmpi ne, %convert_element_type3A_401, %cond3A_402 : i32
    scf.if %cond3A_403 {
      %dma_wait3A_442 = arith.constant 0 : i32
      %dma_wait3A_443 = arith.constant 0 : i32
      %dma_wait3A_444 = tpu.memref_slice %arg8[%dma_wait3A_442, %dma_wait3A_443] : memref<80x128xf32, #tpu.memory_space<vmem>> -> memref<16x128xf32, #tpu.memory_space<vmem>>
      %dma_wait3A_445 = arith.constant 9984 : i32
      %dma_wait3A_446 = arith.constant 0 : i32
      %dma_wait3A_447 = tpu.memref_slice %arg12[%dma_wait3A_445, %dma_wait3A_446] : memref<10000x128xf32, #tpu.memory_space<vmem_shared>> -> memref<16x128xf32, #tpu.memory_space<vmem_shared>>
      %dma_wait3A_448 = arith.constant 9984 : i32
      %dma_wait3A_449 = arith.constant 0 : i32
      %dma_wait3A_450 = tpu.memref_slice %arg12[%dma_wait3A_448, %dma_wait3A_449] : memref<10000x128xf32, #tpu.memory_space<vmem_shared>> -> memref<16x128xf32, #tpu.memory_space<vmem_shared>>
      %dma_wait3A_451 = arith.constant 0 : i32
      %dma_wait3A_452 = arith.constant 0 : i32
      %dma_wait3A_453 = tpu.memref_slice %arg8[%dma_wait3A_451, %dma_wait3A_452] : memref<80x128xf32, #tpu.memory_space<vmem>> -> memref<16x128xf32, #tpu.memory_space<vmem>>
      tpu.wait_dma2 semaphore(%arg17 : memref<!tpu.dma_semaphore, #tpu.memory_space<semaphore_mem>>) src(%dma_wait3A_453 : memref<16x128xf32, #tpu.memory_space<vmem>>) dst(%dma_wait3A_450 : memref<16x128xf32, #tpu.memory_space<vmem_shared>>)
    } else {
    }
    %dma_wait3A_404 = arith.constant 0 : i32
    %dma_wait3A_405 = arith.constant 0 : i32
    %dma_wait3A_406 = arith.constant 0 : i32
    %dma_wait3A_407 = arith.constant 0 : i32
    %dma_wait3A_408 = tpu.memref_slice %arg2[%dma_wait3A_404, %add3A, %dma_wait3A_405, %dma_wait3A_406, %dma_wait3A_407] : memref<2x32x5x25x80xi32, #tpu.memory_space<hbm>> -> memref<1x1x1x25x80xi32, #tpu.memory_space<hbm>>
    %dma_wait3A_409 = tpu.memref_squeeze %dma_wait3A_408 : memref<1x1x1x25x80xi32, #tpu.memory_space<hbm>> -> memref<25x80xi32, #tpu.memory_space<hbm>>
    %dma_wait3A_410 = arith.constant 0 : i32
    %dma_wait3A_411 = arith.constant 0 : i32
    %dma_wait3A_412 = tpu.memref_slice %arg2[%dma_wait3A_404, %add3A, %dma_wait3A_405, %dma_wait3A_410, %dma_wait3A_411] : memref<2x32x5x25x80xi32, #tpu.memory_space<hbm>> -> memref<1x1x1x25x80xi32, #tpu.memory_space<hbm>>
    %dma_wait3A_413 = tpu.memref_squeeze %dma_wait3A_412 : memref<1x1x1x25x80xi32, #tpu.memory_space<hbm>> -> memref<25x80xi32, #tpu.memory_space<hbm>>
    tpu.wait_dma2 semaphore(%arg13 : memref<!tpu.dma_semaphore, #tpu.memory_space<semaphore_mem>>) src(%dma_wait3A_413 : memref<25x80xi32, #tpu.memory_space<hbm>>) dst(%arg6 : memref<25x80xi32, #tpu.memory_space<vmem>>)
    %dma_wait3A_414 = arith.constant 1 : i32
    %dma_wait3A_415 = arith.constant 0 : i32
    %dma_wait3A_416 = arith.constant 0 : i32
    %dma_wait3A_417 = arith.constant 0 : i32
    %dma_wait3A_418 = tpu.memref_slice %arg2[%dma_wait3A_414, %add3A, %dma_wait3A_415, %dma_wait3A_416, %dma_wait3A_417] : memref<2x32x5x25x80xi32, #tpu.memory_space<hbm>> -> memref<1x1x1x25x80xi32, #tpu.memory_space<hbm>>
    %dma_wait3A_419 = tpu.memref_squeeze %dma_wait3A_418 : memref<1x1x1x25x80xi32, #tpu.memory_space<hbm>> -> memref<25x80xi32, #tpu.memory_space<hbm>>
    %dma_wait3A_420 = arith.constant 0 : i32
    %dma_wait3A_421 = arith.constant 0 : i32
    %dma_wait3A_422 = tpu.memref_slice %arg2[%dma_wait3A_414, %add3A, %dma_wait3A_415, %dma_wait3A_420, %dma_wait3A_421] : memref<2x32x5x25x80xi32, #tpu.memory_space<hbm>> -> memref<1x1x1x25x80xi32, #tpu.memory_space<hbm>>
    %dma_wait3A_423 = tpu.memref_squeeze %dma_wait3A_422 : memref<1x1x1x25x80xi32, #tpu.memory_space<hbm>> -> memref<25x80xi32, #tpu.memory_space<hbm>>
    tpu.wait_dma2 semaphore(%arg14 : memref<!tpu.dma_semaphore, #tpu.memory_space<semaphore_mem>>) src(%dma_wait3A_423 : memref<25x80xi32, #tpu.memory_space<hbm>>) dst(%arg7 : memref<25x80xi32, #tpu.memory_space<vmem>>)
    %barrier3A = arith.constant 0 : index
    tpu.barrier barrier_id(%barrier3A)
    %broadcast_in_dim3A_424 = arith.constant 1.000000e+00 : f32
    %broadcast_in_dim3A_425 = vector.broadcast %broadcast_in_dim3A_424 : f32 to vector<16xf32>
    %scan3A_426 = arith.constant 0 : i32
    %scan3A_427 = arith.constant 0 : i32
    %scan3A_428 = arith.constant 5 : i32
    %scan3A_429 = arith.addi %scan3A_427, %scan3A_428 : i32
    %scan3A_430 = arith.constant 1 : i32
    scf.for %scan3A_442 = %scan3A_427 to %scan3A_429 step %scan3A_430  : i32 {
      %gt3A = arith.constant 0 : i32
      %gt3A_443 = arith.cmpi sgt, %scan3A_442, %gt3A : i32
      %convert_element_type3A_444 = arith.extui %gt3A_443 : i1 to i32
      %cond3A_445 = arith.constant 0 : i32
      %cond3A_446 = arith.cmpi ne, %convert_element_type3A_444, %cond3A_445 : i32
      scf.if %cond3A_446 {
        %run_scoped3A = arith.constant 0 : i32
        "tpu.region"() ({
          %run_scoped3A_515 = tpu.sem_alloc : memref<!tpu.dma_semaphore, #tpu.memory_space<semaphore_mem>>
          %dma_start3A_516 = arith.constant 0 : i32
          %dma_start3A_517 = arith.constant 0 : i32
          %dma_start3A_518 = tpu.memref_slice %arg2[%run_scoped3A, %add3A, %scan3A_442, %dma_start3A_516, %dma_start3A_517] : memref<2x32x5x25x80xi32, #tpu.memory_space<hbm>> -> memref<1x1x1x25x80xi32, #tpu.memory_space<hbm>>
          %dma_start3A_519 = tpu.memref_squeeze %dma_start3A_518 : memref<1x1x1x25x80xi32, #tpu.memory_space<hbm>> -> memref<25x80xi32, #tpu.memory_space<hbm>>
          %dma_start3A_520 = arith.constant 0 : i32
          %dma_start3A_521 = arith.constant 0 : i32
          %dma_start3A_522 = tpu.memref_slice %arg2[%run_scoped3A, %add3A, %scan3A_442, %dma_start3A_520, %dma_start3A_521] : memref<2x32x5x25x80xi32, #tpu.memory_space<hbm>> -> memref<1x1x1x25x80xi32, #tpu.memory_space<hbm>>
          %dma_start3A_523 = tpu.memref_squeeze %dma_start3A_522 : memref<1x1x1x25x80xi32, #tpu.memory_space<hbm>> -> memref<25x80xi32, #tpu.memory_space<hbm>>
          tpu.enqueue_dma source(%dma_start3A_523 : memref<25x80xi32, #tpu.memory_space<hbm>>) target(%arg6 : memref<25x80xi32, #tpu.memory_space<vmem>>) target_semaphore(%run_scoped3A_515 : memref<!tpu.dma_semaphore, #tpu.memory_space<semaphore_mem>>)
          %dma_wait3A_524 = arith.constant 0 : i32
          %dma_wait3A_525 = arith.constant 0 : i32
          %dma_wait3A_526 = tpu.memref_slice %arg2[%run_scoped3A, %add3A, %scan3A_442, %dma_wait3A_524, %dma_wait3A_525] : memref<2x32x5x25x80xi32, #tpu.memory_space<hbm>> -> memref<1x1x1x25x80xi32, #tpu.memory_space<hbm>>
          %dma_wait3A_527 = tpu.memref_squeeze %dma_wait3A_526 : memref<1x1x1x25x80xi32, #tpu.memory_space<hbm>> -> memref<25x80xi32, #tpu.memory_space<hbm>>
          %dma_wait3A_528 = arith.constant 0 : i32
          %dma_wait3A_529 = arith.constant 0 : i32
          %dma_wait3A_530 = tpu.memref_slice %arg2[%run_scoped3A, %add3A, %scan3A_442, %dma_wait3A_528, %dma_wait3A_529] : memref<2x32x5x25x80xi32, #tpu.memory_space<hbm>> -> memref<1x1x1x25x80xi32, #tpu.memory_space<hbm>>
          %dma_wait3A_531 = tpu.memref_squeeze %dma_wait3A_530 : memref<1x1x1x25x80xi32, #tpu.memory_space<hbm>> -> memref<25x80xi32, #tpu.memory_space<hbm>>
          tpu.wait_dma2 semaphore(%run_scoped3A_515 : memref<!tpu.dma_semaphore, #tpu.memory_space<semaphore_mem>>) src(%dma_wait3A_531 : memref<25x80xi32, #tpu.memory_space<hbm>>) dst(%arg6 : memref<25x80xi32, #tpu.memory_space<vmem>>)
          tpu.yield
        }) : () -> ()
        %run_scoped3A_514 = arith.constant 1 : i32
        "tpu.region"() ({
          %run_scoped3A_515 = tpu.sem_alloc : memref<!tpu.dma_semaphore, #tpu.memory_space<semaphore_mem>>
          %dma_start3A_516 = arith.constant 0 : i32
          %dma_start3A_517 = arith.constant 0 : i32
          %dma_start3A_518 = tpu.memref_slice %arg2[%run_scoped3A_514, %add3A, %scan3A_442, %dma_start3A_516, %dma_start3A_517] : memref<2x32x5x25x80xi32, #tpu.memory_space<hbm>> -> memref<1x1x1x25x80xi32, #tpu.memory_space<hbm>>
          %dma_start3A_519 = tpu.memref_squeeze %dma_start3A_518 : memref<1x1x1x25x80xi32, #tpu.memory_space<hbm>> -> memref<25x80xi32, #tpu.memory_space<hbm>>
          %dma_start3A_520 = arith.constant 0 : i32
          %dma_start3A_521 = arith.constant 0 : i32
          %dma_start3A_522 = tpu.memref_slice %arg2[%run_scoped3A_514, %add3A, %scan3A_442, %dma_start3A_520, %dma_start3A_521] : memref<2x32x5x25x80xi32, #tpu.memory_space<hbm>> -> memref<1x1x1x25x80xi32, #tpu.memory_space<hbm>>
          %dma_start3A_523 = tpu.memref_squeeze %dma_start3A_522 : memref<1x1x1x25x80xi32, #tpu.memory_space<hbm>> -> memref<25x80xi32, #tpu.memory_space<hbm>>
          tpu.enqueue_dma source(%dma_start3A_523 : memref<25x80xi32, #tpu.memory_space<hbm>>) target(%arg7 : memref<25x80xi32, #tpu.memory_space<vmem>>) target_semaphore(%run_scoped3A_515 : memref<!tpu.dma_semaphore, #tpu.memory_space<semaphore_mem>>)
          %dma_wait3A_524 = arith.constant 0 : i32
          %dma_wait3A_525 = arith.constant 0 : i32
          %dma_wait3A_526 = tpu.memref_slice %arg2[%run_scoped3A_514, %add3A, %scan3A_442, %dma_wait3A_524, %dma_wait3A_525] : memref<2x32x5x25x80xi32, #tpu.memory_space<hbm>> -> memref<1x1x1x25x80xi32, #tpu.memory_space<hbm>>
          %dma_wait3A_527 = tpu.memref_squeeze %dma_wait3A_526 : memref<1x1x1x25x80xi32, #tpu.memory_space<hbm>> -> memref<25x80xi32, #tpu.memory_space<hbm>>
          %dma_wait3A_528 = arith.constant 0 : i32
          %dma_wait3A_529 = arith.constant 0 : i32
          %dma_wait3A_530 = tpu.memref_slice %arg2[%run_scoped3A_514, %add3A, %scan3A_442, %dma_wait3A_528, %dma_wait3A_529] : memref<2x32x5x25x80xi32, #tpu.memory_space<hbm>> -> memref<1x1x1x25x80xi32, #tpu.memory_space<hbm>>
          %dma_wait3A_531 = tpu.memref_squeeze %dma_wait3A_530 : memref<1x1x1x25x80xi32, #tpu.memory_space<hbm>> -> memref<25x80xi32, #tpu.memory_space<hbm>>
          tpu.wait_dma2 semaphore(%run_scoped3A_515 : memref<!tpu.dma_semaphore, #tpu.memory_space<semaphore_mem>>) src(%dma_wait3A_531 : memref<25x80xi32, #tpu.memory_space<hbm>>) dst(%arg7 : memref<25x80xi32, #tpu.memory_space<vmem>>)
          tpu.yield
        }) : () -> ()
      } else {
      }
      %dma_start3A_447 = arith.constant 0 : i32
      %dma_start3A_448 = arith.constant 0 : i32
      %dma_start3A_449 = tpu.memref_slice %arg6[%dma_start3A_447, %dma_start3A_448] : memref<25x80xi32, #tpu.memory_space<vmem>> -> memref<1x80xi32, #tpu.memory_space<vmem>>
      %dma_start3A_450 = tpu.memref_squeeze %dma_start3A_449 : memref<1x80xi32, #tpu.memory_space<vmem>> -> memref<80xi32, #tpu.memory_space<vmem>>
      %dma_start3A_451 = arith.constant 0 : i32
      %dma_start3A_452 = arith.constant 0 : i32
      %dma_start3A_453 = tpu.memref_slice %arg3[%dma_start3A_451, %dma_start3A_452] : memref<10000x128xf32, #tpu.memory_space<hbm>> -> memref<10000x128xf32, #tpu.memory_space<hbm>>
      tpu.enqueue_indirect_dma source(%dma_start3A_453 : memref<10000x128xf32, #tpu.memory_space<hbm>>) target(%arg8 : memref<80x128xf32, #tpu.memory_space<vmem>>) offsets(%dma_start3A_450 : memref<80xi32, #tpu.memory_space<vmem>>) semaphore(%arg13 : memref<!tpu.dma_semaphore, #tpu.memory_space<semaphore_mem>>)
      %dma_start3A_454 = arith.constant 1 : i32
      %dma_start3A_455 = arith.constant 0 : i32
      %dma_start3A_456 = tpu.memref_slice %arg6[%dma_start3A_454, %dma_start3A_455] : memref<25x80xi32, #tpu.memory_space<vmem>> -> memref<1x80xi32, #tpu.memory_space<vmem>>
      %dma_start3A_457 = tpu.memref_squeeze %dma_start3A_456 : memref<1x80xi32, #tpu.memory_space<vmem>> -> memref<80xi32, #tpu.memory_space<vmem>>
      %dma_start3A_458 = arith.constant 0 : i32
      %dma_start3A_459 = arith.constant 0 : i32
      %dma_start3A_460 = tpu.memref_slice %arg3[%dma_start3A_458, %dma_start3A_459] : memref<10000x128xf32, #tpu.memory_space<hbm>> -> memref<10000x128xf32, #tpu.memory_space<hbm>>
      tpu.enqueue_indirect_dma source(%dma_start3A_460 : memref<10000x128xf32, #tpu.memory_space<hbm>>) target(%arg9 : memref<80x128xf32, #tpu.memory_space<vmem>>) offsets(%dma_start3A_457 : memref<80xi32, #tpu.memory_space<vmem>>) semaphore(%arg14 : memref<!tpu.dma_semaphore, #tpu.memory_space<semaphore_mem>>)
      %scan3A_461 = arith.constant 0 : i32
      %scan3A_462 = arith.constant 0 : i32
      %scan3A_463 = arith.constant 8 : i32
      %scan3A_464 = arith.addi %scan3A_462, %scan3A_463 : i32
      %scan3A_465 = arith.constant 1 : i32
      scf.for %scan3A_514 = %scan3A_462 to %scan3A_464 step %scan3A_465  : i32 {
        %mul3A_515 = arith.constant 3 : i32
        %mul3A_516 = arith.muli %mul3A_515, %scan3A_514 : i32
        %add3A_517 = arith.constant 0 : i32
        %add3A_518 = arith.addi %mul3A_516, %add3A_517 : i32
        %dma_wait3A_519 = arith.constant 0 : i32
        %dma_wait3A_520 = tpu.memref_slice %arg6[%add3A_518, %dma_wait3A_519] : memref<25x80xi32, #tpu.memory_space<vmem>> -> memref<1x80xi32, #tpu.memory_space<vmem>>
        %dma_wait3A_521 = tpu.memref_squeeze %dma_wait3A_520 : memref<1x80xi32, #tpu.memory_space<vmem>> -> memref<80xi32, #tpu.memory_space<vmem>>
        %dma_wait3A_522 = arith.constant 0 : i32
        %dma_wait3A_523 = arith.constant 0 : i32
        %dma_wait3A_524 = tpu.memref_slice %arg3[%dma_wait3A_522, %dma_wait3A_523] : memref<10000x128xf32, #tpu.memory_space<hbm>> -> memref<10000x128xf32, #tpu.memory_space<hbm>>
        tpu.wait_indirect_dma semaphore(%arg13 : memref<!tpu.dma_semaphore, #tpu.memory_space<semaphore_mem>>) src(%dma_wait3A_524 : memref<10000x128xf32, #tpu.memory_space<hbm>>) dst(%arg8 : memref<80x128xf32, #tpu.memory_space<vmem>>)
        %dma_start3A_525 = arith.constant 0 : i32
        %dma_start3A_526 = tpu.memref_slice %arg7[%add3A_518, %dma_start3A_525] : memref<25x80xi32, #tpu.memory_space<vmem>> -> memref<1x80xi32, #tpu.memory_space<vmem>>
        %dma_start3A_527 = tpu.memref_squeeze %dma_start3A_526 : memref<1x80xi32, #tpu.memory_space<vmem>> -> memref<80xi32, #tpu.memory_space<vmem>>
        %dma_start3A_528 = arith.constant 0 : i32
        %dma_start3A_529 = arith.constant 0 : i32
        %dma_start3A_530 = tpu.memref_slice %arg12[%dma_start3A_528, %dma_start3A_529] : memref<10000x128xf32, #tpu.memory_space<vmem_shared>> -> memref<10000x128xf32, #tpu.memory_space<vmem_shared>>
        tpu.enqueue_indirect_dma source(%arg8 : memref<80x128xf32, #tpu.memory_space<vmem>>) target(%dma_start3A_530 : memref<10000x128xf32, #tpu.memory_space<vmem_shared>>) offsets(%dma_start3A_527 : memref<80xi32, #tpu.memory_space<vmem>>) semaphore(%arg16 : memref<!tpu.dma_semaphore, #tpu.memory_space<semaphore_mem>>) {add = true}
        %get3A_531 = arith.index_cast %add3A_518 : i32 to index
        %get3A_532 = arith.constant 0 : index
        %get3A_533 = tpu.vector_load %arg7[%get3A_531, %get3A_532] {strides = array<i32>} : memref<25x80xi32, #tpu.memory_space<vmem>>, vector<16xi32>,
        tpu.vector_store_idx %arg11[%broadcast_in_dim3A_0, %get3A_533], %broadcast_in_dim3A_425 {add = true} : memref<1x10000xf32, #tpu.memory_space<vmem>>[vector<16xi32>, vector<16xi32>], vector<16xf32>,
        %get3A_534 = arith.index_cast %add3A_518 : i32 to index
        %get3A_535 = arith.constant 16 : index
        %get3A_536 = tpu.vector_load %arg7[%get3A_534, %get3A_535] {strides = array<i32>} : memref<25x80xi32, #tpu.memory_space<vmem>>, vector<16xi32>,
        tpu.vector_store_idx %arg11[%broadcast_in_dim3A_0, %get3A_536], %broadcast_in_dim3A_425 {add = true} : memref<1x10000xf32, #tpu.memory_space<vmem>>[vector<16xi32>, vector<16xi32>], vector<16xf32>,
        %get3A_537 = arith.index_cast %add3A_518 : i32 to index
        %get3A_538 = arith.constant 32 : index
        %get3A_539 = tpu.vector_load %arg7[%get3A_537, %get3A_538] {strides = array<i32>} : memref<25x80xi32, #tpu.memory_space<vmem>>, vector<16xi32>,
        tpu.vector_store_idx %arg11[%broadcast_in_dim3A_0, %get3A_539], %broadcast_in_dim3A_425 {add = true} : memref<1x10000xf32, #tpu.memory_space<vmem>>[vector<16xi32>, vector<16xi32>], vector<16xf32>,
        %get3A_540 = arith.index_cast %add3A_518 : i32 to index
        %get3A_541 = arith.constant 48 : index
        %get3A_542 = tpu.vector_load %arg7[%get3A_540, %get3A_541] {strides = array<i32>} : memref<25x80xi32, #tpu.memory_space<vmem>>, vector<16xi32>,
        tpu.vector_store_idx %arg11[%broadcast_in_dim3A_0, %get3A_542], %broadcast_in_dim3A_425 {add = true} : memref<1x10000xf32, #tpu.memory_space<vmem>>[vector<16xi32>, vector<16xi32>], vector<16xf32>,
        %get3A_543 = arith.index_cast %add3A_518 : i32 to index
        %get3A_544 = arith.constant 64 : index
        %get3A_545 = tpu.vector_load %arg7[%get3A_543, %get3A_544] {strides = array<i32>} : memref<25x80xi32, #tpu.memory_space<vmem>>, vector<16xi32>,
        tpu.vector_store_idx %arg11[%broadcast_in_dim3A_0, %get3A_545], %broadcast_in_dim3A_425 {add = true} : memref<1x10000xf32, #tpu.memory_space<vmem>>[vector<16xi32>, vector<16xi32>], vector<16xf32>,
        %gt3A_546 = arith.constant 0 : i32
        %gt3A_547 = arith.cmpi sgt, %scan3A_514, %gt3A_546 : i32
        %convert_element_type3A_548 = arith.extui %gt3A_547 : i1 to i32
        %cond3A_549 = arith.constant 0 : i32
        %cond3A_550 = arith.cmpi ne, %convert_element_type3A_548, %cond3A_549 : i32
        scf.if %cond3A_550 {
          %mul3A_648 = arith.constant 3 : i32
          %mul3A_649 = arith.muli %mul3A_648, %scan3A_514 : i32
          %sub3A_650 = arith.constant 1 : i32
          %sub3A_651 = arith.subi %mul3A_649, %sub3A_650 : i32
          %dma_wait3A_652 = arith.constant 0 : i32
          %dma_wait3A_653 = tpu.memref_slice %arg7[%sub3A_651, %dma_wait3A_652] : memref<25x80xi32, #tpu.memory_space<vmem>> -> memref<1x80xi32, #tpu.memory_space<vmem>>
          %dma_wait3A_654 = tpu.memref_squeeze %dma_wait3A_653 : memref<1x80xi32, #tpu.memory_space<vmem>> -> memref<80xi32, #tpu.memory_space<vmem>>
          %dma_wait3A_655 = arith.constant 0 : i32
          %dma_wait3A_656 = arith.constant 0 : i32
          %dma_wait3A_657 = tpu.memref_slice %arg12[%dma_wait3A_655, %dma_wait3A_656] : memref<10000x128xf32, #tpu.memory_space<vmem_shared>> -> memref<10000x128xf32, #tpu.memory_space<vmem_shared>>
          tpu.wait_indirect_dma semaphore(%arg18 : memref<!tpu.dma_semaphore, #tpu.memory_space<semaphore_mem>>) src(%arg10 : memref<80x128xf32, #tpu.memory_space<vmem>>) dst(%dma_wait3A_657 : memref<10000x128xf32, #tpu.memory_space<vmem_shared>>)
        } else {
        }
        %add3A_551 = arith.constant 2 : i32
        %add3A_552 = arith.addi %add3A_518, %add3A_551 : i32
        %lt3A = arith.constant 25 : i32
        %lt3A_553 = arith.cmpi slt, %add3A_552, %lt3A : i32
        %convert_element_type3A_554 = arith.extui %lt3A_553 : i1 to i32
        %cond3A_555 = arith.constant 0 : i32
        %cond3A_556 = arith.cmpi ne, %convert_element_type3A_554, %cond3A_555 : i32
        scf.if %cond3A_556 {
          %add3A_648 = arith.constant 2 : i32
          %add3A_649 = arith.addi %add3A_518, %add3A_648 : i32
          %dma_start3A_650 = arith.constant 0 : i32
          %dma_start3A_651 = tpu.memref_slice %arg6[%add3A_649, %dma_start3A_650] : memref<25x80xi32, #tpu.memory_space<vmem>> -> memref<1x80xi32, #tpu.memory_space<vmem>>
          %dma_start3A_652 = tpu.memref_squeeze %dma_start3A_651 : memref<1x80xi32, #tpu.memory_space<vmem>> -> memref<80xi32, #tpu.memory_space<vmem>>
          %dma_start3A_653 = arith.constant 0 : i32
          %dma_start3A_654 = arith.constant 0 : i32
          %dma_start3A_655 = tpu.memref_slice %arg3[%dma_start3A_653, %dma_start3A_654] : memref<10000x128xf32, #tpu.memory_space<hbm>> -> memref<10000x128xf32, #tpu.memory_space<hbm>>
          tpu.enqueue_indirect_dma source(%dma_start3A_655 : memref<10000x128xf32, #tpu.memory_space<hbm>>) target(%arg10 : memref<80x128xf32, #tpu.memory_space<vmem>>) offsets(%dma_start3A_652 : memref<80xi32, #tpu.memory_space<vmem>>) semaphore(%arg15 : memref<!tpu.dma_semaphore, #tpu.memory_space<semaphore_mem>>)
        } else {
        }
        %mul3A_557 = arith.constant 3 : i32
        %mul3A_558 = arith.muli %mul3A_557, %scan3A_514 : i32
        %add3A_559 = arith.constant 1 : i32
        %add3A_560 = arith.addi %mul3A_558, %add3A_559 : i32
        %dma_wait3A_561 = arith.constant 0 : i32
        %dma_wait3A_562 = tpu.memref_slice %arg6[%add3A_560, %dma_wait3A_561] : memref<25x80xi32, #tpu.memory_space<vmem>> -> memref<1x80xi32, #tpu.memory_space<vmem>>
        %dma_wait3A_563 = tpu.memref_squeeze %dma_wait3A_562 : memref<1x80xi32, #tpu.memory_space<vmem>> -> memref<80xi32, #tpu.memory_space<vmem>>
        %dma_wait3A_564 = arith.constant 0 : i32
        %dma_wait3A_565 = arith.constant 0 : i32
        %dma_wait3A_566 = tpu.memref_slice %arg3[%dma_wait3A_564, %dma_wait3A_565] : memref<10000x128xf32, #tpu.memory_space<hbm>> -> memref<10000x128xf32, #tpu.memory_space<hbm>>
        tpu.wait_indirect_dma semaphore(%arg14 : memref<!tpu.dma_semaphore, #tpu.memory_space<semaphore_mem>>) src(%dma_wait3A_566 : memref<10000x128xf32, #tpu.memory_space<hbm>>) dst(%arg9 : memref<80x128xf32, #tpu.memory_space<vmem>>)
        %dma_start3A_567 = arith.constant 0 : i32
        %dma_start3A_568 = tpu.memref_slice %arg7[%add3A_560, %dma_start3A_567] : memref<25x80xi32, #tpu.memory_space<vmem>> -> memref<1x80xi32, #tpu.memory_space<vmem>>
        %dma_start3A_569 = tpu.memref_squeeze %dma_start3A_568 : memref<1x80xi32, #tpu.memory_space<vmem>> -> memref<80xi32, #tpu.memory_space<vmem>>
        %dma_start3A_570 = arith.constant 0 : i32
        %dma_start3A_571 = arith.constant 0 : i32
        %dma_start3A_572 = tpu.memref_slice %arg12[%dma_start3A_570, %dma_start3A_571] : memref<10000x128xf32, #tpu.memory_space<vmem_shared>> -> memref<10000x128xf32, #tpu.memory_space<vmem_shared>>
        tpu.enqueue_indirect_dma source(%arg9 : memref<80x128xf32, #tpu.memory_space<vmem>>) target(%dma_start3A_572 : memref<10000x128xf32, #tpu.memory_space<vmem_shared>>) offsets(%dma_start3A_569 : memref<80xi32, #tpu.memory_space<vmem>>) semaphore(%arg17 : memref<!tpu.dma_semaphore, #tpu.memory_space<semaphore_mem>>) {add = true}
        %get3A_573 = arith.index_cast %add3A_560 : i32 to index
        %get3A_574 = arith.constant 0 : index
        %get3A_575 = tpu.vector_load %arg7[%get3A_573, %get3A_574] {strides = array<i32>} : memref<25x80xi32, #tpu.memory_space<vmem>>, vector<16xi32>,
        tpu.vector_store_idx %arg11[%broadcast_in_dim3A_0, %get3A_575], %broadcast_in_dim3A_425 {add = true} : memref<1x10000xf32, #tpu.memory_space<vmem>>[vector<16xi32>, vector<16xi32>], vector<16xf32>,
        %get3A_576 = arith.index_cast %add3A_560 : i32 to index
        %get3A_577 = arith.constant 16 : index
        %get3A_578 = tpu.vector_load %arg7[%get3A_576, %get3A_577] {strides = array<i32>} : memref<25x80xi32, #tpu.memory_space<vmem>>, vector<16xi32>,
        tpu.vector_store_idx %arg11[%broadcast_in_dim3A_0, %get3A_578], %broadcast_in_dim3A_425 {add = true} : memref<1x10000xf32, #tpu.memory_space<vmem>>[vector<16xi32>, vector<16xi32>], vector<16xf32>,
        %get3A_579 = arith.index_cast %add3A_560 : i32 to index
        %get3A_580 = arith.constant 32 : index
        %get3A_581 = tpu.vector_load %arg7[%get3A_579, %get3A_580] {strides = array<i32>} : memref<25x80xi32, #tpu.memory_space<vmem>>, vector<16xi32>,
        tpu.vector_store_idx %arg11[%broadcast_in_dim3A_0, %get3A_581], %broadcast_in_dim3A_425 {add = true} : memref<1x10000xf32, #tpu.memory_space<vmem>>[vector<16xi32>, vector<16xi32>], vector<16xf32>,
        %get3A_582 = arith.index_cast %add3A_560 : i32 to index
        %get3A_583 = arith.constant 48 : index
        %get3A_584 = tpu.vector_load %arg7[%get3A_582, %get3A_583] {strides = array<i32>} : memref<25x80xi32, #tpu.memory_space<vmem>>, vector<16xi32>,
        tpu.vector_store_idx %arg11[%broadcast_in_dim3A_0, %get3A_584], %broadcast_in_dim3A_425 {add = true} : memref<1x10000xf32, #tpu.memory_space<vmem>>[vector<16xi32>, vector<16xi32>], vector<16xf32>,
        %get3A_585 = arith.index_cast %add3A_560 : i32 to index
        %get3A_586 = arith.constant 64 : index
        %get3A_587 = tpu.vector_load %arg7[%get3A_585, %get3A_586] {strides = array<i32>} : memref<25x80xi32, #tpu.memory_space<vmem>>, vector<16xi32>,
        tpu.vector_store_idx %arg11[%broadcast_in_dim3A_0, %get3A_587], %broadcast_in_dim3A_425 {add = true} : memref<1x10000xf32, #tpu.memory_space<vmem>>[vector<16xi32>, vector<16xi32>], vector<16xf32>,
        %sub3A = arith.constant 1 : i32
        %sub3A_588 = arith.subi %add3A_560, %sub3A : i32
        %dma_wait3A_589 = arith.constant 0 : i32
        %dma_wait3A_590 = tpu.memref_slice %arg7[%sub3A_588, %dma_wait3A_589] : memref<25x80xi32, #tpu.memory_space<vmem>> -> memref<1x80xi32, #tpu.memory_space<vmem>>
        %dma_wait3A_591 = tpu.memref_squeeze %dma_wait3A_590 : memref<1x80xi32, #tpu.memory_space<vmem>> -> memref<80xi32, #tpu.memory_space<vmem>>
        %dma_wait3A_592 = arith.constant 0 : i32
        %dma_wait3A_593 = arith.constant 0 : i32
        %dma_wait3A_594 = tpu.memref_slice %arg12[%dma_wait3A_592, %dma_wait3A_593] : memref<10000x128xf32, #tpu.memory_space<vmem_shared>> -> memref<10000x128xf32, #tpu.memory_space<vmem_shared>>
        tpu.wait_indirect_dma semaphore(%arg16 : memref<!tpu.dma_semaphore, #tpu.memory_space<semaphore_mem>>) src(%arg8 : memref<80x128xf32, #tpu.memory_space<vmem>>) dst(%dma_wait3A_594 : memref<10000x128xf32, #tpu.memory_space<vmem_shared>>)
        %add3A_595 = arith.constant 2 : i32
        %add3A_596 = arith.addi %add3A_560, %add3A_595 : i32
        %lt3A_597 = arith.constant 25 : i32
        %lt3A_598 = arith.cmpi slt, %add3A_596, %lt3A_597 : i32
        %convert_element_type3A_599 = arith.extui %lt3A_598 : i1 to i32
        %cond3A_600 = arith.constant 0 : i32
        %cond3A_601 = arith.cmpi ne, %convert_element_type3A_599, %cond3A_600 : i32
        scf.if %cond3A_601 {
          %add3A_648 = arith.constant 2 : i32
          %add3A_649 = arith.addi %add3A_560, %add3A_648 : i32
          %dma_start3A_650 = arith.constant 0 : i32
          %dma_start3A_651 = tpu.memref_slice %arg6[%add3A_649, %dma_start3A_650] : memref<25x80xi32, #tpu.memory_space<vmem>> -> memref<1x80xi32, #tpu.memory_space<vmem>>
          %dma_start3A_652 = tpu.memref_squeeze %dma_start3A_651 : memref<1x80xi32, #tpu.memory_space<vmem>> -> memref<80xi32, #tpu.memory_space<vmem>>
          %dma_start3A_653 = arith.constant 0 : i32
          %dma_start3A_654 = arith.constant 0 : i32
          %dma_start3A_655 = tpu.memref_slice %arg3[%dma_start3A_653, %dma_start3A_654] : memref<10000x128xf32, #tpu.memory_space<hbm>> -> memref<10000x128xf32, #tpu.memory_space<hbm>>
          tpu.enqueue_indirect_dma source(%dma_start3A_655 : memref<10000x128xf32, #tpu.memory_space<hbm>>) target(%arg8 : memref<80x128xf32, #tpu.memory_space<vmem>>) offsets(%dma_start3A_652 : memref<80xi32, #tpu.memory_space<vmem>>) semaphore(%arg13 : memref<!tpu.dma_semaphore, #tpu.memory_space<semaphore_mem>>)
        } else {
        }
        %mul3A_602 = arith.constant 3 : i32
        %mul3A_603 = arith.muli %mul3A_602, %scan3A_514 : i32
        %add3A_604 = arith.constant 2 : i32
        %add3A_605 = arith.addi %mul3A_603, %add3A_604 : i32
        %dma_wait3A_606 = arith.constant 0 : i32
        %dma_wait3A_607 = tpu.memref_slice %arg6[%add3A_605, %dma_wait3A_606] : memref<25x80xi32, #tpu.memory_space<vmem>> -> memref<1x80xi32, #tpu.memory_space<vmem>>
        %dma_wait3A_608 = tpu.memref_squeeze %dma_wait3A_607 : memref<1x80xi32, #tpu.memory_space<vmem>> -> memref<80xi32, #tpu.memory_space<vmem>>
        %dma_wait3A_609 = arith.constant 0 : i32
        %dma_wait3A_610 = arith.constant 0 : i32
        %dma_wait3A_611 = tpu.memref_slice %arg3[%dma_wait3A_609, %dma_wait3A_610] : memref<10000x128xf32, #tpu.memory_space<hbm>> -> memref<10000x128xf32, #tpu.memory_space<hbm>>
        tpu.wait_indirect_dma semaphore(%arg15 : memref<!tpu.dma_semaphore, #tpu.memory_space<semaphore_mem>>) src(%dma_wait3A_611 : memref<10000x128xf32, #tpu.memory_space<hbm>>) dst(%arg10 : memref<80x128xf32, #tpu.memory_space<vmem>>)
        %dma_start3A_612 = arith.constant 0 : i32
        %dma_start3A_613 = tpu.memref_slice %arg7[%add3A_605, %dma_start3A_612] : memref<25x80xi32, #tpu.memory_space<vmem>> -> memref<1x80xi32, #tpu.memory_space<vmem>>
        %dma_start3A_614 = tpu.memref_squeeze %dma_start3A_613 : memref<1x80xi32, #tpu.memory_space<vmem>> -> memref<80xi32, #tpu.memory_space<vmem>>
        %dma_start3A_615 = arith.constant 0 : i32
        %dma_start3A_616 = arith.constant 0 : i32
        %dma_start3A_617 = tpu.memref_slice %arg12[%dma_start3A_615, %dma_start3A_616] : memref<10000x128xf32, #tpu.memory_space<vmem_shared>> -> memref<10000x128xf32, #tpu.memory_space<vmem_shared>>
        tpu.enqueue_indirect_dma source(%arg10 : memref<80x128xf32, #tpu.memory_space<vmem>>) target(%dma_start3A_617 : memref<10000x128xf32, #tpu.memory_space<vmem_shared>>) offsets(%dma_start3A_614 : memref<80xi32, #tpu.memory_space<vmem>>) semaphore(%arg18 : memref<!tpu.dma_semaphore, #tpu.memory_space<semaphore_mem>>) {add = true}
        %get3A_618 = arith.index_cast %add3A_605 : i32 to index
        %get3A_619 = arith.constant 0 : index
        %get3A_620 = tpu.vector_load %arg7[%get3A_618, %get3A_619] {strides = array<i32>} : memref<25x80xi32, #tpu.memory_space<vmem>>, vector<16xi32>,
        tpu.vector_store_idx %arg11[%broadcast_in_dim3A_0, %get3A_620], %broadcast_in_dim3A_425 {add = true} : memref<1x10000xf32, #tpu.memory_space<vmem>>[vector<16xi32>, vector<16xi32>], vector<16xf32>,
        %get3A_621 = arith.index_cast %add3A_605 : i32 to index
        %get3A_622 = arith.constant 16 : index
        %get3A_623 = tpu.vector_load %arg7[%get3A_621, %get3A_622] {strides = array<i32>} : memref<25x80xi32, #tpu.memory_space<vmem>>, vector<16xi32>,
        tpu.vector_store_idx %arg11[%broadcast_in_dim3A_0, %get3A_623], %broadcast_in_dim3A_425 {add = true} : memref<1x10000xf32, #tpu.memory_space<vmem>>[vector<16xi32>, vector<16xi32>], vector<16xf32>,
        %get3A_624 = arith.index_cast %add3A_605 : i32 to index
        %get3A_625 = arith.constant 32 : index
        %get3A_626 = tpu.vector_load %arg7[%get3A_624, %get3A_625] {strides = array<i32>} : memref<25x80xi32, #tpu.memory_space<vmem>>, vector<16xi32>,
        tpu.vector_store_idx %arg11[%broadcast_in_dim3A_0, %get3A_626], %broadcast_in_dim3A_425 {add = true} : memref<1x10000xf32, #tpu.memory_space<vmem>>[vector<16xi32>, vector<16xi32>], vector<16xf32>,
        %get3A_627 = arith.index_cast %add3A_605 : i32 to index
        %get3A_628 = arith.constant 48 : index
        %get3A_629 = tpu.vector_load %arg7[%get3A_627, %get3A_628] {strides = array<i32>} : memref<25x80xi32, #tpu.memory_space<vmem>>, vector<16xi32>,
        tpu.vector_store_idx %arg11[%broadcast_in_dim3A_0, %get3A_629], %broadcast_in_dim3A_425 {add = true} : memref<1x10000xf32, #tpu.memory_space<vmem>>[vector<16xi32>, vector<16xi32>], vector<16xf32>,
        %get3A_630 = arith.index_cast %add3A_605 : i32 to index
        %get3A_631 = arith.constant 64 : index
        %get3A_632 = tpu.vector_load %arg7[%get3A_630, %get3A_631] {strides = array<i32>} : memref<25x80xi32, #tpu.memory_space<vmem>>, vector<16xi32>,
        tpu.vector_store_idx %arg11[%broadcast_in_dim3A_0, %get3A_632], %broadcast_in_dim3A_425 {add = true} : memref<1x10000xf32, #tpu.memory_space<vmem>>[vector<16xi32>, vector<16xi32>], vector<16xf32>,
        %sub3A_633 = arith.constant 1 : i32
        %sub3A_634 = arith.subi %add3A_605, %sub3A_633 : i32
        %dma_wait3A_635 = arith.constant 0 : i32
        %dma_wait3A_636 = tpu.memref_slice %arg7[%sub3A_634, %dma_wait3A_635] : memref<25x80xi32, #tpu.memory_space<vmem>> -> memref<1x80xi32, #tpu.memory_space<vmem>>
        %dma_wait3A_637 = tpu.memref_squeeze %dma_wait3A_636 : memref<1x80xi32, #tpu.memory_space<vmem>> -> memref<80xi32, #tpu.memory_space<vmem>>
        %dma_wait3A_638 = arith.constant 0 : i32
        %dma_wait3A_639 = arith.constant 0 : i32
        %dma_wait3A_640 = tpu.memref_slice %arg12[%dma_wait3A_638, %dma_wait3A_639] : memref<10000x128xf32, #tpu.memory_space<vmem_shared>> -> memref<10000x128xf32, #tpu.memory_space<vmem_shared>>
        tpu.wait_indirect_dma semaphore(%arg17 : memref<!tpu.dma_semaphore, #tpu.memory_space<semaphore_mem>>) src(%arg9 : memref<80x128xf32, #tpu.memory_space<vmem>>) dst(%dma_wait3A_640 : memref<10000x128xf32, #tpu.memory_space<vmem_shared>>)
        %add3A_641 = arith.constant 2 : i32
        %add3A_642 = arith.addi %add3A_605, %add3A_641 : i32
        %lt3A_643 = arith.constant 25 : i32
        %lt3A_644 = arith.cmpi slt, %add3A_642, %lt3A_643 : i32
        %convert_element_type3A_645 = arith.extui %lt3A_644 : i1 to i32
        %cond3A_646 = arith.constant 0 : i32
        %cond3A_647 = arith.cmpi ne, %convert_element_type3A_645, %cond3A_646 : i32
        scf.if %cond3A_647 {
          %add3A_648 = arith.constant 2 : i32
          %add3A_649 = arith.addi %add3A_605, %add3A_648 : i32
          %dma_start3A_650 = arith.constant 0 : i32
          %dma_start3A_651 = tpu.memref_slice %arg6[%add3A_649, %dma_start3A_650] : memref<25x80xi32, #tpu.memory_space<vmem>> -> memref<1x80xi32, #tpu.memory_space<vmem>>
          %dma_start3A_652 = tpu.memref_squeeze %dma_start3A_651 : memref<1x80xi32, #tpu.memory_space<vmem>> -> memref<80xi32, #tpu.memory_space<vmem>>
          %dma_start3A_653 = arith.constant 0 : i32
          %dma_start3A_654 = arith.constant 0 : i32
          %dma_start3A_655 = tpu.memref_slice %arg3[%dma_start3A_653, %dma_start3A_654] : memref<10000x128xf32, #tpu.memory_space<hbm>> -> memref<10000x128xf32, #tpu.memory_space<hbm>>
          tpu.enqueue_indirect_dma source(%dma_start3A_655 : memref<10000x128xf32, #tpu.memory_space<hbm>>) target(%arg9 : memref<80x128xf32, #tpu.memory_space<vmem>>) offsets(%dma_start3A_652 : memref<80xi32, #tpu.memory_space<vmem>>) semaphore(%arg14 : memref<!tpu.dma_semaphore, #tpu.memory_space<semaphore_mem>>)
        } else {
        }
      }
      %scan3A_466 = arith.constant 8 : i32
      %dma_wait3A_467 = arith.constant 24 : i32
      %dma_wait3A_468 = arith.constant 0 : i32
      %dma_wait3A_469 = tpu.memref_slice %arg6[%dma_wait3A_467, %dma_wait3A_468] : memref<25x80xi32, #tpu.memory_space<vmem>> -> memref<1x80xi32, #tpu.memory_space<vmem>>
      %dma_wait3A_470 = tpu.memref_squeeze %dma_wait3A_469 : memref<1x80xi32, #tpu.memory_space<vmem>> -> memref<80xi32, #tpu.memory_space<vmem>>
      %dma_wait3A_471 = arith.constant 0 : i32
      %dma_wait3A_472 = arith.constant 0 : i32
      %dma_wait3A_473 = tpu.memref_slice %arg3[%dma_wait3A_471, %dma_wait3A_472] : memref<10000x128xf32, #tpu.memory_space<hbm>> -> memref<10000x128xf32, #tpu.memory_space<hbm>>
      tpu.wait_indirect_dma semaphore(%arg13 : memref<!tpu.dma_semaphore, #tpu.memory_space<semaphore_mem>>) src(%dma_wait3A_473 : memref<10000x128xf32, #tpu.memory_space<hbm>>) dst(%arg8 : memref<80x128xf32, #tpu.memory_space<vmem>>)
      %dma_start3A_474 = arith.constant 24 : i32
      %dma_start3A_475 = arith.constant 0 : i32
      %dma_start3A_476 = tpu.memref_slice %arg7[%dma_start3A_474, %dma_start3A_475] : memref<25x80xi32, #tpu.memory_space<vmem>> -> memref<1x80xi32, #tpu.memory_space<vmem>>
      %dma_start3A_477 = tpu.memref_squeeze %dma_start3A_476 : memref<1x80xi32, #tpu.memory_space<vmem>> -> memref<80xi32, #tpu.memory_space<vmem>>
      %dma_start3A_478 = arith.constant 0 : i32
      %dma_start3A_479 = arith.constant 0 : i32
      %dma_start3A_480 = tpu.memref_slice %arg12[%dma_start3A_478, %dma_start3A_479] : memref<10000x128xf32, #tpu.memory_space<vmem_shared>> -> memref<10000x128xf32, #tpu.memory_space<vmem_shared>>
      tpu.enqueue_indirect_dma source(%arg8 : memref<80x128xf32, #tpu.memory_space<vmem>>) target(%dma_start3A_480 : memref<10000x128xf32, #tpu.memory_space<vmem_shared>>) offsets(%dma_start3A_477 : memref<80xi32, #tpu.memory_space<vmem>>) semaphore(%arg16 : memref<!tpu.dma_semaphore, #tpu.memory_space<semaphore_mem>>) {add = true}
      %get3A = arith.constant 24 : i32
      %get3A_481 = arith.index_cast %get3A : i32 to index
      %get3A_482 = arith.constant 0 : index
      %get3A_483 = tpu.vector_load %arg7[%get3A_481, %get3A_482] {strides = array<i32>} : memref<25x80xi32, #tpu.memory_space<vmem>>, vector<16xi32>,
      tpu.vector_store_idx %arg11[%broadcast_in_dim3A_0, %get3A_483], %broadcast_in_dim3A_425 {add = true} : memref<1x10000xf32, #tpu.memory_space<vmem>>[vector<16xi32>, vector<16xi32>], vector<16xf32>,
      %get3A_484 = arith.constant 24 : i32
      %get3A_485 = arith.index_cast %get3A_484 : i32 to index
      %get3A_486 = arith.constant 16 : index
      %get3A_487 = tpu.vector_load %arg7[%get3A_485, %get3A_486] {strides = array<i32>} : memref<25x80xi32, #tpu.memory_space<vmem>>, vector<16xi32>,
      tpu.vector_store_idx %arg11[%broadcast_in_dim3A_0, %get3A_487], %broadcast_in_dim3A_425 {add = true} : memref<1x10000xf32, #tpu.memory_space<vmem>>[vector<16xi32>, vector<16xi32>], vector<16xf32>,
      %get3A_488 = arith.constant 24 : i32
      %get3A_489 = arith.index_cast %get3A_488 : i32 to index
      %get3A_490 = arith.constant 32 : index
      %get3A_491 = tpu.vector_load %arg7[%get3A_489, %get3A_490] {strides = array<i32>} : memref<25x80xi32, #tpu.memory_space<vmem>>, vector<16xi32>,
      tpu.vector_store_idx %arg11[%broadcast_in_dim3A_0, %get3A_491], %broadcast_in_dim3A_425 {add = true} : memref<1x10000xf32, #tpu.memory_space<vmem>>[vector<16xi32>, vector<16xi32>], vector<16xf32>,
      %get3A_492 = arith.constant 24 : i32
      %get3A_493 = arith.index_cast %get3A_492 : i32 to index
      %get3A_494 = arith.constant 48 : index
      %get3A_495 = tpu.vector_load %arg7[%get3A_493, %get3A_494] {strides = array<i32>} : memref<25x80xi32, #tpu.memory_space<vmem>>, vector<16xi32>,
      tpu.vector_store_idx %arg11[%broadcast_in_dim3A_0, %get3A_495], %broadcast_in_dim3A_425 {add = true} : memref<1x10000xf32, #tpu.memory_space<vmem>>[vector<16xi32>, vector<16xi32>], vector<16xf32>,
      %get3A_496 = arith.constant 24 : i32
      %get3A_497 = arith.index_cast %get3A_496 : i32 to index
      %get3A_498 = arith.constant 64 : index
      %get3A_499 = tpu.vector_load %arg7[%get3A_497, %get3A_498] {strides = array<i32>} : memref<25x80xi32, #tpu.memory_space<vmem>>, vector<16xi32>,
      tpu.vector_store_idx %arg11[%broadcast_in_dim3A_0, %get3A_499], %broadcast_in_dim3A_425 {add = true} : memref<1x10000xf32, #tpu.memory_space<vmem>>[vector<16xi32>, vector<16xi32>], vector<16xf32>,
      %dma_wait3A_500 = arith.constant 23 : i32
      %dma_wait3A_501 = arith.constant 0 : i32
      %dma_wait3A_502 = tpu.memref_slice %arg7[%dma_wait3A_500, %dma_wait3A_501] : memref<25x80xi32, #tpu.memory_space<vmem>> -> memref<1x80xi32, #tpu.memory_space<vmem>>
      %dma_wait3A_503 = tpu.memref_squeeze %dma_wait3A_502 : memref<1x80xi32, #tpu.memory_space<vmem>> -> memref<80xi32, #tpu.memory_space<vmem>>
      %dma_wait3A_504 = arith.constant 0 : i32
      %dma_wait3A_505 = arith.constant 0 : i32
      %dma_wait3A_506 = tpu.memref_slice %arg12[%dma_wait3A_504, %dma_wait3A_505] : memref<10000x128xf32, #tpu.memory_space<vmem_shared>> -> memref<10000x128xf32, #tpu.memory_space<vmem_shared>>
      tpu.wait_indirect_dma semaphore(%arg18 : memref<!tpu.dma_semaphore, #tpu.memory_space<semaphore_mem>>) src(%arg10 : memref<80x128xf32, #tpu.memory_space<vmem>>) dst(%dma_wait3A_506 : memref<10000x128xf32, #tpu.memory_space<vmem_shared>>)
      %dma_wait3A_507 = arith.constant 24 : i32
      %dma_wait3A_508 = arith.constant 0 : i32
      %dma_wait3A_509 = tpu.memref_slice %arg7[%dma_wait3A_507, %dma_wait3A_508] : memref<25x80xi32, #tpu.memory_space<vmem>> -> memref<1x80xi32, #tpu.memory_space<vmem>>
      %dma_wait3A_510 = tpu.memref_squeeze %dma_wait3A_509 : memref<1x80xi32, #tpu.memory_space<vmem>> -> memref<80xi32, #tpu.memory_space<vmem>>
      %dma_wait3A_511 = arith.constant 0 : i32
      %dma_wait3A_512 = arith.constant 0 : i32
      %dma_wait3A_513 = tpu.memref_slice %arg12[%dma_wait3A_511, %dma_wait3A_512] : memref<10000x128xf32, #tpu.memory_space<vmem_shared>> -> memref<10000x128xf32, #tpu.memory_space<vmem_shared>>
      tpu.wait_indirect_dma semaphore(%arg16 : memref<!tpu.dma_semaphore, #tpu.memory_space<semaphore_mem>>) src(%arg8 : memref<80x128xf32, #tpu.memory_space<vmem>>) dst(%dma_wait3A_513 : memref<10000x128xf32, #tpu.memory_space<vmem_shared>>)
    }
    %scan3A_431 = arith.constant 5 : i32
    %barrier3A_432 = arith.constant 0 : index
    tpu.barrier barrier_id(%barrier3A_432)
    %mul3A_433 = arith.constant 624 : i32
    %mul3A_434 = arith.muli %arg1, %mul3A_433 : i32
    %mul3A_435 = arith.constant 624 : i32
    %mul3A_436 = arith.muli %arg1, %mul3A_435 : i32
    "tpu.region"() ({
      %run_scoped3A = tpu.sem_alloc : memref<!tpu.dma_semaphore, #tpu.memory_space<semaphore_mem>>
      %dma_start3A_442 = arith.constant 0 : i32
      %dma_start3A_443 = tpu.memref_slice %arg4[%arg0, %mul3A_436, %dma_start3A_442] : memref<2x10000x128xf32, #tpu.memory_space<hbm>> -> memref<1x624x128xf32, #tpu.memory_space<hbm>>
      %dma_start3A_444 = tpu.memref_squeeze %dma_start3A_443 : memref<1x624x128xf32, #tpu.memory_space<hbm>> -> memref<624x128xf32, #tpu.memory_space<hbm>>
      %dma_start3A_445 = arith.constant 0 : i32
      %dma_start3A_446 = tpu.memref_slice %arg12[%mul3A_434, %dma_start3A_445] : memref<10000x128xf32, #tpu.memory_space<vmem_shared>> -> memref<624x128xf32, #tpu.memory_space<vmem_shared>>
      tpu.enqueue_dma source(%dma_start3A_446 : memref<624x128xf32, #tpu.memory_space<vmem_shared>>) target(%dma_start3A_444 : memref<624x128xf32, #tpu.memory_space<hbm>>) target_semaphore(%run_scoped3A : memref<!tpu.dma_semaphore, #tpu.memory_space<semaphore_mem>>)
      %dma_wait3A_447 = arith.constant 0 : i32
      %dma_wait3A_448 = tpu.memref_slice %arg4[%arg0, %mul3A_436, %dma_wait3A_447] : memref<2x10000x128xf32, #tpu.memory_space<hbm>> -> memref<1x624x128xf32, #tpu.memory_space<hbm>>
      %dma_wait3A_449 = tpu.memref_squeeze %dma_wait3A_448 : memref<1x624x128xf32, #tpu.memory_space<hbm>> -> memref<624x128xf32, #tpu.memory_space<hbm>>
      %dma_wait3A_450 = arith.constant 0 : i32
      %dma_wait3A_451 = tpu.memref_slice %arg12[%mul3A_434, %dma_wait3A_450] : memref<10000x128xf32, #tpu.memory_space<vmem_shared>> -> memref<624x128xf32, #tpu.memory_space<vmem_shared>>
      tpu.wait_dma2 semaphore(%run_scoped3A : memref<!tpu.dma_semaphore, #tpu.memory_space<semaphore_mem>>) src(%dma_wait3A_451 : memref<624x128xf32, #tpu.memory_space<vmem_shared>>) dst(%dma_wait3A_449 : memref<624x128xf32, #tpu.memory_space<hbm>>)
      tpu.yield
    }) : () -> ()
    %eq3A_437 = arith.constant 15 : i32
    %eq3A_438 = arith.cmpi eq, %arg1, %eq3A_437 : i32
    %convert_element_type3A_439 = arith.extui %eq3A_438 : i1 to i32
    %cond3A_440 = arith.constant 0 : i32
    %cond3A_441 = arith.cmpi ne, %convert_element_type3A_439, %cond3A_440 : i32
    scf.if %cond3A_441 {
      "tpu.region"() ({
        %run_scoped3A = tpu.sem_alloc : memref<!tpu.dma_semaphore, #tpu.memory_space<semaphore_mem>>
        %dma_start3A_442 = arith.constant 9984 : i32
        %dma_start3A_443 = arith.constant 0 : i32
        %dma_start3A_444 = tpu.memref_slice %arg4[%arg0, %dma_start3A_442, %dma_start3A_443] : memref<2x10000x128xf32, #tpu.memory_space<hbm>> -> memref<1x16x128xf32, #tpu.memory_space<hbm>>
        %dma_start3A_445 = tpu.memref_squeeze %dma_start3A_444 : memref<1x16x128xf32, #tpu.memory_space<hbm>> -> memref<16x128xf32, #tpu.memory_space<hbm>>
        %dma_start3A_446 = arith.constant 9984 : i32
        %dma_start3A_447 = arith.constant 0 : i32
        %dma_start3A_448 = tpu.memref_slice %arg12[%dma_start3A_446, %dma_start3A_447] : memref<10000x128xf32, #tpu.memory_space<vmem_shared>> -> memref<16x128xf32, #tpu.memory_space<vmem_shared>>
        tpu.enqueue_dma source(%dma_start3A_448 : memref<16x128xf32, #tpu.memory_space<vmem_shared>>) target(%dma_start3A_445 : memref<16x128xf32, #tpu.memory_space<hbm>>) target_semaphore(%run_scoped3A : memref<!tpu.dma_semaphore, #tpu.memory_space<semaphore_mem>>)
        %dma_wait3A_449 = arith.constant 9984 : i32
        %dma_wait3A_450 = arith.constant 0 : i32
        %dma_wait3A_451 = tpu.memref_slice %arg4[%arg0, %dma_wait3A_449, %dma_wait3A_450] : memref<2x10000x128xf32, #tpu.memory_space<hbm>> -> memref<1x16x128xf32, #tpu.memory_space<hbm>>
        %dma_wait3A_452 = tpu.memref_squeeze %dma_wait3A_451 : memref<1x16x128xf32, #tpu.memory_space<hbm>> -> memref<16x128xf32, #tpu.memory_space<hbm>>
        %dma_wait3A_453 = arith.constant 9984 : i32
        %dma_wait3A_454 = arith.constant 0 : i32
        %dma_wait3A_455 = tpu.memref_slice %arg12[%dma_wait3A_453, %dma_wait3A_454] : memref<10000x128xf32, #tpu.memory_space<vmem_shared>> -> memref<16x128xf32, #tpu.memory_space<vmem_shared>>
        tpu.wait_dma2 semaphore(%run_scoped3A : memref<!tpu.dma_semaphore, #tpu.memory_space<semaphore_mem>>) src(%dma_wait3A_455 : memref<16x128xf32, #tpu.memory_space<vmem_shared>>) dst(%dma_wait3A_452 : memref<16x128xf32, #tpu.memory_space<hbm>>)
        tpu.yield
      }) : () -> ()
    } else {
    }
    "tpu.region"() ({
      %run_scoped3A = tpu.sem_alloc : memref<!tpu.dma_semaphore, #tpu.memory_space<semaphore_mem>>
      %dma_start3A_442 = arith.constant 0 : i32
      %dma_start3A_443 = arith.constant 0 : i32
      %dma_start3A_444 = tpu.memref_slice %arg5[%add3A, %dma_start3A_442, %dma_start3A_443] : memref<32x1x10000xf32, #tpu.memory_space<hbm>> -> memref<1x1x10000xf32, #tpu.memory_space<hbm>>
      %dma_start3A_445 = tpu.memref_squeeze %dma_start3A_444 : memref<1x1x10000xf32, #tpu.memory_space<hbm>> -> memref<1x10000xf32, #tpu.memory_space<hbm>>
      %dma_start3A_446 = arith.constant 0 : i32
      %dma_start3A_447 = arith.constant 0 : i32
      %dma_start3A_448 = tpu.memref_slice %arg5[%add3A, %dma_start3A_446, %dma_start3A_447] : memref<32x1x10000xf32, #tpu.memory_space<hbm>> -> memref<1x1x10000xf32, #tpu.memory_space<hbm>>
      %dma_start3A_449 = tpu.memref_squeeze %dma_start3A_448 : memref<1x1x10000xf32, #tpu.memory_space<hbm>> -> memref<1x10000xf32, #tpu.memory_space<hbm>>
      tpu.enqueue_dma source(%arg11 : memref<1x10000xf32, #tpu.memory_space<vmem>>) target(%dma_start3A_449 : memref<1x10000xf32, #tpu.memory_space<hbm>>) target_semaphore(%run_scoped3A : memref<!tpu.dma_semaphore, #tpu.memory_space<semaphore_mem>>)
      %dma_wait3A_450 = arith.constant 0 : i32
      %dma_wait3A_451 = arith.constant 0 : i32
      %dma_wait3A_452 = tpu.memref_slice %arg5[%add3A, %dma_wait3A_450, %dma_wait3A_451] : memref<32x1x10000xf32, #tpu.memory_space<hbm>> -> memref<1x1x10000xf32, #tpu.memory_space<hbm>>
      %dma_wait3A_453 = tpu.memref_squeeze %dma_wait3A_452 : memref<1x1x10000xf32, #tpu.memory_space<hbm>> -> memref<1x10000xf32, #tpu.memory_space<hbm>>
      %dma_wait3A_454 = arith.constant 0 : i32
      %dma_wait3A_455 = arith.constant 0 : i32
      %dma_wait3A_456 = tpu.memref_slice %arg5[%add3A, %dma_wait3A_454, %dma_wait3A_455] : memref<32x1x10000xf32, #tpu.memory_space<hbm>> -> memref<1x1x10000xf32, #tpu.memory_space<hbm>>
      %dma_wait3A_457 = tpu.memref_squeeze %dma_wait3A_456 : memref<1x1x10000xf32, #tpu.memory_space<hbm>> -> memref<1x10000xf32, #tpu.memory_space<hbm>>
      tpu.wait_dma2 semaphore(%run_scoped3A : memref<!tpu.dma_semaphore, #tpu.memory_space<semaphore_mem>>) src(%arg11 : memref<1x10000xf32, #tpu.memory_space<vmem>>) dst(%dma_wait3A_457 : memref<1x10000xf32, #tpu.memory_space<hbm>>)
      tpu.yield
    }) : () -> ()
    return
  }
}

#map = affine_map<(d0, d1) -> (0, 0, 0, 0, 0)>
#map1 = affine_map<(d0, d1) -> (0, 0)>
#map2 = affine_map<(d0, d1) -> (0, 0, 0)>
module attributes {stable_mosaic.version = 14 : i64} {
  func.func @sc_sage_agg(%arg0: i32, %arg1: i32, %arg2: memref<2x32x5x25x80xi32, #tpu.memory_space<hbm>>, %arg3: memref<10000x128xf32, #tpu.memory_space<hbm>>, %arg4: memref<2x10000x128xf32, #tpu.memory_space<hbm>>, %arg5: memref<25x80xi32, #tpu.memory_space<vmem>>, %arg6: memref<25x80xi32, #tpu.memory_space<vmem>>, %arg7: memref<80x128xf32, #tpu.memory_space<vmem>>, %arg8: memref<80x128xf32, #tpu.memory_space<vmem>>, %arg9: memref<80x128xf32, #tpu.memory_space<vmem>>, %arg10: memref<10000x128xf32, #tpu.memory_space<vmem_shared>>, %arg11: memref<!tpu.dma_semaphore, #tpu.memory_space<semaphore_mem>>, %arg12: memref<!tpu.dma_semaphore, #tpu.memory_space<semaphore_mem>>, %arg13: memref<!tpu.dma_semaphore, #tpu.memory_space<semaphore_mem>>, %arg14: memref<!tpu.dma_semaphore, #tpu.memory_space<semaphore_mem>>, %arg15: memref<!tpu.dma_semaphore, #tpu.memory_space<semaphore_mem>>, %arg16: memref<!tpu.dma_semaphore, #tpu.memory_space<semaphore_mem>>) attributes {dimension_semantics = [#tpu.dimension_semantics<core_parallel>, #tpu.dimension_semantics<subcore_parallel>], iteration_bounds = array<i64: 2, 16>, scalar_prefetch = 0 : i64, scratch_operands = 12 : i64, tpu.core_type = #tpu.core_type<sc_vector_subcore>, window_params = [{transform_indices = #map}, {transform_indices = #map1}, {transform_indices = #map2}]} {
    %broadcast_in_dim3A = arith.constant 0 : i32
    %broadcast_in_dim3A_0 = vector.broadcast %broadcast_in_dim3A : i32 to vector<16xi32>
    %mul3A = arith.constant 16 : i32
    %mul3A_1 = arith.muli %arg0, %mul3A : i32
    %add3A = arith.addi %mul3A_1, %arg1 : i32
    %broadcast_in_dim3A_2 = arith.constant 0.000000e+00 : f32
    %broadcast_in_dim3A_3 = vector.broadcast %broadcast_in_dim3A_2 : f32 to vector<16xf32>
    %dma_start3A = arith.constant 0 : i32
    %dma_start3A_4 = arith.constant 0 : i32
    %dma_start3A_5 = arith.constant 0 : i32
    %dma_start3A_6 = arith.constant 0 : i32
    %dma_start3A_7 = tpu.memref_slice %arg2[%dma_start3A, %add3A, %dma_start3A_4, %dma_start3A_5, %dma_start3A_6] : memref<2x32x5x25x80xi32, #tpu.memory_space<hbm>> -> memref<1x1x1x25x80xi32, #tpu.memory_space<hbm>>
    %dma_start3A_8 = tpu.memref_squeeze %dma_start3A_7 : memref<1x1x1x25x80xi32, #tpu.memory_space<hbm>> -> memref<25x80xi32, #tpu.memory_space<hbm>>
    %dma_start3A_9 = arith.constant 0 : i32
    %dma_start3A_10 = arith.constant 0 : i32
    %dma_start3A_11 = tpu.memref_slice %arg2[%dma_start3A, %add3A, %dma_start3A_4, %dma_start3A_9, %dma_start3A_10] : memref<2x32x5x25x80xi32, #tpu.memory_space<hbm>> -> memref<1x1x1x25x80xi32, #tpu.memory_space<hbm>>
    %dma_start3A_12 = tpu.memref_squeeze %dma_start3A_11 : memref<1x1x1x25x80xi32, #tpu.memory_space<hbm>> -> memref<25x80xi32, #tpu.memory_space<hbm>>
    tpu.enqueue_dma source(%dma_start3A_12 : memref<25x80xi32, #tpu.memory_space<hbm>>) target(%arg5 : memref<25x80xi32, #tpu.memory_space<vmem>>) target_semaphore(%arg11 : memref<!tpu.dma_semaphore, #tpu.memory_space<semaphore_mem>>)
    %dma_start3A_13 = arith.constant 1 : i32
    %dma_start3A_14 = arith.constant 0 : i32
    %dma_start3A_15 = arith.constant 0 : i32
    %dma_start3A_16 = arith.constant 0 : i32
    %dma_start3A_17 = tpu.memref_slice %arg2[%dma_start3A_13, %add3A, %dma_start3A_14, %dma_start3A_15, %dma_start3A_16] : memref<2x32x5x25x80xi32, #tpu.memory_space<hbm>> -> memref<1x1x1x25x80xi32, #tpu.memory_space<hbm>>
    %dma_start3A_18 = tpu.memref_squeeze %dma_start3A_17 : memref<1x1x1x25x80xi32, #tpu.memory_space<hbm>> -> memref<25x80xi32, #tpu.memory_space<hbm>>
    %dma_start3A_19 = arith.constant 0 : i32
    %dma_start3A_20 = arith.constant 0 : i32
    %dma_start3A_21 = tpu.memref_slice %arg2[%dma_start3A_13, %add3A, %dma_start3A_14, %dma_start3A_19, %dma_start3A_20] : memref<2x32x5x25x80xi32, #tpu.memory_space<hbm>> -> memref<1x1x1x25x80xi32, #tpu.memory_space<hbm>>
    %dma_start3A_22 = tpu.memref_squeeze %dma_start3A_21 : memref<1x1x1x25x80xi32, #tpu.memory_space<hbm>> -> memref<25x80xi32, #tpu.memory_space<hbm>>
    tpu.enqueue_dma source(%dma_start3A_22 : memref<25x80xi32, #tpu.memory_space<hbm>>) target(%arg6 : memref<25x80xi32, #tpu.memory_space<vmem>>) target_semaphore(%arg12 : memref<!tpu.dma_semaphore, #tpu.memory_space<semaphore_mem>>)
    %scan3A = arith.constant 0 : i32
    %scan3A_23 = arith.constant 0 : i32
    %scan3A_24 = arith.constant 48 : i32
    %scan3A_25 = arith.addi %scan3A_23, %scan3A_24 : i32
    %scan3A_26 = arith.constant 1 : i32
    scf.for %scan3A_436 = %scan3A_23 to %scan3A_25 step %scan3A_26  : i32 {
      %swap3A = arith.index_cast %scan3A_436 : i32 to index
      %swap3A_437 = arith.constant 0 : index
      %swap3A_438 = tpu.vector_load %arg7[%swap3A, %swap3A_437] {strides = array<i32>} : memref<80x128xf32, #tpu.memory_space<vmem>>, vector<16xf32>,
      tpu.vector_store %arg7[%swap3A, %swap3A_437], %broadcast_in_dim3A_3 {strides = array<i32>} : memref<80x128xf32, #tpu.memory_space<vmem>>, vector<16xf32>,
      %swap3A_439 = arith.index_cast %scan3A_436 : i32 to index
      %swap3A_440 = arith.constant 16 : index
      %swap3A_441 = tpu.vector_load %arg7[%swap3A_439, %swap3A_440] {strides = array<i32>} : memref<80x128xf32, #tpu.memory_space<vmem>>, vector<16xf32>,
      tpu.vector_store %arg7[%swap3A_439, %swap3A_440], %broadcast_in_dim3A_3 {strides = array<i32>} : memref<80x128xf32, #tpu.memory_space<vmem>>, vector<16xf32>,
      %swap3A_442 = arith.index_cast %scan3A_436 : i32 to index
      %swap3A_443 = arith.constant 32 : index
      %swap3A_444 = tpu.vector_load %arg7[%swap3A_442, %swap3A_443] {strides = array<i32>} : memref<80x128xf32, #tpu.memory_space<vmem>>, vector<16xf32>,
      tpu.vector_store %arg7[%swap3A_442, %swap3A_443], %broadcast_in_dim3A_3 {strides = array<i32>} : memref<80x128xf32, #tpu.memory_space<vmem>>, vector<16xf32>,
      %swap3A_445 = arith.index_cast %scan3A_436 : i32 to index
      %swap3A_446 = arith.constant 48 : index
      %swap3A_447 = tpu.vector_load %arg7[%swap3A_445, %swap3A_446] {strides = array<i32>} : memref<80x128xf32, #tpu.memory_space<vmem>>, vector<16xf32>,
      tpu.vector_store %arg7[%swap3A_445, %swap3A_446], %broadcast_in_dim3A_3 {strides = array<i32>} : memref<80x128xf32, #tpu.memory_space<vmem>>, vector<16xf32>,
      %swap3A_448 = arith.index_cast %scan3A_436 : i32 to index
      %swap3A_449 = arith.constant 64 : index
      %swap3A_450 = tpu.vector_load %arg7[%swap3A_448, %swap3A_449] {strides = array<i32>} : memref<80x128xf32, #tpu.memory_space<vmem>>, vector<16xf32>,
      tpu.vector_store %arg7[%swap3A_448, %swap3A_449], %broadcast_in_dim3A_3 {strides = array<i32>} : memref<80x128xf32, #tpu.memory_space<vmem>>, vector<16xf32>,
      %swap3A_451 = arith.index_cast %scan3A_436 : i32 to index
      %swap3A_452 = arith.constant 80 : index
      %swap3A_453 = tpu.vector_load %arg7[%swap3A_451, %swap3A_452] {strides = array<i32>} : memref<80x128xf32, #tpu.memory_space<vmem>>, vector<16xf32>,
      tpu.vector_store %arg7[%swap3A_451, %swap3A_452], %broadcast_in_dim3A_3 {strides = array<i32>} : memref<80x128xf32, #tpu.memory_space<vmem>>, vector<16xf32>,
      %swap3A_454 = arith.index_cast %scan3A_436 : i32 to index
      %swap3A_455 = arith.constant 96 : index
      %swap3A_456 = tpu.vector_load %arg7[%swap3A_454, %swap3A_455] {strides = array<i32>} : memref<80x128xf32, #tpu.memory_space<vmem>>, vector<16xf32>,
      tpu.vector_store %arg7[%swap3A_454, %swap3A_455], %broadcast_in_dim3A_3 {strides = array<i32>} : memref<80x128xf32, #tpu.memory_space<vmem>>, vector<16xf32>,
      %swap3A_457 = arith.index_cast %scan3A_436 : i32 to index
      %swap3A_458 = arith.constant 112 : index
      %swap3A_459 = tpu.vector_load %arg7[%swap3A_457, %swap3A_458] {strides = array<i32>} : memref<80x128xf32, #tpu.memory_space<vmem>>, vector<16xf32>,
      tpu.vector_store %arg7[%swap3A_457, %swap3A_458], %broadcast_in_dim3A_3 {strides = array<i32>} : memref<80x128xf32, #tpu.memory_space<vmem>>, vector<16xf32>,
    }
    %scan3A_27 = arith.constant 48 : i32
    %mul3A_28 = arith.constant 624 : i32
    %mul3A_29 = arith.muli %arg1, %mul3A_28 : i32
    %add3A_30 = arith.constant 0 : i32
    %add3A_31 = arith.addi %mul3A_29, %add3A_30 : i32
    %dma_start3A_32 = arith.constant 0 : i32
    %dma_start3A_33 = arith.constant 0 : i32
    %dma_start3A_34 = tpu.memref_slice %arg7[%dma_start3A_32, %dma_start3A_33] : memref<80x128xf32, #tpu.memory_space<vmem>> -> memref<48x128xf32, #tpu.memory_space<vmem>>
    %dma_start3A_35 = arith.constant 0 : i32
    %dma_start3A_36 = tpu.memref_slice %arg10[%add3A_31, %dma_start3A_35] : memref<10000x128xf32, #tpu.memory_space<vmem_shared>> -> memref<48x128xf32, #tpu.memory_space<vmem_shared>>
    %dma_start3A_37 = arith.constant 0 : i32
    %dma_start3A_38 = tpu.memref_slice %arg10[%add3A_31, %dma_start3A_37] : memref<10000x128xf32, #tpu.memory_space<vmem_shared>> -> memref<48x128xf32, #tpu.memory_space<vmem_shared>>
    %dma_start3A_39 = arith.constant 0 : i32
    %dma_start3A_40 = arith.constant 0 : i32
    %dma_start3A_41 = tpu.memref_slice %arg7[%dma_start3A_39, %dma_start3A_40] : memref<80x128xf32, #tpu.memory_space<vmem>> -> memref<48x128xf32, #tpu.memory_space<vmem>>
    tpu.enqueue_dma source(%dma_start3A_41 : memref<48x128xf32, #tpu.memory_space<vmem>>) target(%dma_start3A_38 : memref<48x128xf32, #tpu.memory_space<vmem_shared>>) target_semaphore(%arg14 : memref<!tpu.dma_semaphore, #tpu.memory_space<semaphore_mem>>)
    %mul3A_42 = arith.constant 624 : i32
    %mul3A_43 = arith.muli %arg1, %mul3A_42 : i32
    %add3A_44 = arith.constant 48 : i32
    %add3A_45 = arith.addi %mul3A_43, %add3A_44 : i32
    %dma_start3A_46 = arith.constant 0 : i32
    %dma_start3A_47 = arith.constant 0 : i32
    %dma_start3A_48 = tpu.memref_slice %arg7[%dma_start3A_46, %dma_start3A_47] : memref<80x128xf32, #tpu.memory_space<vmem>> -> memref<48x128xf32, #tpu.memory_space<vmem>>
    %dma_start3A_49 = arith.constant 0 : i32
    %dma_start3A_50 = tpu.memref_slice %arg10[%add3A_45, %dma_start3A_49] : memref<10000x128xf32, #tpu.memory_space<vmem_shared>> -> memref<48x128xf32, #tpu.memory_space<vmem_shared>>
    %dma_start3A_51 = arith.constant 0 : i32
    %dma_start3A_52 = tpu.memref_slice %arg10[%add3A_45, %dma_start3A_51] : memref<10000x128xf32, #tpu.memory_space<vmem_shared>> -> memref<48x128xf32, #tpu.memory_space<vmem_shared>>
    %dma_start3A_53 = arith.constant 0 : i32
    %dma_start3A_54 = arith.constant 0 : i32
    %dma_start3A_55 = tpu.memref_slice %arg7[%dma_start3A_53, %dma_start3A_54] : memref<80x128xf32, #tpu.memory_space<vmem>> -> memref<48x128xf32, #tpu.memory_space<vmem>>
    tpu.enqueue_dma source(%dma_start3A_55 : memref<48x128xf32, #tpu.memory_space<vmem>>) target(%dma_start3A_52 : memref<48x128xf32, #tpu.memory_space<vmem_shared>>) target_semaphore(%arg14 : memref<!tpu.dma_semaphore, #tpu.memory_space<semaphore_mem>>)
    %mul3A_56 = arith.constant 624 : i32
    %mul3A_57 = arith.muli %arg1, %mul3A_56 : i32
    %add3A_58 = arith.constant 96 : i32
    %add3A_59 = arith.addi %mul3A_57, %add3A_58 : i32
    %dma_start3A_60 = arith.constant 0 : i32
    %dma_start3A_61 = arith.constant 0 : i32
    %dma_start3A_62 = tpu.memref_slice %arg7[%dma_start3A_60, %dma_start3A_61] : memref<80x128xf32, #tpu.memory_space<vmem>> -> memref<48x128xf32, #tpu.memory_space<vmem>>
    %dma_start3A_63 = arith.constant 0 : i32
    %dma_start3A_64 = tpu.memref_slice %arg10[%add3A_59, %dma_start3A_63] : memref<10000x128xf32, #tpu.memory_space<vmem_shared>> -> memref<48x128xf32, #tpu.memory_space<vmem_shared>>
    %dma_start3A_65 = arith.constant 0 : i32
    %dma_start3A_66 = tpu.memref_slice %arg10[%add3A_59, %dma_start3A_65] : memref<10000x128xf32, #tpu.memory_space<vmem_shared>> -> memref<48x128xf32, #tpu.memory_space<vmem_shared>>
    %dma_start3A_67 = arith.constant 0 : i32
    %dma_start3A_68 = arith.constant 0 : i32
    %dma_start3A_69 = tpu.memref_slice %arg7[%dma_start3A_67, %dma_start3A_68] : memref<80x128xf32, #tpu.memory_space<vmem>> -> memref<48x128xf32, #tpu.memory_space<vmem>>
    tpu.enqueue_dma source(%dma_start3A_69 : memref<48x128xf32, #tpu.memory_space<vmem>>) target(%dma_start3A_66 : memref<48x128xf32, #tpu.memory_space<vmem_shared>>) target_semaphore(%arg14 : memref<!tpu.dma_semaphore, #tpu.memory_space<semaphore_mem>>)
    %mul3A_70 = arith.constant 624 : i32
    %mul3A_71 = arith.muli %arg1, %mul3A_70 : i32
    %add3A_72 = arith.constant 144 : i32
    %add3A_73 = arith.addi %mul3A_71, %add3A_72 : i32
    %dma_start3A_74 = arith.constant 0 : i32
    %dma_start3A_75 = arith.constant 0 : i32
    %dma_start3A_76 = tpu.memref_slice %arg7[%dma_start3A_74, %dma_start3A_75] : memref<80x128xf32, #tpu.memory_space<vmem>> -> memref<48x128xf32, #tpu.memory_space<vmem>>
    %dma_start3A_77 = arith.constant 0 : i32
    %dma_start3A_78 = tpu.memref_slice %arg10[%add3A_73, %dma_start3A_77] : memref<10000x128xf32, #tpu.memory_space<vmem_shared>> -> memref<48x128xf32, #tpu.memory_space<vmem_shared>>
    %dma_start3A_79 = arith.constant 0 : i32
    %dma_start3A_80 = tpu.memref_slice %arg10[%add3A_73, %dma_start3A_79] : memref<10000x128xf32, #tpu.memory_space<vmem_shared>> -> memref<48x128xf32, #tpu.memory_space<vmem_shared>>
    %dma_start3A_81 = arith.constant 0 : i32
    %dma_start3A_82 = arith.constant 0 : i32
    %dma_start3A_83 = tpu.memref_slice %arg7[%dma_start3A_81, %dma_start3A_82] : memref<80x128xf32, #tpu.memory_space<vmem>> -> memref<48x128xf32, #tpu.memory_space<vmem>>
    tpu.enqueue_dma source(%dma_start3A_83 : memref<48x128xf32, #tpu.memory_space<vmem>>) target(%dma_start3A_80 : memref<48x128xf32, #tpu.memory_space<vmem_shared>>) target_semaphore(%arg14 : memref<!tpu.dma_semaphore, #tpu.memory_space<semaphore_mem>>)
    %mul3A_84 = arith.constant 624 : i32
    %mul3A_85 = arith.muli %arg1, %mul3A_84 : i32
    %add3A_86 = arith.constant 192 : i32
    %add3A_87 = arith.addi %mul3A_85, %add3A_86 : i32
    %dma_start3A_88 = arith.constant 0 : i32
    %dma_start3A_89 = arith.constant 0 : i32
    %dma_start3A_90 = tpu.memref_slice %arg7[%dma_start3A_88, %dma_start3A_89] : memref<80x128xf32, #tpu.memory_space<vmem>> -> memref<48x128xf32, #tpu.memory_space<vmem>>
    %dma_start3A_91 = arith.constant 0 : i32
    %dma_start3A_92 = tpu.memref_slice %arg10[%add3A_87, %dma_start3A_91] : memref<10000x128xf32, #tpu.memory_space<vmem_shared>> -> memref<48x128xf32, #tpu.memory_space<vmem_shared>>
    %dma_start3A_93 = arith.constant 0 : i32
    %dma_start3A_94 = tpu.memref_slice %arg10[%add3A_87, %dma_start3A_93] : memref<10000x128xf32, #tpu.memory_space<vmem_shared>> -> memref<48x128xf32, #tpu.memory_space<vmem_shared>>
    %dma_start3A_95 = arith.constant 0 : i32
    %dma_start3A_96 = arith.constant 0 : i32
    %dma_start3A_97 = tpu.memref_slice %arg7[%dma_start3A_95, %dma_start3A_96] : memref<80x128xf32, #tpu.memory_space<vmem>> -> memref<48x128xf32, #tpu.memory_space<vmem>>
    tpu.enqueue_dma source(%dma_start3A_97 : memref<48x128xf32, #tpu.memory_space<vmem>>) target(%dma_start3A_94 : memref<48x128xf32, #tpu.memory_space<vmem_shared>>) target_semaphore(%arg14 : memref<!tpu.dma_semaphore, #tpu.memory_space<semaphore_mem>>)
    %mul3A_98 = arith.constant 624 : i32
    %mul3A_99 = arith.muli %arg1, %mul3A_98 : i32
    %add3A_100 = arith.constant 240 : i32
    %add3A_101 = arith.addi %mul3A_99, %add3A_100 : i32
    %dma_start3A_102 = arith.constant 0 : i32
    %dma_start3A_103 = arith.constant 0 : i32
    %dma_start3A_104 = tpu.memref_slice %arg7[%dma_start3A_102, %dma_start3A_103] : memref<80x128xf32, #tpu.memory_space<vmem>> -> memref<48x128xf32, #tpu.memory_space<vmem>>
    %dma_start3A_105 = arith.constant 0 : i32
    %dma_start3A_106 = tpu.memref_slice %arg10[%add3A_101, %dma_start3A_105] : memref<10000x128xf32, #tpu.memory_space<vmem_shared>> -> memref<48x128xf32, #tpu.memory_space<vmem_shared>>
    %dma_start3A_107 = arith.constant 0 : i32
    %dma_start3A_108 = tpu.memref_slice %arg10[%add3A_101, %dma_start3A_107] : memref<10000x128xf32, #tpu.memory_space<vmem_shared>> -> memref<48x128xf32, #tpu.memory_space<vmem_shared>>
    %dma_start3A_109 = arith.constant 0 : i32
    %dma_start3A_110 = arith.constant 0 : i32
    %dma_start3A_111 = tpu.memref_slice %arg7[%dma_start3A_109, %dma_start3A_110] : memref<80x128xf32, #tpu.memory_space<vmem>> -> memref<48x128xf32, #tpu.memory_space<vmem>>
    tpu.enqueue_dma source(%dma_start3A_111 : memref<48x128xf32, #tpu.memory_space<vmem>>) target(%dma_start3A_108 : memref<48x128xf32, #tpu.memory_space<vmem_shared>>) target_semaphore(%arg14 : memref<!tpu.dma_semaphore, #tpu.memory_space<semaphore_mem>>)
    %mul3A_112 = arith.constant 624 : i32
    %mul3A_113 = arith.muli %arg1, %mul3A_112 : i32
    %add3A_114 = arith.constant 288 : i32
    %add3A_115 = arith.addi %mul3A_113, %add3A_114 : i32
    %dma_start3A_116 = arith.constant 0 : i32
    %dma_start3A_117 = arith.constant 0 : i32
    %dma_start3A_118 = tpu.memref_slice %arg7[%dma_start3A_116, %dma_start3A_117] : memref<80x128xf32, #tpu.memory_space<vmem>> -> memref<48x128xf32, #tpu.memory_space<vmem>>
    %dma_start3A_119 = arith.constant 0 : i32
    %dma_start3A_120 = tpu.memref_slice %arg10[%add3A_115, %dma_start3A_119] : memref<10000x128xf32, #tpu.memory_space<vmem_shared>> -> memref<48x128xf32, #tpu.memory_space<vmem_shared>>
    %dma_start3A_121 = arith.constant 0 : i32
    %dma_start3A_122 = tpu.memref_slice %arg10[%add3A_115, %dma_start3A_121] : memref<10000x128xf32, #tpu.memory_space<vmem_shared>> -> memref<48x128xf32, #tpu.memory_space<vmem_shared>>
    %dma_start3A_123 = arith.constant 0 : i32
    %dma_start3A_124 = arith.constant 0 : i32
    %dma_start3A_125 = tpu.memref_slice %arg7[%dma_start3A_123, %dma_start3A_124] : memref<80x128xf32, #tpu.memory_space<vmem>> -> memref<48x128xf32, #tpu.memory_space<vmem>>
    tpu.enqueue_dma source(%dma_start3A_125 : memref<48x128xf32, #tpu.memory_space<vmem>>) target(%dma_start3A_122 : memref<48x128xf32, #tpu.memory_space<vmem_shared>>) target_semaphore(%arg14 : memref<!tpu.dma_semaphore, #tpu.memory_space<semaphore_mem>>)
    %mul3A_126 = arith.constant 624 : i32
    %mul3A_127 = arith.muli %arg1, %mul3A_126 : i32
    %add3A_128 = arith.constant 336 : i32
    %add3A_129 = arith.addi %mul3A_127, %add3A_128 : i32
    %dma_start3A_130 = arith.constant 0 : i32
    %dma_start3A_131 = arith.constant 0 : i32
    %dma_start3A_132 = tpu.memref_slice %arg7[%dma_start3A_130, %dma_start3A_131] : memref<80x128xf32, #tpu.memory_space<vmem>> -> memref<48x128xf32, #tpu.memory_space<vmem>>
    %dma_start3A_133 = arith.constant 0 : i32
    %dma_start3A_134 = tpu.memref_slice %arg10[%add3A_129, %dma_start3A_133] : memref<10000x128xf32, #tpu.memory_space<vmem_shared>> -> memref<48x128xf32, #tpu.memory_space<vmem_shared>>
    %dma_start3A_135 = arith.constant 0 : i32
    %dma_start3A_136 = tpu.memref_slice %arg10[%add3A_129, %dma_start3A_135] : memref<10000x128xf32, #tpu.memory_space<vmem_shared>> -> memref<48x128xf32, #tpu.memory_space<vmem_shared>>
    %dma_start3A_137 = arith.constant 0 : i32
    %dma_start3A_138 = arith.constant 0 : i32
    %dma_start3A_139 = tpu.memref_slice %arg7[%dma_start3A_137, %dma_start3A_138] : memref<80x128xf32, #tpu.memory_space<vmem>> -> memref<48x128xf32, #tpu.memory_space<vmem>>
    tpu.enqueue_dma source(%dma_start3A_139 : memref<48x128xf32, #tpu.memory_space<vmem>>) target(%dma_start3A_136 : memref<48x128xf32, #tpu.memory_space<vmem_shared>>) target_semaphore(%arg14 : memref<!tpu.dma_semaphore, #tpu.memory_space<semaphore_mem>>)
    %mul3A_140 = arith.constant 624 : i32
    %mul3A_141 = arith.muli %arg1, %mul3A_140 : i32
    %add3A_142 = arith.constant 384 : i32
    %add3A_143 = arith.addi %mul3A_141, %add3A_142 : i32
    %dma_start3A_144 = arith.constant 0 : i32
    %dma_start3A_145 = arith.constant 0 : i32
    %dma_start3A_146 = tpu.memref_slice %arg7[%dma_start3A_144, %dma_start3A_145] : memref<80x128xf32, #tpu.memory_space<vmem>> -> memref<48x128xf32, #tpu.memory_space<vmem>>
    %dma_start3A_147 = arith.constant 0 : i32
    %dma_start3A_148 = tpu.memref_slice %arg10[%add3A_143, %dma_start3A_147] : memref<10000x128xf32, #tpu.memory_space<vmem_shared>> -> memref<48x128xf32, #tpu.memory_space<vmem_shared>>
    %dma_start3A_149 = arith.constant 0 : i32
    %dma_start3A_150 = tpu.memref_slice %arg10[%add3A_143, %dma_start3A_149] : memref<10000x128xf32, #tpu.memory_space<vmem_shared>> -> memref<48x128xf32, #tpu.memory_space<vmem_shared>>
    %dma_start3A_151 = arith.constant 0 : i32
    %dma_start3A_152 = arith.constant 0 : i32
    %dma_start3A_153 = tpu.memref_slice %arg7[%dma_start3A_151, %dma_start3A_152] : memref<80x128xf32, #tpu.memory_space<vmem>> -> memref<48x128xf32, #tpu.memory_space<vmem>>
    tpu.enqueue_dma source(%dma_start3A_153 : memref<48x128xf32, #tpu.memory_space<vmem>>) target(%dma_start3A_150 : memref<48x128xf32, #tpu.memory_space<vmem_shared>>) target_semaphore(%arg14 : memref<!tpu.dma_semaphore, #tpu.memory_space<semaphore_mem>>)
    %mul3A_154 = arith.constant 624 : i32
    %mul3A_155 = arith.muli %arg1, %mul3A_154 : i32
    %add3A_156 = arith.constant 432 : i32
    %add3A_157 = arith.addi %mul3A_155, %add3A_156 : i32
    %dma_start3A_158 = arith.constant 0 : i32
    %dma_start3A_159 = arith.constant 0 : i32
    %dma_start3A_160 = tpu.memref_slice %arg7[%dma_start3A_158, %dma_start3A_159] : memref<80x128xf32, #tpu.memory_space<vmem>> -> memref<48x128xf32, #tpu.memory_space<vmem>>
    %dma_start3A_161 = arith.constant 0 : i32
    %dma_start3A_162 = tpu.memref_slice %arg10[%add3A_157, %dma_start3A_161] : memref<10000x128xf32, #tpu.memory_space<vmem_shared>> -> memref<48x128xf32, #tpu.memory_space<vmem_shared>>
    %dma_start3A_163 = arith.constant 0 : i32
    %dma_start3A_164 = tpu.memref_slice %arg10[%add3A_157, %dma_start3A_163] : memref<10000x128xf32, #tpu.memory_space<vmem_shared>> -> memref<48x128xf32, #tpu.memory_space<vmem_shared>>
    %dma_start3A_165 = arith.constant 0 : i32
    %dma_start3A_166 = arith.constant 0 : i32
    %dma_start3A_167 = tpu.memref_slice %arg7[%dma_start3A_165, %dma_start3A_166] : memref<80x128xf32, #tpu.memory_space<vmem>> -> memref<48x128xf32, #tpu.memory_space<vmem>>
    tpu.enqueue_dma source(%dma_start3A_167 : memref<48x128xf32, #tpu.memory_space<vmem>>) target(%dma_start3A_164 : memref<48x128xf32, #tpu.memory_space<vmem_shared>>) target_semaphore(%arg14 : memref<!tpu.dma_semaphore, #tpu.memory_space<semaphore_mem>>)
    %mul3A_168 = arith.constant 624 : i32
    %mul3A_169 = arith.muli %arg1, %mul3A_168 : i32
    %add3A_170 = arith.constant 480 : i32
    %add3A_171 = arith.addi %mul3A_169, %add3A_170 : i32
    %dma_start3A_172 = arith.constant 0 : i32
    %dma_start3A_173 = arith.constant 0 : i32
    %dma_start3A_174 = tpu.memref_slice %arg7[%dma_start3A_172, %dma_start3A_173] : memref<80x128xf32, #tpu.memory_space<vmem>> -> memref<48x128xf32, #tpu.memory_space<vmem>>
    %dma_start3A_175 = arith.constant 0 : i32
    %dma_start3A_176 = tpu.memref_slice %arg10[%add3A_171, %dma_start3A_175] : memref<10000x128xf32, #tpu.memory_space<vmem_shared>> -> memref<48x128xf32, #tpu.memory_space<vmem_shared>>
    %dma_start3A_177 = arith.constant 0 : i32
    %dma_start3A_178 = tpu.memref_slice %arg10[%add3A_171, %dma_start3A_177] : memref<10000x128xf32, #tpu.memory_space<vmem_shared>> -> memref<48x128xf32, #tpu.memory_space<vmem_shared>>
    %dma_start3A_179 = arith.constant 0 : i32
    %dma_start3A_180 = arith.constant 0 : i32
    %dma_start3A_181 = tpu.memref_slice %arg7[%dma_start3A_179, %dma_start3A_180] : memref<80x128xf32, #tpu.memory_space<vmem>> -> memref<48x128xf32, #tpu.memory_space<vmem>>
    tpu.enqueue_dma source(%dma_start3A_181 : memref<48x128xf32, #tpu.memory_space<vmem>>) target(%dma_start3A_178 : memref<48x128xf32, #tpu.memory_space<vmem_shared>>) target_semaphore(%arg14 : memref<!tpu.dma_semaphore, #tpu.memory_space<semaphore_mem>>)
    %mul3A_182 = arith.constant 624 : i32
    %mul3A_183 = arith.muli %arg1, %mul3A_182 : i32
    %add3A_184 = arith.constant 528 : i32
    %add3A_185 = arith.addi %mul3A_183, %add3A_184 : i32
    %dma_start3A_186 = arith.constant 0 : i32
    %dma_start3A_187 = arith.constant 0 : i32
    %dma_start3A_188 = tpu.memref_slice %arg7[%dma_start3A_186, %dma_start3A_187] : memref<80x128xf32, #tpu.memory_space<vmem>> -> memref<48x128xf32, #tpu.memory_space<vmem>>
    %dma_start3A_189 = arith.constant 0 : i32
    %dma_start3A_190 = tpu.memref_slice %arg10[%add3A_185, %dma_start3A_189] : memref<10000x128xf32, #tpu.memory_space<vmem_shared>> -> memref<48x128xf32, #tpu.memory_space<vmem_shared>>
    %dma_start3A_191 = arith.constant 0 : i32
    %dma_start3A_192 = tpu.memref_slice %arg10[%add3A_185, %dma_start3A_191] : memref<10000x128xf32, #tpu.memory_space<vmem_shared>> -> memref<48x128xf32, #tpu.memory_space<vmem_shared>>
    %dma_start3A_193 = arith.constant 0 : i32
    %dma_start3A_194 = arith.constant 0 : i32
    %dma_start3A_195 = tpu.memref_slice %arg7[%dma_start3A_193, %dma_start3A_194] : memref<80x128xf32, #tpu.memory_space<vmem>> -> memref<48x128xf32, #tpu.memory_space<vmem>>
    tpu.enqueue_dma source(%dma_start3A_195 : memref<48x128xf32, #tpu.memory_space<vmem>>) target(%dma_start3A_192 : memref<48x128xf32, #tpu.memory_space<vmem_shared>>) target_semaphore(%arg14 : memref<!tpu.dma_semaphore, #tpu.memory_space<semaphore_mem>>)
    %mul3A_196 = arith.constant 624 : i32
    %mul3A_197 = arith.muli %arg1, %mul3A_196 : i32
    %add3A_198 = arith.constant 576 : i32
    %add3A_199 = arith.addi %mul3A_197, %add3A_198 : i32
    %dma_start3A_200 = arith.constant 0 : i32
    %dma_start3A_201 = arith.constant 0 : i32
    %dma_start3A_202 = tpu.memref_slice %arg7[%dma_start3A_200, %dma_start3A_201] : memref<80x128xf32, #tpu.memory_space<vmem>> -> memref<48x128xf32, #tpu.memory_space<vmem>>
    %dma_start3A_203 = arith.constant 0 : i32
    %dma_start3A_204 = tpu.memref_slice %arg10[%add3A_199, %dma_start3A_203] : memref<10000x128xf32, #tpu.memory_space<vmem_shared>> -> memref<48x128xf32, #tpu.memory_space<vmem_shared>>
    %dma_start3A_205 = arith.constant 0 : i32
    %dma_start3A_206 = tpu.memref_slice %arg10[%add3A_199, %dma_start3A_205] : memref<10000x128xf32, #tpu.memory_space<vmem_shared>> -> memref<48x128xf32, #tpu.memory_space<vmem_shared>>
    %dma_start3A_207 = arith.constant 0 : i32
    %dma_start3A_208 = arith.constant 0 : i32
    %dma_start3A_209 = tpu.memref_slice %arg7[%dma_start3A_207, %dma_start3A_208] : memref<80x128xf32, #tpu.memory_space<vmem>> -> memref<48x128xf32, #tpu.memory_space<vmem>>
    tpu.enqueue_dma source(%dma_start3A_209 : memref<48x128xf32, #tpu.memory_space<vmem>>) target(%dma_start3A_206 : memref<48x128xf32, #tpu.memory_space<vmem_shared>>) target_semaphore(%arg14 : memref<!tpu.dma_semaphore, #tpu.memory_space<semaphore_mem>>)
    %eq3A = arith.constant 15 : i32
    %eq3A_210 = arith.cmpi eq, %arg1, %eq3A : i32
    %convert_element_type3A = arith.extui %eq3A_210 : i1 to i32
    %cond3A = arith.constant 0 : i32
    %cond3A_211 = arith.cmpi ne, %convert_element_type3A, %cond3A : i32
    scf.if %cond3A_211 {
      %dma_start3A_436 = arith.constant 0 : i32
      %dma_start3A_437 = arith.constant 0 : i32
      %dma_start3A_438 = tpu.memref_slice %arg7[%dma_start3A_436, %dma_start3A_437] : memref<80x128xf32, #tpu.memory_space<vmem>> -> memref<16x128xf32, #tpu.memory_space<vmem>>
      %dma_start3A_439 = arith.constant 9984 : i32
      %dma_start3A_440 = arith.constant 0 : i32
      %dma_start3A_441 = tpu.memref_slice %arg10[%dma_start3A_439, %dma_start3A_440] : memref<10000x128xf32, #tpu.memory_space<vmem_shared>> -> memref<16x128xf32, #tpu.memory_space<vmem_shared>>
      %dma_start3A_442 = arith.constant 9984 : i32
      %dma_start3A_443 = arith.constant 0 : i32
      %dma_start3A_444 = tpu.memref_slice %arg10[%dma_start3A_442, %dma_start3A_443] : memref<10000x128xf32, #tpu.memory_space<vmem_shared>> -> memref<16x128xf32, #tpu.memory_space<vmem_shared>>
      %dma_start3A_445 = arith.constant 0 : i32
      %dma_start3A_446 = arith.constant 0 : i32
      %dma_start3A_447 = tpu.memref_slice %arg7[%dma_start3A_445, %dma_start3A_446] : memref<80x128xf32, #tpu.memory_space<vmem>> -> memref<16x128xf32, #tpu.memory_space<vmem>>
      tpu.enqueue_dma source(%dma_start3A_447 : memref<16x128xf32, #tpu.memory_space<vmem>>) target(%dma_start3A_444 : memref<16x128xf32, #tpu.memory_space<vmem_shared>>) target_semaphore(%arg15 : memref<!tpu.dma_semaphore, #tpu.memory_space<semaphore_mem>>)
    } else {
    }
    %mul3A_212 = arith.constant 624 : i32
    %mul3A_213 = arith.muli %arg1, %mul3A_212 : i32
    %add3A_214 = arith.constant 0 : i32
    %add3A_215 = arith.addi %mul3A_213, %add3A_214 : i32
    %dma_wait3A = arith.constant 0 : i32
    %dma_wait3A_216 = arith.constant 0 : i32
    %dma_wait3A_217 = tpu.memref_slice %arg7[%dma_wait3A, %dma_wait3A_216] : memref<80x128xf32, #tpu.memory_space<vmem>> -> memref<48x128xf32, #tpu.memory_space<vmem>>
    %dma_wait3A_218 = arith.constant 0 : i32
    %dma_wait3A_219 = tpu.memref_slice %arg10[%add3A_215, %dma_wait3A_218] : memref<10000x128xf32, #tpu.memory_space<vmem_shared>> -> memref<48x128xf32, #tpu.memory_space<vmem_shared>>
    %dma_wait3A_220 = arith.constant 0 : i32
    %dma_wait3A_221 = tpu.memref_slice %arg10[%add3A_215, %dma_wait3A_220] : memref<10000x128xf32, #tpu.memory_space<vmem_shared>> -> memref<48x128xf32, #tpu.memory_space<vmem_shared>>
    %dma_wait3A_222 = arith.constant 0 : i32
    %dma_wait3A_223 = arith.constant 0 : i32
    %dma_wait3A_224 = tpu.memref_slice %arg7[%dma_wait3A_222, %dma_wait3A_223] : memref<80x128xf32, #tpu.memory_space<vmem>> -> memref<48x128xf32, #tpu.memory_space<vmem>>
    tpu.wait_dma2 semaphore(%arg14 : memref<!tpu.dma_semaphore, #tpu.memory_space<semaphore_mem>>) src(%dma_wait3A_224 : memref<48x128xf32, #tpu.memory_space<vmem>>) dst(%dma_wait3A_221 : memref<48x128xf32, #tpu.memory_space<vmem_shared>>)
    %mul3A_225 = arith.constant 624 : i32
    %mul3A_226 = arith.muli %arg1, %mul3A_225 : i32
    %add3A_227 = arith.constant 48 : i32
    %add3A_228 = arith.addi %mul3A_226, %add3A_227 : i32
    %dma_wait3A_229 = arith.constant 0 : i32
    %dma_wait3A_230 = arith.constant 0 : i32
    %dma_wait3A_231 = tpu.memref_slice %arg7[%dma_wait3A_229, %dma_wait3A_230] : memref<80x128xf32, #tpu.memory_space<vmem>> -> memref<48x128xf32, #tpu.memory_space<vmem>>
    %dma_wait3A_232 = arith.constant 0 : i32
    %dma_wait3A_233 = tpu.memref_slice %arg10[%add3A_228, %dma_wait3A_232] : memref<10000x128xf32, #tpu.memory_space<vmem_shared>> -> memref<48x128xf32, #tpu.memory_space<vmem_shared>>
    %dma_wait3A_234 = arith.constant 0 : i32
    %dma_wait3A_235 = tpu.memref_slice %arg10[%add3A_228, %dma_wait3A_234] : memref<10000x128xf32, #tpu.memory_space<vmem_shared>> -> memref<48x128xf32, #tpu.memory_space<vmem_shared>>
    %dma_wait3A_236 = arith.constant 0 : i32
    %dma_wait3A_237 = arith.constant 0 : i32
    %dma_wait3A_238 = tpu.memref_slice %arg7[%dma_wait3A_236, %dma_wait3A_237] : memref<80x128xf32, #tpu.memory_space<vmem>> -> memref<48x128xf32, #tpu.memory_space<vmem>>
    tpu.wait_dma2 semaphore(%arg14 : memref<!tpu.dma_semaphore, #tpu.memory_space<semaphore_mem>>) src(%dma_wait3A_238 : memref<48x128xf32, #tpu.memory_space<vmem>>) dst(%dma_wait3A_235 : memref<48x128xf32, #tpu.memory_space<vmem_shared>>)
    %mul3A_239 = arith.constant 624 : i32
    %mul3A_240 = arith.muli %arg1, %mul3A_239 : i32
    %add3A_241 = arith.constant 96 : i32
    %add3A_242 = arith.addi %mul3A_240, %add3A_241 : i32
    %dma_wait3A_243 = arith.constant 0 : i32
    %dma_wait3A_244 = arith.constant 0 : i32
    %dma_wait3A_245 = tpu.memref_slice %arg7[%dma_wait3A_243, %dma_wait3A_244] : memref<80x128xf32, #tpu.memory_space<vmem>> -> memref<48x128xf32, #tpu.memory_space<vmem>>
    %dma_wait3A_246 = arith.constant 0 : i32
    %dma_wait3A_247 = tpu.memref_slice %arg10[%add3A_242, %dma_wait3A_246] : memref<10000x128xf32, #tpu.memory_space<vmem_shared>> -> memref<48x128xf32, #tpu.memory_space<vmem_shared>>
    %dma_wait3A_248 = arith.constant 0 : i32
    %dma_wait3A_249 = tpu.memref_slice %arg10[%add3A_242, %dma_wait3A_248] : memref<10000x128xf32, #tpu.memory_space<vmem_shared>> -> memref<48x128xf32, #tpu.memory_space<vmem_shared>>
    %dma_wait3A_250 = arith.constant 0 : i32
    %dma_wait3A_251 = arith.constant 0 : i32
    %dma_wait3A_252 = tpu.memref_slice %arg7[%dma_wait3A_250, %dma_wait3A_251] : memref<80x128xf32, #tpu.memory_space<vmem>> -> memref<48x128xf32, #tpu.memory_space<vmem>>
    tpu.wait_dma2 semaphore(%arg14 : memref<!tpu.dma_semaphore, #tpu.memory_space<semaphore_mem>>) src(%dma_wait3A_252 : memref<48x128xf32, #tpu.memory_space<vmem>>) dst(%dma_wait3A_249 : memref<48x128xf32, #tpu.memory_space<vmem_shared>>)
    %mul3A_253 = arith.constant 624 : i32
    %mul3A_254 = arith.muli %arg1, %mul3A_253 : i32
    %add3A_255 = arith.constant 144 : i32
    %add3A_256 = arith.addi %mul3A_254, %add3A_255 : i32
    %dma_wait3A_257 = arith.constant 0 : i32
    %dma_wait3A_258 = arith.constant 0 : i32
    %dma_wait3A_259 = tpu.memref_slice %arg7[%dma_wait3A_257, %dma_wait3A_258] : memref<80x128xf32, #tpu.memory_space<vmem>> -> memref<48x128xf32, #tpu.memory_space<vmem>>
    %dma_wait3A_260 = arith.constant 0 : i32
    %dma_wait3A_261 = tpu.memref_slice %arg10[%add3A_256, %dma_wait3A_260] : memref<10000x128xf32, #tpu.memory_space<vmem_shared>> -> memref<48x128xf32, #tpu.memory_space<vmem_shared>>
    %dma_wait3A_262 = arith.constant 0 : i32
    %dma_wait3A_263 = tpu.memref_slice %arg10[%add3A_256, %dma_wait3A_262] : memref<10000x128xf32, #tpu.memory_space<vmem_shared>> -> memref<48x128xf32, #tpu.memory_space<vmem_shared>>
    %dma_wait3A_264 = arith.constant 0 : i32
    %dma_wait3A_265 = arith.constant 0 : i32
    %dma_wait3A_266 = tpu.memref_slice %arg7[%dma_wait3A_264, %dma_wait3A_265] : memref<80x128xf32, #tpu.memory_space<vmem>> -> memref<48x128xf32, #tpu.memory_space<vmem>>
    tpu.wait_dma2 semaphore(%arg14 : memref<!tpu.dma_semaphore, #tpu.memory_space<semaphore_mem>>) src(%dma_wait3A_266 : memref<48x128xf32, #tpu.memory_space<vmem>>) dst(%dma_wait3A_263 : memref<48x128xf32, #tpu.memory_space<vmem_shared>>)
    %mul3A_267 = arith.constant 624 : i32
    %mul3A_268 = arith.muli %arg1, %mul3A_267 : i32
    %add3A_269 = arith.constant 192 : i32
    %add3A_270 = arith.addi %mul3A_268, %add3A_269 : i32
    %dma_wait3A_271 = arith.constant 0 : i32
    %dma_wait3A_272 = arith.constant 0 : i32
    %dma_wait3A_273 = tpu.memref_slice %arg7[%dma_wait3A_271, %dma_wait3A_272] : memref<80x128xf32, #tpu.memory_space<vmem>> -> memref<48x128xf32, #tpu.memory_space<vmem>>
    %dma_wait3A_274 = arith.constant 0 : i32
    %dma_wait3A_275 = tpu.memref_slice %arg10[%add3A_270, %dma_wait3A_274] : memref<10000x128xf32, #tpu.memory_space<vmem_shared>> -> memref<48x128xf32, #tpu.memory_space<vmem_shared>>
    %dma_wait3A_276 = arith.constant 0 : i32
    %dma_wait3A_277 = tpu.memref_slice %arg10[%add3A_270, %dma_wait3A_276] : memref<10000x128xf32, #tpu.memory_space<vmem_shared>> -> memref<48x128xf32, #tpu.memory_space<vmem_shared>>
    %dma_wait3A_278 = arith.constant 0 : i32
    %dma_wait3A_279 = arith.constant 0 : i32
    %dma_wait3A_280 = tpu.memref_slice %arg7[%dma_wait3A_278, %dma_wait3A_279] : memref<80x128xf32, #tpu.memory_space<vmem>> -> memref<48x128xf32, #tpu.memory_space<vmem>>
    tpu.wait_dma2 semaphore(%arg14 : memref<!tpu.dma_semaphore, #tpu.memory_space<semaphore_mem>>) src(%dma_wait3A_280 : memref<48x128xf32, #tpu.memory_space<vmem>>) dst(%dma_wait3A_277 : memref<48x128xf32, #tpu.memory_space<vmem_shared>>)
    %mul3A_281 = arith.constant 624 : i32
    %mul3A_282 = arith.muli %arg1, %mul3A_281 : i32
    %add3A_283 = arith.constant 240 : i32
    %add3A_284 = arith.addi %mul3A_282, %add3A_283 : i32
    %dma_wait3A_285 = arith.constant 0 : i32
    %dma_wait3A_286 = arith.constant 0 : i32
    %dma_wait3A_287 = tpu.memref_slice %arg7[%dma_wait3A_285, %dma_wait3A_286] : memref<80x128xf32, #tpu.memory_space<vmem>> -> memref<48x128xf32, #tpu.memory_space<vmem>>
    %dma_wait3A_288 = arith.constant 0 : i32
    %dma_wait3A_289 = tpu.memref_slice %arg10[%add3A_284, %dma_wait3A_288] : memref<10000x128xf32, #tpu.memory_space<vmem_shared>> -> memref<48x128xf32, #tpu.memory_space<vmem_shared>>
    %dma_wait3A_290 = arith.constant 0 : i32
    %dma_wait3A_291 = tpu.memref_slice %arg10[%add3A_284, %dma_wait3A_290] : memref<10000x128xf32, #tpu.memory_space<vmem_shared>> -> memref<48x128xf32, #tpu.memory_space<vmem_shared>>
    %dma_wait3A_292 = arith.constant 0 : i32
    %dma_wait3A_293 = arith.constant 0 : i32
    %dma_wait3A_294 = tpu.memref_slice %arg7[%dma_wait3A_292, %dma_wait3A_293] : memref<80x128xf32, #tpu.memory_space<vmem>> -> memref<48x128xf32, #tpu.memory_space<vmem>>
    tpu.wait_dma2 semaphore(%arg14 : memref<!tpu.dma_semaphore, #tpu.memory_space<semaphore_mem>>) src(%dma_wait3A_294 : memref<48x128xf32, #tpu.memory_space<vmem>>) dst(%dma_wait3A_291 : memref<48x128xf32, #tpu.memory_space<vmem_shared>>)
    %mul3A_295 = arith.constant 624 : i32
    %mul3A_296 = arith.muli %arg1, %mul3A_295 : i32
    %add3A_297 = arith.constant 288 : i32
    %add3A_298 = arith.addi %mul3A_296, %add3A_297 : i32
    %dma_wait3A_299 = arith.constant 0 : i32
    %dma_wait3A_300 = arith.constant 0 : i32
    %dma_wait3A_301 = tpu.memref_slice %arg7[%dma_wait3A_299, %dma_wait3A_300] : memref<80x128xf32, #tpu.memory_space<vmem>> -> memref<48x128xf32, #tpu.memory_space<vmem>>
    %dma_wait3A_302 = arith.constant 0 : i32
    %dma_wait3A_303 = tpu.memref_slice %arg10[%add3A_298, %dma_wait3A_302] : memref<10000x128xf32, #tpu.memory_space<vmem_shared>> -> memref<48x128xf32, #tpu.memory_space<vmem_shared>>
    %dma_wait3A_304 = arith.constant 0 : i32
    %dma_wait3A_305 = tpu.memref_slice %arg10[%add3A_298, %dma_wait3A_304] : memref<10000x128xf32, #tpu.memory_space<vmem_shared>> -> memref<48x128xf32, #tpu.memory_space<vmem_shared>>
    %dma_wait3A_306 = arith.constant 0 : i32
    %dma_wait3A_307 = arith.constant 0 : i32
    %dma_wait3A_308 = tpu.memref_slice %arg7[%dma_wait3A_306, %dma_wait3A_307] : memref<80x128xf32, #tpu.memory_space<vmem>> -> memref<48x128xf32, #tpu.memory_space<vmem>>
    tpu.wait_dma2 semaphore(%arg14 : memref<!tpu.dma_semaphore, #tpu.memory_space<semaphore_mem>>) src(%dma_wait3A_308 : memref<48x128xf32, #tpu.memory_space<vmem>>) dst(%dma_wait3A_305 : memref<48x128xf32, #tpu.memory_space<vmem_shared>>)
    %mul3A_309 = arith.constant 624 : i32
    %mul3A_310 = arith.muli %arg1, %mul3A_309 : i32
    %add3A_311 = arith.constant 336 : i32
    %add3A_312 = arith.addi %mul3A_310, %add3A_311 : i32
    %dma_wait3A_313 = arith.constant 0 : i32
    %dma_wait3A_314 = arith.constant 0 : i32
    %dma_wait3A_315 = tpu.memref_slice %arg7[%dma_wait3A_313, %dma_wait3A_314] : memref<80x128xf32, #tpu.memory_space<vmem>> -> memref<48x128xf32, #tpu.memory_space<vmem>>
    %dma_wait3A_316 = arith.constant 0 : i32
    %dma_wait3A_317 = tpu.memref_slice %arg10[%add3A_312, %dma_wait3A_316] : memref<10000x128xf32, #tpu.memory_space<vmem_shared>> -> memref<48x128xf32, #tpu.memory_space<vmem_shared>>
    %dma_wait3A_318 = arith.constant 0 : i32
    %dma_wait3A_319 = tpu.memref_slice %arg10[%add3A_312, %dma_wait3A_318] : memref<10000x128xf32, #tpu.memory_space<vmem_shared>> -> memref<48x128xf32, #tpu.memory_space<vmem_shared>>
    %dma_wait3A_320 = arith.constant 0 : i32
    %dma_wait3A_321 = arith.constant 0 : i32
    %dma_wait3A_322 = tpu.memref_slice %arg7[%dma_wait3A_320, %dma_wait3A_321] : memref<80x128xf32, #tpu.memory_space<vmem>> -> memref<48x128xf32, #tpu.memory_space<vmem>>
    tpu.wait_dma2 semaphore(%arg14 : memref<!tpu.dma_semaphore, #tpu.memory_space<semaphore_mem>>) src(%dma_wait3A_322 : memref<48x128xf32, #tpu.memory_space<vmem>>) dst(%dma_wait3A_319 : memref<48x128xf32, #tpu.memory_space<vmem_shared>>)
    %mul3A_323 = arith.constant 624 : i32
    %mul3A_324 = arith.muli %arg1, %mul3A_323 : i32
    %add3A_325 = arith.constant 384 : i32
    %add3A_326 = arith.addi %mul3A_324, %add3A_325 : i32
    %dma_wait3A_327 = arith.constant 0 : i32
    %dma_wait3A_328 = arith.constant 0 : i32
    %dma_wait3A_329 = tpu.memref_slice %arg7[%dma_wait3A_327, %dma_wait3A_328] : memref<80x128xf32, #tpu.memory_space<vmem>> -> memref<48x128xf32, #tpu.memory_space<vmem>>
    %dma_wait3A_330 = arith.constant 0 : i32
    %dma_wait3A_331 = tpu.memref_slice %arg10[%add3A_326, %dma_wait3A_330] : memref<10000x128xf32, #tpu.memory_space<vmem_shared>> -> memref<48x128xf32, #tpu.memory_space<vmem_shared>>
    %dma_wait3A_332 = arith.constant 0 : i32
    %dma_wait3A_333 = tpu.memref_slice %arg10[%add3A_326, %dma_wait3A_332] : memref<10000x128xf32, #tpu.memory_space<vmem_shared>> -> memref<48x128xf32, #tpu.memory_space<vmem_shared>>
    %dma_wait3A_334 = arith.constant 0 : i32
    %dma_wait3A_335 = arith.constant 0 : i32
    %dma_wait3A_336 = tpu.memref_slice %arg7[%dma_wait3A_334, %dma_wait3A_335] : memref<80x128xf32, #tpu.memory_space<vmem>> -> memref<48x128xf32, #tpu.memory_space<vmem>>
    tpu.wait_dma2 semaphore(%arg14 : memref<!tpu.dma_semaphore, #tpu.memory_space<semaphore_mem>>) src(%dma_wait3A_336 : memref<48x128xf32, #tpu.memory_space<vmem>>) dst(%dma_wait3A_333 : memref<48x128xf32, #tpu.memory_space<vmem_shared>>)
    %mul3A_337 = arith.constant 624 : i32
    %mul3A_338 = arith.muli %arg1, %mul3A_337 : i32
    %add3A_339 = arith.constant 432 : i32
    %add3A_340 = arith.addi %mul3A_338, %add3A_339 : i32
    %dma_wait3A_341 = arith.constant 0 : i32
    %dma_wait3A_342 = arith.constant 0 : i32
    %dma_wait3A_343 = tpu.memref_slice %arg7[%dma_wait3A_341, %dma_wait3A_342] : memref<80x128xf32, #tpu.memory_space<vmem>> -> memref<48x128xf32, #tpu.memory_space<vmem>>
    %dma_wait3A_344 = arith.constant 0 : i32
    %dma_wait3A_345 = tpu.memref_slice %arg10[%add3A_340, %dma_wait3A_344] : memref<10000x128xf32, #tpu.memory_space<vmem_shared>> -> memref<48x128xf32, #tpu.memory_space<vmem_shared>>
    %dma_wait3A_346 = arith.constant 0 : i32
    %dma_wait3A_347 = tpu.memref_slice %arg10[%add3A_340, %dma_wait3A_346] : memref<10000x128xf32, #tpu.memory_space<vmem_shared>> -> memref<48x128xf32, #tpu.memory_space<vmem_shared>>
    %dma_wait3A_348 = arith.constant 0 : i32
    %dma_wait3A_349 = arith.constant 0 : i32
    %dma_wait3A_350 = tpu.memref_slice %arg7[%dma_wait3A_348, %dma_wait3A_349] : memref<80x128xf32, #tpu.memory_space<vmem>> -> memref<48x128xf32, #tpu.memory_space<vmem>>
    tpu.wait_dma2 semaphore(%arg14 : memref<!tpu.dma_semaphore, #tpu.memory_space<semaphore_mem>>) src(%dma_wait3A_350 : memref<48x128xf32, #tpu.memory_space<vmem>>) dst(%dma_wait3A_347 : memref<48x128xf32, #tpu.memory_space<vmem_shared>>)
    %mul3A_351 = arith.constant 624 : i32
    %mul3A_352 = arith.muli %arg1, %mul3A_351 : i32
    %add3A_353 = arith.constant 480 : i32
    %add3A_354 = arith.addi %mul3A_352, %add3A_353 : i32
    %dma_wait3A_355 = arith.constant 0 : i32
    %dma_wait3A_356 = arith.constant 0 : i32
    %dma_wait3A_357 = tpu.memref_slice %arg7[%dma_wait3A_355, %dma_wait3A_356] : memref<80x128xf32, #tpu.memory_space<vmem>> -> memref<48x128xf32, #tpu.memory_space<vmem>>
    %dma_wait3A_358 = arith.constant 0 : i32
    %dma_wait3A_359 = tpu.memref_slice %arg10[%add3A_354, %dma_wait3A_358] : memref<10000x128xf32, #tpu.memory_space<vmem_shared>> -> memref<48x128xf32, #tpu.memory_space<vmem_shared>>
    %dma_wait3A_360 = arith.constant 0 : i32
    %dma_wait3A_361 = tpu.memref_slice %arg10[%add3A_354, %dma_wait3A_360] : memref<10000x128xf32, #tpu.memory_space<vmem_shared>> -> memref<48x128xf32, #tpu.memory_space<vmem_shared>>
    %dma_wait3A_362 = arith.constant 0 : i32
    %dma_wait3A_363 = arith.constant 0 : i32
    %dma_wait3A_364 = tpu.memref_slice %arg7[%dma_wait3A_362, %dma_wait3A_363] : memref<80x128xf32, #tpu.memory_space<vmem>> -> memref<48x128xf32, #tpu.memory_space<vmem>>
    tpu.wait_dma2 semaphore(%arg14 : memref<!tpu.dma_semaphore, #tpu.memory_space<semaphore_mem>>) src(%dma_wait3A_364 : memref<48x128xf32, #tpu.memory_space<vmem>>) dst(%dma_wait3A_361 : memref<48x128xf32, #tpu.memory_space<vmem_shared>>)
    %mul3A_365 = arith.constant 624 : i32
    %mul3A_366 = arith.muli %arg1, %mul3A_365 : i32
    %add3A_367 = arith.constant 528 : i32
    %add3A_368 = arith.addi %mul3A_366, %add3A_367 : i32
    %dma_wait3A_369 = arith.constant 0 : i32
    %dma_wait3A_370 = arith.constant 0 : i32
    %dma_wait3A_371 = tpu.memref_slice %arg7[%dma_wait3A_369, %dma_wait3A_370] : memref<80x128xf32, #tpu.memory_space<vmem>> -> memref<48x128xf32, #tpu.memory_space<vmem>>
    %dma_wait3A_372 = arith.constant 0 : i32
    %dma_wait3A_373 = tpu.memref_slice %arg10[%add3A_368, %dma_wait3A_372] : memref<10000x128xf32, #tpu.memory_space<vmem_shared>> -> memref<48x128xf32, #tpu.memory_space<vmem_shared>>
    %dma_wait3A_374 = arith.constant 0 : i32
    %dma_wait3A_375 = tpu.memref_slice %arg10[%add3A_368, %dma_wait3A_374] : memref<10000x128xf32, #tpu.memory_space<vmem_shared>> -> memref<48x128xf32, #tpu.memory_space<vmem_shared>>
    %dma_wait3A_376 = arith.constant 0 : i32
    %dma_wait3A_377 = arith.constant 0 : i32
    %dma_wait3A_378 = tpu.memref_slice %arg7[%dma_wait3A_376, %dma_wait3A_377] : memref<80x128xf32, #tpu.memory_space<vmem>> -> memref<48x128xf32, #tpu.memory_space<vmem>>
    tpu.wait_dma2 semaphore(%arg14 : memref<!tpu.dma_semaphore, #tpu.memory_space<semaphore_mem>>) src(%dma_wait3A_378 : memref<48x128xf32, #tpu.memory_space<vmem>>) dst(%dma_wait3A_375 : memref<48x128xf32, #tpu.memory_space<vmem_shared>>)
    %mul3A_379 = arith.constant 624 : i32
    %mul3A_380 = arith.muli %arg1, %mul3A_379 : i32
    %add3A_381 = arith.constant 576 : i32
    %add3A_382 = arith.addi %mul3A_380, %add3A_381 : i32
    %dma_wait3A_383 = arith.constant 0 : i32
    %dma_wait3A_384 = arith.constant 0 : i32
    %dma_wait3A_385 = tpu.memref_slice %arg7[%dma_wait3A_383, %dma_wait3A_384] : memref<80x128xf32, #tpu.memory_space<vmem>> -> memref<48x128xf32, #tpu.memory_space<vmem>>
    %dma_wait3A_386 = arith.constant 0 : i32
    %dma_wait3A_387 = tpu.memref_slice %arg10[%add3A_382, %dma_wait3A_386] : memref<10000x128xf32, #tpu.memory_space<vmem_shared>> -> memref<48x128xf32, #tpu.memory_space<vmem_shared>>
    %dma_wait3A_388 = arith.constant 0 : i32
    %dma_wait3A_389 = tpu.memref_slice %arg10[%add3A_382, %dma_wait3A_388] : memref<10000x128xf32, #tpu.memory_space<vmem_shared>> -> memref<48x128xf32, #tpu.memory_space<vmem_shared>>
    %dma_wait3A_390 = arith.constant 0 : i32
    %dma_wait3A_391 = arith.constant 0 : i32
    %dma_wait3A_392 = tpu.memref_slice %arg7[%dma_wait3A_390, %dma_wait3A_391] : memref<80x128xf32, #tpu.memory_space<vmem>> -> memref<48x128xf32, #tpu.memory_space<vmem>>
    tpu.wait_dma2 semaphore(%arg14 : memref<!tpu.dma_semaphore, #tpu.memory_space<semaphore_mem>>) src(%dma_wait3A_392 : memref<48x128xf32, #tpu.memory_space<vmem>>) dst(%dma_wait3A_389 : memref<48x128xf32, #tpu.memory_space<vmem_shared>>)
    %eq3A_393 = arith.constant 15 : i32
    %eq3A_394 = arith.cmpi eq, %arg1, %eq3A_393 : i32
    %convert_element_type3A_395 = arith.extui %eq3A_394 : i1 to i32
    %cond3A_396 = arith.constant 0 : i32
    %cond3A_397 = arith.cmpi ne, %convert_element_type3A_395, %cond3A_396 : i32
    scf.if %cond3A_397 {
      %dma_wait3A_436 = arith.constant 0 : i32
      %dma_wait3A_437 = arith.constant 0 : i32
      %dma_wait3A_438 = tpu.memref_slice %arg7[%dma_wait3A_436, %dma_wait3A_437] : memref<80x128xf32, #tpu.memory_space<vmem>> -> memref<16x128xf32, #tpu.memory_space<vmem>>
      %dma_wait3A_439 = arith.constant 9984 : i32
      %dma_wait3A_440 = arith.constant 0 : i32
      %dma_wait3A_441 = tpu.memref_slice %arg10[%dma_wait3A_439, %dma_wait3A_440] : memref<10000x128xf32, #tpu.memory_space<vmem_shared>> -> memref<16x128xf32, #tpu.memory_space<vmem_shared>>
      %dma_wait3A_442 = arith.constant 9984 : i32
      %dma_wait3A_443 = arith.constant 0 : i32
      %dma_wait3A_444 = tpu.memref_slice %arg10[%dma_wait3A_442, %dma_wait3A_443] : memref<10000x128xf32, #tpu.memory_space<vmem_shared>> -> memref<16x128xf32, #tpu.memory_space<vmem_shared>>
      %dma_wait3A_445 = arith.constant 0 : i32
      %dma_wait3A_446 = arith.constant 0 : i32
      %dma_wait3A_447 = tpu.memref_slice %arg7[%dma_wait3A_445, %dma_wait3A_446] : memref<80x128xf32, #tpu.memory_space<vmem>> -> memref<16x128xf32, #tpu.memory_space<vmem>>
      tpu.wait_dma2 semaphore(%arg15 : memref<!tpu.dma_semaphore, #tpu.memory_space<semaphore_mem>>) src(%dma_wait3A_447 : memref<16x128xf32, #tpu.memory_space<vmem>>) dst(%dma_wait3A_444 : memref<16x128xf32, #tpu.memory_space<vmem_shared>>)
    } else {
    }
    %dma_wait3A_398 = arith.constant 0 : i32
    %dma_wait3A_399 = arith.constant 0 : i32
    %dma_wait3A_400 = arith.constant 0 : i32
    %dma_wait3A_401 = arith.constant 0 : i32
    %dma_wait3A_402 = tpu.memref_slice %arg2[%dma_wait3A_398, %add3A, %dma_wait3A_399, %dma_wait3A_400, %dma_wait3A_401] : memref<2x32x5x25x80xi32, #tpu.memory_space<hbm>> -> memref<1x1x1x25x80xi32, #tpu.memory_space<hbm>>
    %dma_wait3A_403 = tpu.memref_squeeze %dma_wait3A_402 : memref<1x1x1x25x80xi32, #tpu.memory_space<hbm>> -> memref<25x80xi32, #tpu.memory_space<hbm>>
    %dma_wait3A_404 = arith.constant 0 : i32
    %dma_wait3A_405 = arith.constant 0 : i32
    %dma_wait3A_406 = tpu.memref_slice %arg2[%dma_wait3A_398, %add3A, %dma_wait3A_399, %dma_wait3A_404, %dma_wait3A_405] : memref<2x32x5x25x80xi32, #tpu.memory_space<hbm>> -> memref<1x1x1x25x80xi32, #tpu.memory_space<hbm>>
    %dma_wait3A_407 = tpu.memref_squeeze %dma_wait3A_406 : memref<1x1x1x25x80xi32, #tpu.memory_space<hbm>> -> memref<25x80xi32, #tpu.memory_space<hbm>>
    tpu.wait_dma2 semaphore(%arg11 : memref<!tpu.dma_semaphore, #tpu.memory_space<semaphore_mem>>) src(%dma_wait3A_407 : memref<25x80xi32, #tpu.memory_space<hbm>>) dst(%arg5 : memref<25x80xi32, #tpu.memory_space<vmem>>)
    %dma_wait3A_408 = arith.constant 1 : i32
    %dma_wait3A_409 = arith.constant 0 : i32
    %dma_wait3A_410 = arith.constant 0 : i32
    %dma_wait3A_411 = arith.constant 0 : i32
    %dma_wait3A_412 = tpu.memref_slice %arg2[%dma_wait3A_408, %add3A, %dma_wait3A_409, %dma_wait3A_410, %dma_wait3A_411] : memref<2x32x5x25x80xi32, #tpu.memory_space<hbm>> -> memref<1x1x1x25x80xi32, #tpu.memory_space<hbm>>
    %dma_wait3A_413 = tpu.memref_squeeze %dma_wait3A_412 : memref<1x1x1x25x80xi32, #tpu.memory_space<hbm>> -> memref<25x80xi32, #tpu.memory_space<hbm>>
    %dma_wait3A_414 = arith.constant 0 : i32
    %dma_wait3A_415 = arith.constant 0 : i32
    %dma_wait3A_416 = tpu.memref_slice %arg2[%dma_wait3A_408, %add3A, %dma_wait3A_409, %dma_wait3A_414, %dma_wait3A_415] : memref<2x32x5x25x80xi32, #tpu.memory_space<hbm>> -> memref<1x1x1x25x80xi32, #tpu.memory_space<hbm>>
    %dma_wait3A_417 = tpu.memref_squeeze %dma_wait3A_416 : memref<1x1x1x25x80xi32, #tpu.memory_space<hbm>> -> memref<25x80xi32, #tpu.memory_space<hbm>>
    tpu.wait_dma2 semaphore(%arg12 : memref<!tpu.dma_semaphore, #tpu.memory_space<semaphore_mem>>) src(%dma_wait3A_417 : memref<25x80xi32, #tpu.memory_space<hbm>>) dst(%arg6 : memref<25x80xi32, #tpu.memory_space<vmem>>)
    %barrier3A = arith.constant 0 : index
    tpu.barrier barrier_id(%barrier3A)
    %broadcast_in_dim3A_418 = arith.constant 1.000000e+00 : f32
    %broadcast_in_dim3A_419 = vector.broadcast %broadcast_in_dim3A_418 : f32 to vector<16xf32>
    %scan3A_420 = arith.constant 0 : i32
    %scan3A_421 = arith.constant 0 : i32
    %scan3A_422 = arith.constant 5 : i32
    %scan3A_423 = arith.addi %scan3A_421, %scan3A_422 : i32
    %scan3A_424 = arith.constant 1 : i32
    scf.for %scan3A_436 = %scan3A_421 to %scan3A_423 step %scan3A_424  : i32 {
      %gt3A = arith.constant 0 : i32
      %gt3A_437 = arith.cmpi sgt, %scan3A_436, %gt3A : i32
      %convert_element_type3A_438 = arith.extui %gt3A_437 : i1 to i32
      %cond3A_439 = arith.constant 0 : i32
      %cond3A_440 = arith.cmpi ne, %convert_element_type3A_438, %cond3A_439 : i32
      scf.if %cond3A_440 {
        %run_scoped3A = arith.constant 0 : i32
        "tpu.region"() ({
          %run_scoped3A_490 = tpu.sem_alloc : memref<!tpu.dma_semaphore, #tpu.memory_space<semaphore_mem>>
          %dma_start3A_491 = arith.constant 0 : i32
          %dma_start3A_492 = arith.constant 0 : i32
          %dma_start3A_493 = tpu.memref_slice %arg2[%run_scoped3A, %add3A, %scan3A_436, %dma_start3A_491, %dma_start3A_492] : memref<2x32x5x25x80xi32, #tpu.memory_space<hbm>> -> memref<1x1x1x25x80xi32, #tpu.memory_space<hbm>>
          %dma_start3A_494 = tpu.memref_squeeze %dma_start3A_493 : memref<1x1x1x25x80xi32, #tpu.memory_space<hbm>> -> memref<25x80xi32, #tpu.memory_space<hbm>>
          %dma_start3A_495 = arith.constant 0 : i32
          %dma_start3A_496 = arith.constant 0 : i32
          %dma_start3A_497 = tpu.memref_slice %arg2[%run_scoped3A, %add3A, %scan3A_436, %dma_start3A_495, %dma_start3A_496] : memref<2x32x5x25x80xi32, #tpu.memory_space<hbm>> -> memref<1x1x1x25x80xi32, #tpu.memory_space<hbm>>
          %dma_start3A_498 = tpu.memref_squeeze %dma_start3A_497 : memref<1x1x1x25x80xi32, #tpu.memory_space<hbm>> -> memref<25x80xi32, #tpu.memory_space<hbm>>
          tpu.enqueue_dma source(%dma_start3A_498 : memref<25x80xi32, #tpu.memory_space<hbm>>) target(%arg5 : memref<25x80xi32, #tpu.memory_space<vmem>>) target_semaphore(%run_scoped3A_490 : memref<!tpu.dma_semaphore, #tpu.memory_space<semaphore_mem>>)
          %dma_wait3A_499 = arith.constant 0 : i32
          %dma_wait3A_500 = arith.constant 0 : i32
          %dma_wait3A_501 = tpu.memref_slice %arg2[%run_scoped3A, %add3A, %scan3A_436, %dma_wait3A_499, %dma_wait3A_500] : memref<2x32x5x25x80xi32, #tpu.memory_space<hbm>> -> memref<1x1x1x25x80xi32, #tpu.memory_space<hbm>>
          %dma_wait3A_502 = tpu.memref_squeeze %dma_wait3A_501 : memref<1x1x1x25x80xi32, #tpu.memory_space<hbm>> -> memref<25x80xi32, #tpu.memory_space<hbm>>
          %dma_wait3A_503 = arith.constant 0 : i32
          %dma_wait3A_504 = arith.constant 0 : i32
          %dma_wait3A_505 = tpu.memref_slice %arg2[%run_scoped3A, %add3A, %scan3A_436, %dma_wait3A_503, %dma_wait3A_504] : memref<2x32x5x25x80xi32, #tpu.memory_space<hbm>> -> memref<1x1x1x25x80xi32, #tpu.memory_space<hbm>>
          %dma_wait3A_506 = tpu.memref_squeeze %dma_wait3A_505 : memref<1x1x1x25x80xi32, #tpu.memory_space<hbm>> -> memref<25x80xi32, #tpu.memory_space<hbm>>
          tpu.wait_dma2 semaphore(%run_scoped3A_490 : memref<!tpu.dma_semaphore, #tpu.memory_space<semaphore_mem>>) src(%dma_wait3A_506 : memref<25x80xi32, #tpu.memory_space<hbm>>) dst(%arg5 : memref<25x80xi32, #tpu.memory_space<vmem>>)
          tpu.yield
        }) : () -> ()
        %run_scoped3A_489 = arith.constant 1 : i32
        "tpu.region"() ({
          %run_scoped3A_490 = tpu.sem_alloc : memref<!tpu.dma_semaphore, #tpu.memory_space<semaphore_mem>>
          %dma_start3A_491 = arith.constant 0 : i32
          %dma_start3A_492 = arith.constant 0 : i32
          %dma_start3A_493 = tpu.memref_slice %arg2[%run_scoped3A_489, %add3A, %scan3A_436, %dma_start3A_491, %dma_start3A_492] : memref<2x32x5x25x80xi32, #tpu.memory_space<hbm>> -> memref<1x1x1x25x80xi32, #tpu.memory_space<hbm>>
          %dma_start3A_494 = tpu.memref_squeeze %dma_start3A_493 : memref<1x1x1x25x80xi32, #tpu.memory_space<hbm>> -> memref<25x80xi32, #tpu.memory_space<hbm>>
          %dma_start3A_495 = arith.constant 0 : i32
          %dma_start3A_496 = arith.constant 0 : i32
          %dma_start3A_497 = tpu.memref_slice %arg2[%run_scoped3A_489, %add3A, %scan3A_436, %dma_start3A_495, %dma_start3A_496] : memref<2x32x5x25x80xi32, #tpu.memory_space<hbm>> -> memref<1x1x1x25x80xi32, #tpu.memory_space<hbm>>
          %dma_start3A_498 = tpu.memref_squeeze %dma_start3A_497 : memref<1x1x1x25x80xi32, #tpu.memory_space<hbm>> -> memref<25x80xi32, #tpu.memory_space<hbm>>
          tpu.enqueue_dma source(%dma_start3A_498 : memref<25x80xi32, #tpu.memory_space<hbm>>) target(%arg6 : memref<25x80xi32, #tpu.memory_space<vmem>>) target_semaphore(%run_scoped3A_490 : memref<!tpu.dma_semaphore, #tpu.memory_space<semaphore_mem>>)
          %dma_wait3A_499 = arith.constant 0 : i32
          %dma_wait3A_500 = arith.constant 0 : i32
          %dma_wait3A_501 = tpu.memref_slice %arg2[%run_scoped3A_489, %add3A, %scan3A_436, %dma_wait3A_499, %dma_wait3A_500] : memref<2x32x5x25x80xi32, #tpu.memory_space<hbm>> -> memref<1x1x1x25x80xi32, #tpu.memory_space<hbm>>
          %dma_wait3A_502 = tpu.memref_squeeze %dma_wait3A_501 : memref<1x1x1x25x80xi32, #tpu.memory_space<hbm>> -> memref<25x80xi32, #tpu.memory_space<hbm>>
          %dma_wait3A_503 = arith.constant 0 : i32
          %dma_wait3A_504 = arith.constant 0 : i32
          %dma_wait3A_505 = tpu.memref_slice %arg2[%run_scoped3A_489, %add3A, %scan3A_436, %dma_wait3A_503, %dma_wait3A_504] : memref<2x32x5x25x80xi32, #tpu.memory_space<hbm>> -> memref<1x1x1x25x80xi32, #tpu.memory_space<hbm>>
          %dma_wait3A_506 = tpu.memref_squeeze %dma_wait3A_505 : memref<1x1x1x25x80xi32, #tpu.memory_space<hbm>> -> memref<25x80xi32, #tpu.memory_space<hbm>>
          tpu.wait_dma2 semaphore(%run_scoped3A_490 : memref<!tpu.dma_semaphore, #tpu.memory_space<semaphore_mem>>) src(%dma_wait3A_506 : memref<25x80xi32, #tpu.memory_space<hbm>>) dst(%arg6 : memref<25x80xi32, #tpu.memory_space<vmem>>)
          tpu.yield
        }) : () -> ()
      } else {
      }
      %dma_start3A_441 = arith.constant 0 : i32
      %dma_start3A_442 = arith.constant 0 : i32
      %dma_start3A_443 = tpu.memref_slice %arg5[%dma_start3A_441, %dma_start3A_442] : memref<25x80xi32, #tpu.memory_space<vmem>> -> memref<1x80xi32, #tpu.memory_space<vmem>>
      %dma_start3A_444 = tpu.memref_squeeze %dma_start3A_443 : memref<1x80xi32, #tpu.memory_space<vmem>> -> memref<80xi32, #tpu.memory_space<vmem>>
      %dma_start3A_445 = arith.constant 0 : i32
      %dma_start3A_446 = arith.constant 0 : i32
      %dma_start3A_447 = tpu.memref_slice %arg3[%dma_start3A_445, %dma_start3A_446] : memref<10000x128xf32, #tpu.memory_space<hbm>> -> memref<10000x128xf32, #tpu.memory_space<hbm>>
      tpu.enqueue_indirect_dma source(%dma_start3A_447 : memref<10000x128xf32, #tpu.memory_space<hbm>>) target(%arg7 : memref<80x128xf32, #tpu.memory_space<vmem>>) offsets(%dma_start3A_444 : memref<80xi32, #tpu.memory_space<vmem>>) semaphore(%arg11 : memref<!tpu.dma_semaphore, #tpu.memory_space<semaphore_mem>>)
      %dma_start3A_448 = arith.constant 1 : i32
      %dma_start3A_449 = arith.constant 0 : i32
      %dma_start3A_450 = tpu.memref_slice %arg5[%dma_start3A_448, %dma_start3A_449] : memref<25x80xi32, #tpu.memory_space<vmem>> -> memref<1x80xi32, #tpu.memory_space<vmem>>
      %dma_start3A_451 = tpu.memref_squeeze %dma_start3A_450 : memref<1x80xi32, #tpu.memory_space<vmem>> -> memref<80xi32, #tpu.memory_space<vmem>>
      %dma_start3A_452 = arith.constant 0 : i32
      %dma_start3A_453 = arith.constant 0 : i32
      %dma_start3A_454 = tpu.memref_slice %arg3[%dma_start3A_452, %dma_start3A_453] : memref<10000x128xf32, #tpu.memory_space<hbm>> -> memref<10000x128xf32, #tpu.memory_space<hbm>>
      tpu.enqueue_indirect_dma source(%dma_start3A_454 : memref<10000x128xf32, #tpu.memory_space<hbm>>) target(%arg8 : memref<80x128xf32, #tpu.memory_space<vmem>>) offsets(%dma_start3A_451 : memref<80xi32, #tpu.memory_space<vmem>>) semaphore(%arg12 : memref<!tpu.dma_semaphore, #tpu.memory_space<semaphore_mem>>)
      %scan3A_455 = arith.constant 0 : i32
      %scan3A_456 = arith.constant 0 : i32
      %scan3A_457 = arith.constant 8 : i32
      %scan3A_458 = arith.addi %scan3A_456, %scan3A_457 : i32
      %scan3A_459 = arith.constant 1 : i32
      scf.for %scan3A_489 = %scan3A_456 to %scan3A_458 step %scan3A_459  : i32 {
        %mul3A_490 = arith.constant 3 : i32
        %mul3A_491 = arith.muli %mul3A_490, %scan3A_489 : i32
        %add3A_492 = arith.constant 0 : i32
        %add3A_493 = arith.addi %mul3A_491, %add3A_492 : i32
        %dma_wait3A_494 = arith.constant 0 : i32
        %dma_wait3A_495 = tpu.memref_slice %arg5[%add3A_493, %dma_wait3A_494] : memref<25x80xi32, #tpu.memory_space<vmem>> -> memref<1x80xi32, #tpu.memory_space<vmem>>
        %dma_wait3A_496 = tpu.memref_squeeze %dma_wait3A_495 : memref<1x80xi32, #tpu.memory_space<vmem>> -> memref<80xi32, #tpu.memory_space<vmem>>
        %dma_wait3A_497 = arith.constant 0 : i32
        %dma_wait3A_498 = arith.constant 0 : i32
        %dma_wait3A_499 = tpu.memref_slice %arg3[%dma_wait3A_497, %dma_wait3A_498] : memref<10000x128xf32, #tpu.memory_space<hbm>> -> memref<10000x128xf32, #tpu.memory_space<hbm>>
        tpu.wait_indirect_dma semaphore(%arg11 : memref<!tpu.dma_semaphore, #tpu.memory_space<semaphore_mem>>) src(%dma_wait3A_499 : memref<10000x128xf32, #tpu.memory_space<hbm>>) dst(%arg7 : memref<80x128xf32, #tpu.memory_space<vmem>>)
        %dma_start3A_500 = arith.constant 0 : i32
        %dma_start3A_501 = tpu.memref_slice %arg6[%add3A_493, %dma_start3A_500] : memref<25x80xi32, #tpu.memory_space<vmem>> -> memref<1x80xi32, #tpu.memory_space<vmem>>
        %dma_start3A_502 = tpu.memref_squeeze %dma_start3A_501 : memref<1x80xi32, #tpu.memory_space<vmem>> -> memref<80xi32, #tpu.memory_space<vmem>>
        %dma_start3A_503 = arith.constant 0 : i32
        %dma_start3A_504 = arith.constant 0 : i32
        %dma_start3A_505 = tpu.memref_slice %arg10[%dma_start3A_503, %dma_start3A_504] : memref<10000x128xf32, #tpu.memory_space<vmem_shared>> -> memref<10000x128xf32, #tpu.memory_space<vmem_shared>>
        tpu.enqueue_indirect_dma source(%arg7 : memref<80x128xf32, #tpu.memory_space<vmem>>) target(%dma_start3A_505 : memref<10000x128xf32, #tpu.memory_space<vmem_shared>>) offsets(%dma_start3A_502 : memref<80xi32, #tpu.memory_space<vmem>>) semaphore(%arg14 : memref<!tpu.dma_semaphore, #tpu.memory_space<semaphore_mem>>) {add = true}
        %gt3A_506 = arith.constant 0 : i32
        %gt3A_507 = arith.cmpi sgt, %scan3A_489, %gt3A_506 : i32
        %convert_element_type3A_508 = arith.extui %gt3A_507 : i1 to i32
        %cond3A_509 = arith.constant 0 : i32
        %cond3A_510 = arith.cmpi ne, %convert_element_type3A_508, %cond3A_509 : i32
        scf.if %cond3A_510 {
          %mul3A_578 = arith.constant 3 : i32
          %mul3A_579 = arith.muli %mul3A_578, %scan3A_489 : i32
          %sub3A_580 = arith.constant 1 : i32
          %sub3A_581 = arith.subi %mul3A_579, %sub3A_580 : i32
          %dma_wait3A_582 = arith.constant 0 : i32
          %dma_wait3A_583 = tpu.memref_slice %arg6[%sub3A_581, %dma_wait3A_582] : memref<25x80xi32, #tpu.memory_space<vmem>> -> memref<1x80xi32, #tpu.memory_space<vmem>>
          %dma_wait3A_584 = tpu.memref_squeeze %dma_wait3A_583 : memref<1x80xi32, #tpu.memory_space<vmem>> -> memref<80xi32, #tpu.memory_space<vmem>>
          %dma_wait3A_585 = arith.constant 0 : i32
          %dma_wait3A_586 = arith.constant 0 : i32
          %dma_wait3A_587 = tpu.memref_slice %arg10[%dma_wait3A_585, %dma_wait3A_586] : memref<10000x128xf32, #tpu.memory_space<vmem_shared>> -> memref<10000x128xf32, #tpu.memory_space<vmem_shared>>
          tpu.wait_indirect_dma semaphore(%arg16 : memref<!tpu.dma_semaphore, #tpu.memory_space<semaphore_mem>>) src(%arg9 : memref<80x128xf32, #tpu.memory_space<vmem>>) dst(%dma_wait3A_587 : memref<10000x128xf32, #tpu.memory_space<vmem_shared>>)
        } else {
        }
        %add3A_511 = arith.constant 2 : i32
        %add3A_512 = arith.addi %add3A_493, %add3A_511 : i32
        %lt3A = arith.constant 25 : i32
        %lt3A_513 = arith.cmpi slt, %add3A_512, %lt3A : i32
        %convert_element_type3A_514 = arith.extui %lt3A_513 : i1 to i32
        %cond3A_515 = arith.constant 0 : i32
        %cond3A_516 = arith.cmpi ne, %convert_element_type3A_514, %cond3A_515 : i32
        scf.if %cond3A_516 {
          %add3A_578 = arith.constant 2 : i32
          %add3A_579 = arith.addi %add3A_493, %add3A_578 : i32
          %dma_start3A_580 = arith.constant 0 : i32
          %dma_start3A_581 = tpu.memref_slice %arg5[%add3A_579, %dma_start3A_580] : memref<25x80xi32, #tpu.memory_space<vmem>> -> memref<1x80xi32, #tpu.memory_space<vmem>>
          %dma_start3A_582 = tpu.memref_squeeze %dma_start3A_581 : memref<1x80xi32, #tpu.memory_space<vmem>> -> memref<80xi32, #tpu.memory_space<vmem>>
          %dma_start3A_583 = arith.constant 0 : i32
          %dma_start3A_584 = arith.constant 0 : i32
          %dma_start3A_585 = tpu.memref_slice %arg3[%dma_start3A_583, %dma_start3A_584] : memref<10000x128xf32, #tpu.memory_space<hbm>> -> memref<10000x128xf32, #tpu.memory_space<hbm>>
          tpu.enqueue_indirect_dma source(%dma_start3A_585 : memref<10000x128xf32, #tpu.memory_space<hbm>>) target(%arg9 : memref<80x128xf32, #tpu.memory_space<vmem>>) offsets(%dma_start3A_582 : memref<80xi32, #tpu.memory_space<vmem>>) semaphore(%arg13 : memref<!tpu.dma_semaphore, #tpu.memory_space<semaphore_mem>>)
        } else {
        }
        %mul3A_517 = arith.constant 3 : i32
        %mul3A_518 = arith.muli %mul3A_517, %scan3A_489 : i32
        %add3A_519 = arith.constant 1 : i32
        %add3A_520 = arith.addi %mul3A_518, %add3A_519 : i32
        %dma_wait3A_521 = arith.constant 0 : i32
        %dma_wait3A_522 = tpu.memref_slice %arg5[%add3A_520, %dma_wait3A_521] : memref<25x80xi32, #tpu.memory_space<vmem>> -> memref<1x80xi32, #tpu.memory_space<vmem>>
        %dma_wait3A_523 = tpu.memref_squeeze %dma_wait3A_522 : memref<1x80xi32, #tpu.memory_space<vmem>> -> memref<80xi32, #tpu.memory_space<vmem>>
        %dma_wait3A_524 = arith.constant 0 : i32
        %dma_wait3A_525 = arith.constant 0 : i32
        %dma_wait3A_526 = tpu.memref_slice %arg3[%dma_wait3A_524, %dma_wait3A_525] : memref<10000x128xf32, #tpu.memory_space<hbm>> -> memref<10000x128xf32, #tpu.memory_space<hbm>>
        tpu.wait_indirect_dma semaphore(%arg12 : memref<!tpu.dma_semaphore, #tpu.memory_space<semaphore_mem>>) src(%dma_wait3A_526 : memref<10000x128xf32, #tpu.memory_space<hbm>>) dst(%arg8 : memref<80x128xf32, #tpu.memory_space<vmem>>)
        %dma_start3A_527 = arith.constant 0 : i32
        %dma_start3A_528 = tpu.memref_slice %arg6[%add3A_520, %dma_start3A_527] : memref<25x80xi32, #tpu.memory_space<vmem>> -> memref<1x80xi32, #tpu.memory_space<vmem>>
        %dma_start3A_529 = tpu.memref_squeeze %dma_start3A_528 : memref<1x80xi32, #tpu.memory_space<vmem>> -> memref<80xi32, #tpu.memory_space<vmem>>
        %dma_start3A_530 = arith.constant 0 : i32
        %dma_start3A_531 = arith.constant 0 : i32
        %dma_start3A_532 = tpu.memref_slice %arg10[%dma_start3A_530, %dma_start3A_531] : memref<10000x128xf32, #tpu.memory_space<vmem_shared>> -> memref<10000x128xf32, #tpu.memory_space<vmem_shared>>
        tpu.enqueue_indirect_dma source(%arg8 : memref<80x128xf32, #tpu.memory_space<vmem>>) target(%dma_start3A_532 : memref<10000x128xf32, #tpu.memory_space<vmem_shared>>) offsets(%dma_start3A_529 : memref<80xi32, #tpu.memory_space<vmem>>) semaphore(%arg15 : memref<!tpu.dma_semaphore, #tpu.memory_space<semaphore_mem>>) {add = true}
        %sub3A = arith.constant 1 : i32
        %sub3A_533 = arith.subi %add3A_520, %sub3A : i32
        %dma_wait3A_534 = arith.constant 0 : i32
        %dma_wait3A_535 = tpu.memref_slice %arg6[%sub3A_533, %dma_wait3A_534] : memref<25x80xi32, #tpu.memory_space<vmem>> -> memref<1x80xi32, #tpu.memory_space<vmem>>
        %dma_wait3A_536 = tpu.memref_squeeze %dma_wait3A_535 : memref<1x80xi32, #tpu.memory_space<vmem>> -> memref<80xi32, #tpu.memory_space<vmem>>
        %dma_wait3A_537 = arith.constant 0 : i32
        %dma_wait3A_538 = arith.constant 0 : i32
        %dma_wait3A_539 = tpu.memref_slice %arg10[%dma_wait3A_537, %dma_wait3A_538] : memref<10000x128xf32, #tpu.memory_space<vmem_shared>> -> memref<10000x128xf32, #tpu.memory_space<vmem_shared>>
        tpu.wait_indirect_dma semaphore(%arg14 : memref<!tpu.dma_semaphore, #tpu.memory_space<semaphore_mem>>) src(%arg7 : memref<80x128xf32, #tpu.memory_space<vmem>>) dst(%dma_wait3A_539 : memref<10000x128xf32, #tpu.memory_space<vmem_shared>>)
        %add3A_540 = arith.constant 2 : i32
        %add3A_541 = arith.addi %add3A_520, %add3A_540 : i32
        %lt3A_542 = arith.constant 25 : i32
        %lt3A_543 = arith.cmpi slt, %add3A_541, %lt3A_542 : i32
        %convert_element_type3A_544 = arith.extui %lt3A_543 : i1 to i32
        %cond3A_545 = arith.constant 0 : i32
        %cond3A_546 = arith.cmpi ne, %convert_element_type3A_544, %cond3A_545 : i32
        scf.if %cond3A_546 {
          %add3A_578 = arith.constant 2 : i32
          %add3A_579 = arith.addi %add3A_520, %add3A_578 : i32
          %dma_start3A_580 = arith.constant 0 : i32
          %dma_start3A_581 = tpu.memref_slice %arg5[%add3A_579, %dma_start3A_580] : memref<25x80xi32, #tpu.memory_space<vmem>> -> memref<1x80xi32, #tpu.memory_space<vmem>>
          %dma_start3A_582 = tpu.memref_squeeze %dma_start3A_581 : memref<1x80xi32, #tpu.memory_space<vmem>> -> memref<80xi32, #tpu.memory_space<vmem>>
          %dma_start3A_583 = arith.constant 0 : i32
          %dma_start3A_584 = arith.constant 0 : i32
          %dma_start3A_585 = tpu.memref_slice %arg3[%dma_start3A_583, %dma_start3A_584] : memref<10000x128xf32, #tpu.memory_space<hbm>> -> memref<10000x128xf32, #tpu.memory_space<hbm>>
          tpu.enqueue_indirect_dma source(%dma_start3A_585 : memref<10000x128xf32, #tpu.memory_space<hbm>>) target(%arg7 : memref<80x128xf32, #tpu.memory_space<vmem>>) offsets(%dma_start3A_582 : memref<80xi32, #tpu.memory_space<vmem>>) semaphore(%arg11 : memref<!tpu.dma_semaphore, #tpu.memory_space<semaphore_mem>>)
        } else {
        }
        %mul3A_547 = arith.constant 3 : i32
        %mul3A_548 = arith.muli %mul3A_547, %scan3A_489 : i32
        %add3A_549 = arith.constant 2 : i32
        %add3A_550 = arith.addi %mul3A_548, %add3A_549 : i32
        %dma_wait3A_551 = arith.constant 0 : i32
        %dma_wait3A_552 = tpu.memref_slice %arg5[%add3A_550, %dma_wait3A_551] : memref<25x80xi32, #tpu.memory_space<vmem>> -> memref<1x80xi32, #tpu.memory_space<vmem>>
        %dma_wait3A_553 = tpu.memref_squeeze %dma_wait3A_552 : memref<1x80xi32, #tpu.memory_space<vmem>> -> memref<80xi32, #tpu.memory_space<vmem>>
        %dma_wait3A_554 = arith.constant 0 : i32
        %dma_wait3A_555 = arith.constant 0 : i32
        %dma_wait3A_556 = tpu.memref_slice %arg3[%dma_wait3A_554, %dma_wait3A_555] : memref<10000x128xf32, #tpu.memory_space<hbm>> -> memref<10000x128xf32, #tpu.memory_space<hbm>>
        tpu.wait_indirect_dma semaphore(%arg13 : memref<!tpu.dma_semaphore, #tpu.memory_space<semaphore_mem>>) src(%dma_wait3A_556 : memref<10000x128xf32, #tpu.memory_space<hbm>>) dst(%arg9 : memref<80x128xf32, #tpu.memory_space<vmem>>)
        %dma_start3A_557 = arith.constant 0 : i32
        %dma_start3A_558 = tpu.memref_slice %arg6[%add3A_550, %dma_start3A_557] : memref<25x80xi32, #tpu.memory_space<vmem>> -> memref<1x80xi32, #tpu.memory_space<vmem>>
        %dma_start3A_559 = tpu.memref_squeeze %dma_start3A_558 : memref<1x80xi32, #tpu.memory_space<vmem>> -> memref<80xi32, #tpu.memory_space<vmem>>
        %dma_start3A_560 = arith.constant 0 : i32
        %dma_start3A_561 = arith.constant 0 : i32
        %dma_start3A_562 = tpu.memref_slice %arg10[%dma_start3A_560, %dma_start3A_561] : memref<10000x128xf32, #tpu.memory_space<vmem_shared>> -> memref<10000x128xf32, #tpu.memory_space<vmem_shared>>
        tpu.enqueue_indirect_dma source(%arg9 : memref<80x128xf32, #tpu.memory_space<vmem>>) target(%dma_start3A_562 : memref<10000x128xf32, #tpu.memory_space<vmem_shared>>) offsets(%dma_start3A_559 : memref<80xi32, #tpu.memory_space<vmem>>) semaphore(%arg16 : memref<!tpu.dma_semaphore, #tpu.memory_space<semaphore_mem>>) {add = true}
        %sub3A_563 = arith.constant 1 : i32
        %sub3A_564 = arith.subi %add3A_550, %sub3A_563 : i32
        %dma_wait3A_565 = arith.constant 0 : i32
        %dma_wait3A_566 = tpu.memref_slice %arg6[%sub3A_564, %dma_wait3A_565] : memref<25x80xi32, #tpu.memory_space<vmem>> -> memref<1x80xi32, #tpu.memory_space<vmem>>
        %dma_wait3A_567 = tpu.memref_squeeze %dma_wait3A_566 : memref<1x80xi32, #tpu.memory_space<vmem>> -> memref<80xi32, #tpu.memory_space<vmem>>
        %dma_wait3A_568 = arith.constant 0 : i32
        %dma_wait3A_569 = arith.constant 0 : i32
        %dma_wait3A_570 = tpu.memref_slice %arg10[%dma_wait3A_568, %dma_wait3A_569] : memref<10000x128xf32, #tpu.memory_space<vmem_shared>> -> memref<10000x128xf32, #tpu.memory_space<vmem_shared>>
        tpu.wait_indirect_dma semaphore(%arg15 : memref<!tpu.dma_semaphore, #tpu.memory_space<semaphore_mem>>) src(%arg8 : memref<80x128xf32, #tpu.memory_space<vmem>>) dst(%dma_wait3A_570 : memref<10000x128xf32, #tpu.memory_space<vmem_shared>>)
        %add3A_571 = arith.constant 2 : i32
        %add3A_572 = arith.addi %add3A_550, %add3A_571 : i32
        %lt3A_573 = arith.constant 25 : i32
        %lt3A_574 = arith.cmpi slt, %add3A_572, %lt3A_573 : i32
        %convert_element_type3A_575 = arith.extui %lt3A_574 : i1 to i32
        %cond3A_576 = arith.constant 0 : i32
        %cond3A_577 = arith.cmpi ne, %convert_element_type3A_575, %cond3A_576 : i32
        scf.if %cond3A_577 {
          %add3A_578 = arith.constant 2 : i32
          %add3A_579 = arith.addi %add3A_550, %add3A_578 : i32
          %dma_start3A_580 = arith.constant 0 : i32
          %dma_start3A_581 = tpu.memref_slice %arg5[%add3A_579, %dma_start3A_580] : memref<25x80xi32, #tpu.memory_space<vmem>> -> memref<1x80xi32, #tpu.memory_space<vmem>>
          %dma_start3A_582 = tpu.memref_squeeze %dma_start3A_581 : memref<1x80xi32, #tpu.memory_space<vmem>> -> memref<80xi32, #tpu.memory_space<vmem>>
          %dma_start3A_583 = arith.constant 0 : i32
          %dma_start3A_584 = arith.constant 0 : i32
          %dma_start3A_585 = tpu.memref_slice %arg3[%dma_start3A_583, %dma_start3A_584] : memref<10000x128xf32, #tpu.memory_space<hbm>> -> memref<10000x128xf32, #tpu.memory_space<hbm>>
          tpu.enqueue_indirect_dma source(%dma_start3A_585 : memref<10000x128xf32, #tpu.memory_space<hbm>>) target(%arg8 : memref<80x128xf32, #tpu.memory_space<vmem>>) offsets(%dma_start3A_582 : memref<80xi32, #tpu.memory_space<vmem>>) semaphore(%arg12 : memref<!tpu.dma_semaphore, #tpu.memory_space<semaphore_mem>>)
        } else {
        }
      }
      %scan3A_460 = arith.constant 8 : i32
      %dma_wait3A_461 = arith.constant 24 : i32
      %dma_wait3A_462 = arith.constant 0 : i32
      %dma_wait3A_463 = tpu.memref_slice %arg5[%dma_wait3A_461, %dma_wait3A_462] : memref<25x80xi32, #tpu.memory_space<vmem>> -> memref<1x80xi32, #tpu.memory_space<vmem>>
      %dma_wait3A_464 = tpu.memref_squeeze %dma_wait3A_463 : memref<1x80xi32, #tpu.memory_space<vmem>> -> memref<80xi32, #tpu.memory_space<vmem>>
      %dma_wait3A_465 = arith.constant 0 : i32
      %dma_wait3A_466 = arith.constant 0 : i32
      %dma_wait3A_467 = tpu.memref_slice %arg3[%dma_wait3A_465, %dma_wait3A_466] : memref<10000x128xf32, #tpu.memory_space<hbm>> -> memref<10000x128xf32, #tpu.memory_space<hbm>>
      tpu.wait_indirect_dma semaphore(%arg11 : memref<!tpu.dma_semaphore, #tpu.memory_space<semaphore_mem>>) src(%dma_wait3A_467 : memref<10000x128xf32, #tpu.memory_space<hbm>>) dst(%arg7 : memref<80x128xf32, #tpu.memory_space<vmem>>)
      %dma_start3A_468 = arith.constant 24 : i32
      %dma_start3A_469 = arith.constant 0 : i32
      %dma_start3A_470 = tpu.memref_slice %arg6[%dma_start3A_468, %dma_start3A_469] : memref<25x80xi32, #tpu.memory_space<vmem>> -> memref<1x80xi32, #tpu.memory_space<vmem>>
      %dma_start3A_471 = tpu.memref_squeeze %dma_start3A_470 : memref<1x80xi32, #tpu.memory_space<vmem>> -> memref<80xi32, #tpu.memory_space<vmem>>
      %dma_start3A_472 = arith.constant 0 : i32
      %dma_start3A_473 = arith.constant 0 : i32
      %dma_start3A_474 = tpu.memref_slice %arg10[%dma_start3A_472, %dma_start3A_473] : memref<10000x128xf32, #tpu.memory_space<vmem_shared>> -> memref<10000x128xf32, #tpu.memory_space<vmem_shared>>
      tpu.enqueue_indirect_dma source(%arg7 : memref<80x128xf32, #tpu.memory_space<vmem>>) target(%dma_start3A_474 : memref<10000x128xf32, #tpu.memory_space<vmem_shared>>) offsets(%dma_start3A_471 : memref<80xi32, #tpu.memory_space<vmem>>) semaphore(%arg14 : memref<!tpu.dma_semaphore, #tpu.memory_space<semaphore_mem>>) {add = true}
      %dma_wait3A_475 = arith.constant 23 : i32
      %dma_wait3A_476 = arith.constant 0 : i32
      %dma_wait3A_477 = tpu.memref_slice %arg6[%dma_wait3A_475, %dma_wait3A_476] : memref<25x80xi32, #tpu.memory_space<vmem>> -> memref<1x80xi32, #tpu.memory_space<vmem>>
      %dma_wait3A_478 = tpu.memref_squeeze %dma_wait3A_477 : memref<1x80xi32, #tpu.memory_space<vmem>> -> memref<80xi32, #tpu.memory_space<vmem>>
      %dma_wait3A_479 = arith.constant 0 : i32
      %dma_wait3A_480 = arith.constant 0 : i32
      %dma_wait3A_481 = tpu.memref_slice %arg10[%dma_wait3A_479, %dma_wait3A_480] : memref<10000x128xf32, #tpu.memory_space<vmem_shared>> -> memref<10000x128xf32, #tpu.memory_space<vmem_shared>>
      tpu.wait_indirect_dma semaphore(%arg16 : memref<!tpu.dma_semaphore, #tpu.memory_space<semaphore_mem>>) src(%arg9 : memref<80x128xf32, #tpu.memory_space<vmem>>) dst(%dma_wait3A_481 : memref<10000x128xf32, #tpu.memory_space<vmem_shared>>)
      %dma_wait3A_482 = arith.constant 24 : i32
      %dma_wait3A_483 = arith.constant 0 : i32
      %dma_wait3A_484 = tpu.memref_slice %arg6[%dma_wait3A_482, %dma_wait3A_483] : memref<25x80xi32, #tpu.memory_space<vmem>> -> memref<1x80xi32, #tpu.memory_space<vmem>>
      %dma_wait3A_485 = tpu.memref_squeeze %dma_wait3A_484 : memref<1x80xi32, #tpu.memory_space<vmem>> -> memref<80xi32, #tpu.memory_space<vmem>>
      %dma_wait3A_486 = arith.constant 0 : i32
      %dma_wait3A_487 = arith.constant 0 : i32
      %dma_wait3A_488 = tpu.memref_slice %arg10[%dma_wait3A_486, %dma_wait3A_487] : memref<10000x128xf32, #tpu.memory_space<vmem_shared>> -> memref<10000x128xf32, #tpu.memory_space<vmem_shared>>
      tpu.wait_indirect_dma semaphore(%arg14 : memref<!tpu.dma_semaphore, #tpu.memory_space<semaphore_mem>>) src(%arg7 : memref<80x128xf32, #tpu.memory_space<vmem>>) dst(%dma_wait3A_488 : memref<10000x128xf32, #tpu.memory_space<vmem_shared>>)
    }
    %scan3A_425 = arith.constant 5 : i32
    %barrier3A_426 = arith.constant 0 : index
    tpu.barrier barrier_id(%barrier3A_426)
    %mul3A_427 = arith.constant 624 : i32
    %mul3A_428 = arith.muli %arg1, %mul3A_427 : i32
    %mul3A_429 = arith.constant 624 : i32
    %mul3A_430 = arith.muli %arg1, %mul3A_429 : i32
    "tpu.region"() ({
      %run_scoped3A = tpu.sem_alloc : memref<!tpu.dma_semaphore, #tpu.memory_space<semaphore_mem>>
      %dma_start3A_436 = arith.constant 0 : i32
      %dma_start3A_437 = tpu.memref_slice %arg4[%arg0, %mul3A_430, %dma_start3A_436] : memref<2x10000x128xf32, #tpu.memory_space<hbm>> -> memref<1x624x128xf32, #tpu.memory_space<hbm>>
      %dma_start3A_438 = tpu.memref_squeeze %dma_start3A_437 : memref<1x624x128xf32, #tpu.memory_space<hbm>> -> memref<624x128xf32, #tpu.memory_space<hbm>>
      %dma_start3A_439 = arith.constant 0 : i32
      %dma_start3A_440 = tpu.memref_slice %arg10[%mul3A_428, %dma_start3A_439] : memref<10000x128xf32, #tpu.memory_space<vmem_shared>> -> memref<624x128xf32, #tpu.memory_space<vmem_shared>>
      tpu.enqueue_dma source(%dma_start3A_440 : memref<624x128xf32, #tpu.memory_space<vmem_shared>>) target(%dma_start3A_438 : memref<624x128xf32, #tpu.memory_space<hbm>>) target_semaphore(%run_scoped3A : memref<!tpu.dma_semaphore, #tpu.memory_space<semaphore_mem>>)
      %dma_wait3A_441 = arith.constant 0 : i32
      %dma_wait3A_442 = tpu.memref_slice %arg4[%arg0, %mul3A_430, %dma_wait3A_441] : memref<2x10000x128xf32, #tpu.memory_space<hbm>> -> memref<1x624x128xf32, #tpu.memory_space<hbm>>
      %dma_wait3A_443 = tpu.memref_squeeze %dma_wait3A_442 : memref<1x624x128xf32, #tpu.memory_space<hbm>> -> memref<624x128xf32, #tpu.memory_space<hbm>>
      %dma_wait3A_444 = arith.constant 0 : i32
      %dma_wait3A_445 = tpu.memref_slice %arg10[%mul3A_428, %dma_wait3A_444] : memref<10000x128xf32, #tpu.memory_space<vmem_shared>> -> memref<624x128xf32, #tpu.memory_space<vmem_shared>>
      tpu.wait_dma2 semaphore(%run_scoped3A : memref<!tpu.dma_semaphore, #tpu.memory_space<semaphore_mem>>) src(%dma_wait3A_445 : memref<624x128xf32, #tpu.memory_space<vmem_shared>>) dst(%dma_wait3A_443 : memref<624x128xf32, #tpu.memory_space<hbm>>)
      tpu.yield
    }) : () -> ()
    %eq3A_431 = arith.constant 15 : i32
    %eq3A_432 = arith.cmpi eq, %arg1, %eq3A_431 : i32
    %convert_element_type3A_433 = arith.extui %eq3A_432 : i1 to i32
    %cond3A_434 = arith.constant 0 : i32
    %cond3A_435 = arith.cmpi ne, %convert_element_type3A_433, %cond3A_434 : i32
    scf.if %cond3A_435 {
      "tpu.region"() ({
        %run_scoped3A = tpu.sem_alloc : memref<!tpu.dma_semaphore, #tpu.memory_space<semaphore_mem>>
        %dma_start3A_436 = arith.constant 9984 : i32
        %dma_start3A_437 = arith.constant 0 : i32
        %dma_start3A_438 = tpu.memref_slice %arg4[%arg0, %dma_start3A_436, %dma_start3A_437] : memref<2x10000x128xf32, #tpu.memory_space<hbm>> -> memref<1x16x128xf32, #tpu.memory_space<hbm>>
        %dma_start3A_439 = tpu.memref_squeeze %dma_start3A_438 : memref<1x16x128xf32, #tpu.memory_space<hbm>> -> memref<16x128xf32, #tpu.memory_space<hbm>>
        %dma_start3A_440 = arith.constant 9984 : i32
        %dma_start3A_441 = arith.constant 0 : i32
        %dma_start3A_442 = tpu.memref_slice %arg10[%dma_start3A_440, %dma_start3A_441] : memref<10000x128xf32, #tpu.memory_space<vmem_shared>> -> memref<16x128xf32, #tpu.memory_space<vmem_shared>>
        tpu.enqueue_dma source(%dma_start3A_442 : memref<16x128xf32, #tpu.memory_space<vmem_shared>>) target(%dma_start3A_439 : memref<16x128xf32, #tpu.memory_space<hbm>>) target_semaphore(%run_scoped3A : memref<!tpu.dma_semaphore, #tpu.memory_space<semaphore_mem>>)
        %dma_wait3A_443 = arith.constant 9984 : i32
        %dma_wait3A_444 = arith.constant 0 : i32
        %dma_wait3A_445 = tpu.memref_slice %arg4[%arg0, %dma_wait3A_443, %dma_wait3A_444] : memref<2x10000x128xf32, #tpu.memory_space<hbm>> -> memref<1x16x128xf32, #tpu.memory_space<hbm>>
        %dma_wait3A_446 = tpu.memref_squeeze %dma_wait3A_445 : memref<1x16x128xf32, #tpu.memory_space<hbm>> -> memref<16x128xf32, #tpu.memory_space<hbm>>
        %dma_wait3A_447 = arith.constant 9984 : i32
        %dma_wait3A_448 = arith.constant 0 : i32
        %dma_wait3A_449 = tpu.memref_slice %arg10[%dma_wait3A_447, %dma_wait3A_448] : memref<10000x128xf32, #tpu.memory_space<vmem_shared>> -> memref<16x128xf32, #tpu.memory_space<vmem_shared>>
        tpu.wait_dma2 semaphore(%run_scoped3A : memref<!tpu.dma_semaphore, #tpu.memory_space<semaphore_mem>>) src(%dma_wait3A_449 : memref<16x128xf32, #tpu.memory_space<vmem_shared>>) dst(%dma_wait3A_446 : memref<16x128xf32, #tpu.memory_space<hbm>>)
        tpu.yield
      }) : () -> ()
    } else {
    }
    return
  }
}

module attributes {stable_mosaic.version = 14 : i64} {
  func.func @tc_sage_pre(%arg0: memref<10000x128xf32, #tpu.memory_space<vmem>>, %arg1: memref<128x128xf32, #tpu.memory_space<vmem>>, %arg2: memref<1x128xf32, #tpu.memory_space<vmem>>, %arg3: memref<10000x128xf32, #tpu.memory_space<vmem>>) attributes {dimension_semantics = [], scalar_prefetch = 0 : i64, scratch_operands = 0 : i64, tpu.core_type = #tpu.core_type<tc>} {
    %get3A = arith.constant 0 : index
    %get3A_0 = arith.constant 0 : index
    %get3A_1 = vector.load %arg0[%get3A, %get3A_0] : memref<10000x128xf32, #tpu.memory_space<vmem>>, vector<10000x128xf32>
    %get3A_2 = arith.constant 0 : index
    %get3A_3 = arith.constant 0 : index
    %get3A_4 = vector.load %arg1[%get3A_2, %get3A_3] : memref<128x128xf32, #tpu.memory_space<vmem>>, vector<128x128xf32>
    %dot_general3A = arith.constant dense<0.000000e+00> : vector<10000x128xf32>
    %dot_general3A_5 = tpu.matmul %get3A_1, %get3A_4, %dot_general3A {dimension_numbers = #tpu.dot_dimension_numbers<[1], [0], [0], [1], [0, 0, 1, 1], [], []>, transpose_lhs_hint = false} : vector<10000x128xf32>, vector<128x128xf32>, vector<10000x128xf32> -> vector<10000x128xf32>
    %get3A_6 = arith.constant 0 : index
    %get3A_7 = arith.constant 0 : index
    %get3A_8 = vector.load %arg2[%get3A_6, %get3A_7] : memref<1x128xf32, #tpu.memory_space<vmem>>, vector<1x128xf32>
    %add3A = vector.broadcast %get3A_8 : vector<1x128xf32> to vector<10000x128xf32>
    %add3A_9 = arith.addf %dot_general3A_5, %add3A : vector<10000x128xf32>
    %swap3A = arith.constant 0 : index
    %swap3A_10 = arith.constant 0 : index
    %swap3A_11 = vector.load %arg3[%swap3A, %swap3A_10] : memref<10000x128xf32, #tpu.memory_space<vmem>>, vector<10000x128xf32>
    tpu.vector_store %arg3[%swap3A, %swap3A_10], %add3A_9 {strides = array<i32>} : memref<10000x128xf32, #tpu.memory_space<vmem>>, vector<10000x128xf32>,
    return
  }
}

module attributes {stable_mosaic.version = 14 : i64} {
  func.func @tc_sage_post(%arg0: memref<2x10000x128xf32, #tpu.memory_space<vmem>>, %arg1: memref<32x1x10000xf32, #tpu.memory_space<vmem>>, %arg2: memref<10000x128xf32, #tpu.memory_space<vmem>>, %arg3: memref<128x128xf32, #tpu.memory_space<vmem>>, %arg4: memref<10000x128xf32, #tpu.memory_space<vmem>>) attributes {dimension_semantics = [], scalar_prefetch = 0 : i64, scratch_operands = 0 : i64, tpu.core_type = #tpu.core_type<tc>} {
    %get3A = arith.constant 0 : index
    %get3A_0 = arith.constant 0 : index
    %get3A_1 = arith.constant 0 : index
    %get3A_2 = vector.load %arg0[%get3A, %get3A_0, %get3A_1] : memref<2x10000x128xf32, #tpu.memory_space<vmem>>, vector<2x10000x128xf32>
    %slice3A = vector.extract_strided_slice %get3A_2 {offsets = [0, 0, 0], sizes = [1, 10000, 128], strides = [1, 1, 1]} : vector<2x10000x128xf32> to vector<1x10000x128xf32>
    %squeeze3A = vector.shape_cast %slice3A : vector<1x10000x128xf32> to vector<10000x128xf32>
    %slice3A_3 = vector.extract_strided_slice %get3A_2 {offsets = [1, 0, 0], sizes = [1, 10000, 128], strides = [1, 1, 1]} : vector<2x10000x128xf32> to vector<1x10000x128xf32>
    %squeeze3A_4 = vector.shape_cast %slice3A_3 : vector<1x10000x128xf32> to vector<10000x128xf32>
    %add3A = arith.addf %squeeze3A, %squeeze3A_4 : vector<10000x128xf32>
    %get3A_5 = arith.constant 0 : index
    %get3A_6 = arith.constant 0 : index
    %get3A_7 = arith.constant 0 : index
    %get3A_8 = vector.load %arg1[%get3A_5, %get3A_6, %get3A_7] : memref<32x1x10000xf32, #tpu.memory_space<vmem>>, vector<32x1x10000xf32>
    %reduce_sum3A = arith.constant dense<0.000000e+00> : vector<10000xf32>
    %reduce_sum3A_9 = vector.multi_reduction <add>, %get3A_8, %reduce_sum3A [0, 1] : vector<32x1x10000xf32> to vector<10000xf32>
    %max3A = arith.constant 1.000000e+00 : f32
    %max3A_10 = vector.broadcast %max3A : f32 to vector<10000xf32>
    %max3A_11 = arith.maximumf %reduce_sum3A_9, %max3A_10 : vector<10000xf32>
    %div3A = arith.constant 1.000000e+00 : f32
    %div3A_12 = vector.broadcast %div3A : f32 to vector<10000xf32>
    %div3A_13 = arith.divf %div3A_12, %max3A_11 : vector<10000xf32>
    %broadcast_in_dim3A = vector.shape_cast %div3A_13 : vector<10000xf32> to vector<10000x1xf32>
    %mul3A = vector.broadcast %broadcast_in_dim3A : vector<10000x1xf32> to vector<10000x128xf32>
    %mul3A_14 = arith.mulf %add3A, %mul3A : vector<10000x128xf32>
    %get3A_15 = arith.constant 0 : index
    %get3A_16 = arith.constant 0 : index
    %get3A_17 = vector.load %arg3[%get3A_15, %get3A_16] : memref<128x128xf32, #tpu.memory_space<vmem>>, vector<128x128xf32>
    %dot_general3A = arith.constant dense<0.000000e+00> : vector<10000x128xf32>
    %dot_general3A_18 = tpu.matmul %mul3A_14, %get3A_17, %dot_general3A {dimension_numbers = #tpu.dot_dimension_numbers<[1], [0], [0], [1], [0, 0, 1, 1], [], []>, transpose_lhs_hint = false} : vector<10000x128xf32>, vector<128x128xf32>, vector<10000x128xf32> -> vector<10000x128xf32>
    %get3A_19 = arith.constant 0 : index
    %get3A_20 = arith.constant 0 : index
    %get3A_21 = vector.load %arg2[%get3A_19, %get3A_20] : memref<10000x128xf32, #tpu.memory_space<vmem>>, vector<10000x128xf32>
    %add3A_22 = arith.addf %dot_general3A_18, %get3A_21 : vector<10000x128xf32>
    %gt3A = arith.constant 0.000000e+00 : f32
    %gt3A_23 = vector.broadcast %gt3A : f32 to vector<10000x128xf32>
    %gt3A_24 = arith.cmpf ogt, %add3A_22, %gt3A_23 : vector<10000x128xf32>
    %mul3A_25 = arith.constant 0.00999999977 : f32
    %mul3A_26 = vector.broadcast %mul3A_25 : f32 to vector<10000x128xf32>
    %mul3A_27 = arith.mulf %mul3A_26, %add3A_22 : vector<10000x128xf32>
    %select_n3A = arith.select %gt3A_24, %add3A_22, %mul3A_27 : vector<10000x128xi1>, vector<10000x128xf32>
    %swap3A = arith.constant 0 : index
    %swap3A_28 = arith.constant 0 : index
    %swap3A_29 = vector.load %arg4[%swap3A, %swap3A_28] : memref<10000x128xf32, #tpu.memory_space<vmem>>, vector<10000x128xf32>
    tpu.vector_store %arg4[%swap3A, %swap3A_28], %select_n3A {strides = array<i32>} : memref<10000x128xf32, #tpu.memory_space<vmem>>, vector<10000x128xf32>,
    return
  }
}

module attributes {stable_mosaic.version = 14 : i64} {
  func.func @tc_sage_post(%arg0: memref<2x10000x128xf32, #tpu.memory_space<vmem>>, %arg1: memref<32x1x10000xf32, #tpu.memory_space<vmem>>, %arg2: memref<10000x128xf32, #tpu.memory_space<vmem>>, %arg3: memref<128x128xf32, #tpu.memory_space<vmem>>, %arg4: memref<10000x128xf32, #tpu.memory_space<vmem>>) attributes {dimension_semantics = [], scalar_prefetch = 0 : i64, scratch_operands = 0 : i64, tpu.core_type = #tpu.core_type<tc>} {
    %get3A = arith.constant 0 : index
    %get3A_0 = arith.constant 0 : index
    %get3A_1 = arith.constant 0 : index
    %get3A_2 = vector.load %arg0[%get3A, %get3A_0, %get3A_1] : memref<2x10000x128xf32, #tpu.memory_space<vmem>>, vector<2x10000x128xf32>
    %slice3A = vector.extract_strided_slice %get3A_2 {offsets = [0, 0, 0], sizes = [1, 10000, 128], strides = [1, 1, 1]} : vector<2x10000x128xf32> to vector<1x10000x128xf32>
    %squeeze3A = vector.shape_cast %slice3A : vector<1x10000x128xf32> to vector<10000x128xf32>
    %slice3A_3 = vector.extract_strided_slice %get3A_2 {offsets = [1, 0, 0], sizes = [1, 10000, 128], strides = [1, 1, 1]} : vector<2x10000x128xf32> to vector<1x10000x128xf32>
    %squeeze3A_4 = vector.shape_cast %slice3A_3 : vector<1x10000x128xf32> to vector<10000x128xf32>
    %add3A = arith.addf %squeeze3A, %squeeze3A_4 : vector<10000x128xf32>
    %get3A_5 = arith.constant 0 : index
    %get3A_6 = arith.constant 0 : index
    %get3A_7 = arith.constant 0 : index
    %get3A_8 = vector.load %arg1[%get3A_5, %get3A_6, %get3A_7] : memref<32x1x10000xf32, #tpu.memory_space<vmem>>, vector<32x1x10000xf32>
    %reduce_sum3A = arith.constant dense<0.000000e+00> : vector<10000xf32>
    %reduce_sum3A_9 = vector.multi_reduction <add>, %get3A_8, %reduce_sum3A [0, 1] : vector<32x1x10000xf32> to vector<10000xf32>
    %max3A = arith.constant 1.000000e+00 : f32
    %max3A_10 = vector.broadcast %max3A : f32 to vector<10000xf32>
    %max3A_11 = arith.maximumf %reduce_sum3A_9, %max3A_10 : vector<10000xf32>
    %div3A = arith.constant 1.000000e+00 : f32
    %div3A_12 = vector.broadcast %div3A : f32 to vector<10000xf32>
    %div3A_13 = arith.divf %div3A_12, %max3A_11 : vector<10000xf32>
    %broadcast_in_dim3A = vector.shape_cast %div3A_13 : vector<10000xf32> to vector<10000x1xf32>
    %mul3A = vector.broadcast %broadcast_in_dim3A : vector<10000x1xf32> to vector<10000x128xf32>
    %mul3A_14 = arith.mulf %add3A, %mul3A : vector<10000x128xf32>
    %get3A_15 = arith.constant 0 : index
    %get3A_16 = arith.constant 0 : index
    %get3A_17 = vector.load %arg3[%get3A_15, %get3A_16] : memref<128x128xf32, #tpu.memory_space<vmem>>, vector<128x128xf32>
    %dot_general3A = arith.constant dense<0.000000e+00> : vector<10000x128xf32>
    %dot_general3A_18 = tpu.matmul %mul3A_14, %get3A_17, %dot_general3A {dimension_numbers = #tpu.dot_dimension_numbers<[1], [0], [0], [1], [0, 0, 1, 1], [], []>, transpose_lhs_hint = false} : vector<10000x128xf32>, vector<128x128xf32>, vector<10000x128xf32> -> vector<10000x128xf32>
    %get3A_19 = arith.constant 0 : index
    %get3A_20 = arith.constant 0 : index
    %get3A_21 = vector.load %arg2[%get3A_19, %get3A_20] : memref<10000x128xf32, #tpu.memory_space<vmem>>, vector<10000x128xf32>
    %add3A_22 = arith.addf %dot_general3A_18, %get3A_21 : vector<10000x128xf32>
    %swap3A = arith.constant 0 : index
    %swap3A_23 = arith.constant 0 : index
    %swap3A_24 = vector.load %arg4[%swap3A, %swap3A_23] : memref<10000x128xf32, #tpu.memory_space<vmem>>, vector<10000x128xf32>
    tpu.vector_store %arg4[%swap3A, %swap3A_23], %add3A_22 {strides = array<i32>} : memref<10000x128xf32, #tpu.memory_space<vmem>>, vector<10000x128xf32>,
    return
  }
}

</mosaic_0001>

<sc_bundles>
// kernel: sc_sage_agg.3.cloned.1.call-start
scs
__scs_entry_jumppad:
0x0: {  	(pc) =	sbr.rel $0x88, $3  }
0x1: {  	(tag) =	ssettag $0x0;
	lr =	simm.s32 $0x1  }
0x2: {  	[smem:$0x3F99] =	sst lr;
	_ =	strace $0xD0000000  }
0x3: {  	_ = 	snop  }
0x4: {  	_ = 	snop  }
0x5: {  	_ = 	snop  }
0x6: {  	_ = 	snop  }
0x7: {  	_ = 	snop  }
__scs_overlays_trampoline_lowered:
0x8: {  	[smem:$0x3FA8] =	sst s0  }
0x9: {  	[smem:$0x3FA9] =	sst s1  }
0xa: {  	[smem:$0x3FAA] =	sst s2  }
0xb: {  	[smem:$0x3FAB] =	sst s3  }
0xc: {  	[smem:$0x3FAC] =	sst s4  }
0xd: {  	[smem:$0x3FAD] =	sst s5  }
0xe: {  	[smem:$0x3FAE] =	sst s6  }
0xf: {  	[smem:$0x3FAF] =	sst s7  }
0x10: {  	[smem:$0x3FB0] =	sst s8  }
0x11: {  	[smem:$0x3FB1] =	sst s9;
	s0 =	simm.s32 @!p0 $0x0  }
0x12: {  	s1 =	sld [smem:$0x3F97];
	s0 =	simm.s32 @p0 $0x1  }
0x13: {  	[smem:$0x3FB2] =	sst s0;
	s0 =	simm.s32 @!p1 $0x0  }
0x14: {  	s2 =	sld [smem:$0x3F96];
	s0 =	simm.s32 @p1 $0x1  }
0x15: {  	[smem:$0x3FB3] =	sst s0;
	s0 =	simm.s32 @!p2 $0x0  }
0x16: {  	s3 =	sld [smem:$0x3FDB];
	s0 =	simm.s32 @p2 $0x1  }
0x17: {  	s4 =	simm.s32 $0x1BF5;
	[smem:$0x3FB5] =	sst s0  }
0x18: {  	s0 =	sld [smem:$0x3F98];
	_ =	swait.ge [sflag:s4], $0x0  }
0x19: {  	s7 =	sld [smem:$0x3F99]  }
0x1a: {  	s8 =	sadd.s32 $0xFFFFE003, lr  }
0x1b: {  	s9 =	sadd.s32 $0xFFFFFEF7, lr;
	s5 =	simm.s32 $0xFFFFFFFF;
	p2 =	slt.u32 s8, $0xFFFFF086  }
0x1c: {  	p1 =	slt.u32 s9, $0xF7A;
	s5 =	simm.s32 @!p2 $0x0  }
0x1d: {  	s5 =	simm.s32 @p1 $0x1;
	p0 =	seq.s32 s7, s2  }
0x1e: {  	s7 =	smul.u32 @!p0 $0xF7A, s2;
	p2 =	seq.s32 @!p0 s5, $0x0  }
0x1f: {  	s9 =	smul.u32 $0xF7A, s1;
	s8 =	simm.s32 @!p0 $0x1BF5;
	p2 =	por !p2, p0  }
0x20: {  	[sflag:s8] =	ssyncset.s32 @!p0 $0xFFFFF086;
	s6 =	sadd.s32 @!p0 s3, s7;
	s7 =	simm.s32 @!p0 $0x108  }
0x21: {  	s3 =	sadd.s32 s3, s9;
	s6 =	sadd.s32 @!p0 $0x88, s6;
	s7 =	simm.s32 @p2 $0x1082  }
0x22: {  	[simem:s7], [sflag:s8] =	dma.local @!p0 [hbm:s6], $0xF7A  }
0x23: {  	s9 =	sor.u32 $0xD0000000, s2;
	s6 =	simm.s32 $0x108;
	_ =	swait.ge @!p0 [sflag:s8], $0x0  }
0x24: {  	s3 =	sadd.s32 $0x88, s3;
	s6 =	simm.s32 @!p1 $0x1082;
	[sflag:s4] =	ssyncset.s32 $0xFFFFF086  }
0x25: {  	[simem:s6], [sflag:s4] =	dma.local [hbm:s3], $0xF7A  }
0x26: {  	[smem:$0x3F99] =	sst s1;
	(tag) =	ssettag s2;
	_ =	strace s9  }
0x27: {  	s1 =	sld [smem:$0x3FA9]  }
0x28: {  	s2 =	sld [smem:$0x3FAA]  }
0x29: {  	s4 =	sld [smem:$0x3FAC]  }
0x2a: {  	p0 =	seq.s32 s5, $0x0;
	s5 =	sld [smem:$0x3FAD]  }
0x2b: {  	s6 =	sld [smem:$0x3FAE]  }
0x2c: {  	s7 =	sld [smem:$0x3FAF]  }
0x2d: {  	s3 =	simm.s32 $0x108;
	s8 =	sld [smem:$0x3FB0]  }
0x2e: {  	s3 =	simm.s32 @!p0 $0x1082;
	s9 =	sld [smem:$0x3FB1]  }
0x2f: {  	lr =	sadd.s32 s0, s3;
	s0 =	sld [smem:$0x3FA8]  }
0x30: {  	s3 =	sld [smem:$0x3FAB]  }
0x31: {  	[smem:$0x3FB4] =	sst s10  }
0x32: {  	s10 =	sld [smem:$0x3FB2];
	_ =	sdelay $0x3  }
0x33: {  	p0 =	seq.s32 s10, $0x1;
	s10 =	sld [smem:$0x3FB4];
	_ =	sdelay $0x3  }
0x34: {  	[smem:$0x3FB4] =	sst s10  }
0x35: {  	s10 =	sld [smem:$0x3FB3];
	_ =	sdelay $0x3  }
0x36: {  	p1 =	seq.s32 s10, $0x1;
	s10 =	sld [smem:$0x3FB4];
	_ =	sdelay $0x3  }
0x37: {  	[smem:$0x3FB4] =	sst s10  }
0x38: {  	s10 =	sld [smem:$0x3FB5]  }
0x39: {  	_ = 	snop;
	(pc) =	sbr.ind lr, $3  }
0x3a: {  	_ = 	snop  }
0x3b: {  	_ = 	snop  }
0x3c: {  	p2 =	seq.s32 s10, $0x1;
	s10 =	sld [smem:$0x3FB4]  }
0x3d: {  	_ =	shalt  }
0x3e: {  	_ =	shalt  }
0x3f: {  	_ =	shalt  }
0x40: {  	_ =	shalt  }
0x41: {  	_ =	shalt  }
0x42: {  	_ =	shalt  }
0x43: {  	_ =	shalt  }
0x44: {  	_ =	shalt  }
0x45: {  	_ =	shalt  }
0x46: {  	_ =	shalt  }
0x47: {  	_ =	shalt  }
0x48: {  	_ =	shalt  }
0x49: {  	_ =	shalt  }
0x4a: {  	_ =	shalt  }
0x4b: {  	_ =	shalt  }
0x4c: {  	_ =	shalt  }
0x4d: {  	_ =	shalt  }
0x4e: {  	_ =	shalt  }
0x4f: {  	_ =	shalt  }
0x50: {  	_ =	shalt  }
0x51: {  	_ =	shalt  }
0x52: {  	_ =	shalt  }
0x53: {  	_ =	shalt  }
0x54: {  	_ =	shalt  }
0x55: {  	_ =	shalt  }
0x56: {  	_ =	shalt  }
0x57: {  	_ =	shalt  }
0x58: {  	_ =	shalt  }
0x59: {  	_ =	shalt  }
0x5a: {  	_ =	shalt  }
0x5b: {  	_ =	shalt  }
0x5c: {  	_ =	shalt  }
0x5d: {  	_ =	shalt  }
0x5e: {  	_ =	shalt  }
0x5f: {  	_ =	shalt  }
0x60: {  	_ =	shalt  }
0x61: {  	_ =	shalt  }
0x62: {  	_ =	shalt  }
0x63: {  	_ =	shalt  }
0x64: {  	_ =	shalt  }
0x65: {  	_ =	shalt  }
0x66: {  	_ =	shalt  }
0x67: {  	_ =	shalt  }
0x68: {  	_ =	shalt  }
0x69: {  	_ =	shalt  }
0x6a: {  	_ =	shalt  }
0x6b: {  	_ =	shalt  }
0x6c: {  	_ =	shalt  }
0x6d: {  	_ =	shalt  }
0x6e: {  	_ =	shalt  }
0x6f: {  	_ =	shalt  }
0x70: {  	_ =	shalt  }
0x71: {  	_ =	shalt  }
0x72: {  	_ =	shalt  }
0x73: {  	_ =	shalt  }
0x74: {  	_ =	shalt  }
0x75: {  	_ =	shalt  }
0x76: {  	_ =	shalt  }
0x77: {  	_ =	shalt  }
0x78: {  	_ =	shalt  }
0x79: {  	_ =	shalt  }
0x7a: {  	_ =	shalt  }
0x7b: {  	_ =	shalt  }
0x7c: {  	_ =	shalt  }
0x7d: {  	_ =	shalt  }
0x7e: {  	_ =	shalt  }
0x7f: {  	_ =	shalt  }
0x80: {  	_ =	shalt  }
0x81: {  	_ =	shalt  }
0x82: {  	_ =	shalt  }
0x83: {  	_ =	shalt  }
0x84: {  	_ =	shalt  }
0x85: {  	_ =	shalt  }
0x86: {  	_ =	shalt  }
0x87: {  	_ =	shalt  }
.Lfunc_end0:
.L_simem_size_0:
called_computation.1_lowered:
.L_overlay_start_0:
0x88: {  	s2 =	sld [smem:$0x3FD9]  }
0x89: {  	s3 =	sld [smem:$0x3FFE];
	_ =	sdelay $0x1  }
0x8a: {  	s1 =	srdreg.scid  }
0x8b: {  	s0 =	sand.u32 $0x1, s1  }
0x8c: {  	s17 =	sshll.u32 s0, $0xA;
	s2 =	sadd.s32 s3, s2  }
0x8d: {  	s2 =	sadd.s32 s2, s17  }
0x8e: {  	[smem:$0x3FC0] =	sst s2  }
0x8f: {  	_ = 	snop  }
0x90: {  	s2 =	sld [smem:$0x3FD0];
	(tm) =	ssettm $0x1  }
0x91: {  	s18 =	sld [smem:$0x3FFB];
	_ =	sdelay $0x3  }
0x92: {  	_ =	strace s18  }
0x93: {  	s3 =	sld [smem:$0x3FFC];
	_ =	sdelay $0x3  }
0x94: {  	_ =	strace s3  }
0x95: {  	s3 =	sld [smem:$0x3FFD];
	_ =	sdelay $0x3  }
0x96: {  	_ =	strace s3  }
0x97: {  	_ =	strace $0x8FFFFFFF  }
0x98: {  	s19 =	sld [smem:$0x3FDB];
	_ =	sdelay $0x1  }
0x99: {  	s4 =	simm.s32 $_scs_section_size  }
0x9a: {  	s5 =	simm.s32 $_size__tile_overlayer_lowered;
	s6 =	simm.s32 $_tile_overlayer_lowered  }
0x9b: {  	s22 =	simm.s32 $0x1BFF;
	s21 =	sshll.u32 s6, $0x1;
	s3 =	sadd.s32 s4, s19  }
0x9c: {  	s7 =	simm.s32 $0x0;
	s20 =	sshll.u32 s5, $0x1;
	s5 =	sadd.s32 s21, s3  }
0x9d: {  	[timem:s7], [sflag:s22] =	dma.local [hbm:s5], s20  }
0x9e: {  	_ =	swait.ge [sflag:s22], s20  }
0x9f: {  	s4 =	ssub.s32 $0x0, s20;
	[sflag:s22] =	ssyncset.done $0x0  }
0xa0: {  	[sflag:s22] =	ssyncadd.s32 s4;
	_ =	sdelay $0x1  }
0xa1: {  	s23 =	simm.s32 $0x1B8B  }
0xa2: {  	_ =	swait.ge [sflag:s23], $0x1  }
0xa3: {  	[sflag:s23] =	ssyncset.done $0x0  }
0xa4: {  	s25 =	simm.s32 $0x1B8E;
	s24 =	sld [smem:$0x3FFE];
	[sflag:s23] =	ssyncadd.s32 $0xFFFFFFFF  }
0xa5: {  	s26 =	simm.s32 $execute0_lowered;
	[smem:$0x3FD2] =	sst s25  }
0xa6: {  	s5 =	sshll.u32 s26, $0x1;
	_ =	strace $0x80000049;
	[dreg:$0x1] =	wrdreg $0xFFFFFFFF  }
0xa7: {  	s28 =	simm.s32 $_size_execute0_lowered;
	s3 =	sadd.s32 s3, s5;
	[dreg:$0x0] =	wrdreg $0x0  }
0xa8: {  	s5 =	sshll.u32 s28, $0x1;
	[dreg:$0x2] =	wrdreg s3  }
0xa9: {  	[dreg:$0x3] =	wrdreg s5  }
0xaa: {  	[dreg:$0x4] =	wrdreg $0xC0  }
0xab: {  	_ =	task [dreg:s7], $0x5FFFF  }
0xac: {  	[dreg:$0x1] =	wrdreg $0xFFFFFFFF  }
0xad: {  	[dreg:$0x0] =	wrdreg $0x60  }
0xae: {  	[dreg:$0x2] =	wrdreg s24  }
0xaf: {  	[dreg:$0x3] =	wrdreg s2  }
0xb0: {  	[dreg:$0x4] =	wrdreg $0x98000  }
0xb1: {  	[dreg:$0x5] =	wrdreg $0x9  }
0xb2: {  	_ =	task.clear_ibuf [dreg:s7], $0x6FFFF;
	_ =	strace $0x90000049  }
0xb3: {  	s29 =	simm.s32 $0x9;
	_ =	strace $0x8000004B  }
0xb4: {  	_ =	swait.ge [sflag:s29], $0x1  }
0xb5: {  	[sflag:s29] =	ssyncadd.s32 $0xFFFFFFFF  }
0xb6: {  	_ =	strace $0x9000004B  }
0xb7: {  	_ =	sfence  }
0xb8: {  	s30 =	sld [smem:$0x0];
	_ =	sdelay $0x2  }
0xb9: {  	s31 =	sshll.u32 s1, $0xD;
	s1 =	sshrl.u32 s1, $0x2  }
0xba: {  	s3 =	sand.u32 $0x4000, s31;
	s1 =	sadd.s32 s1, s30  }
0xbb: {  	s0 =	sor.u32 s3, s0;
	s1 =	sshll.u32 s1, $0x11  }
0xbc: {  	s0 =	sor.u32 s1, s0  }
0xbd: {  	s0 =	sadd.s32 $0x8F2B, s0  }
0xbe: {  	[sflag:s0] =	ssyncadd.remote.s32 $0x1  }
0xbf: {  	_ =	sfence.sel $0xFFFF  }
0xc0: {  	[dreg:$0x0] =	wrdreg $0xFFFFFFFF;
	(pc) =	sbr.abs _section_cstart, $3  }
0xc1: {  	[dreg:$0x1] =	wrdreg $0xFFFFFFFF  }
0xc2: {  	_ =	task.clear_ibuf [dreg:s7], $0x2FFFF;
	_ =	strace $0x9FFFFFFF  }
0xc3: {  	(tm) =	ssettm $0x7FFFFFFF  }
tec
execute0_lowered:
.L_overlay_start_1:
0x0: {  	(tag) =	ssettag $0x1  }
0x1: {  	s0 =	srdreg.scid;
	s11 =	stileid.u32  }
0x2: {  	s1 =	sand.u32 $0x1, s0;
	s4 =	smul.u32 $0x5000, s11  }
0x3: {  	s5 =	rddreg [dreg:$0x0];
	s0 =	smul.u32 $0x50000, s1  }
0x4: {  	s2 =	rddreg [dreg:$0x1]  }
0x5: {  	s3 =	rddreg [dreg:$0x2];
	s0 =	sadd.s32 s4, s0;
	s4 =	simm.s32 $0x0  }
0x6: {  	s22 =	simm.s32 $0x80;
	[smem:$0x7FF] =	sst s4  }
0x7: {  	s24 =	simm.s32 $0x100;
	_ =	strace $0x8000004A;
	[dreg:$0x6] =	wrdreg s22  }
0x8: {  	s25 =	simm.s32 $0x1080;
	[dreg:$0x7] =	wrdreg s24  }
0x9: {  	s26 =	simm.s32 $0x180;
	[dreg:$0x8] =	wrdreg s25  }
0xa: {  	s10 =	simm.s32 $0x1100;
	[dreg:$0x9] =	wrdreg s26  }
0xb: {  	s12 =	simm.s32 $0x1180;
	[dreg:$0xa] =	wrdreg s10  }
0xc: {  	s14 =	simm.s32 $0x280;
	[dreg:$0xc] =	wrdreg s12  }
0xd: {  	s15 =	simm.s32 $0x1200;
	[dreg:$0xd] =	wrdreg s14  }
0xe: {  	s17 =	simm.s32 $0x300;
	s18 =	simm.s32 $0x1280;
	[dreg:$0xe] =	wrdreg s15  }
0xf: {  	s19 =	simm.s32 $0x380;
	s7 =	sadd.s32 $0x2C00, s5;
	[dreg:$0xf] =	wrdreg s17  }
0x10: {  	s6 =	sadd.s32 $0xA0000, s0;
	s0 =	sshrl.u32 s0, $0x3;
	[dreg:$0x10] =	wrdreg s18  }
0x11: {  	s21 =	sadd.s32 s0, s7;
	[dreg:$0x11] =	wrdreg s19  }
0x12: {  	s9 =	sshll.u32 s1, $0x4;
	s10 =	simm.s32 $0x200;
	[dreg:$0x5] =	wrdreg s21  }
0x13: {  	s9 =	sor.u32 s11, s9;
	s22 =	simm.s32 $0x400;
	[dreg:$0xb] =	wrdreg s10  }
0x14: {  	s9 =	smul.u32 $0x5000, s9;
	s24 =	simm.s32 $0x1380;
	[dreg:$0x13] =	wrdreg s22  }
0x15: {  	s16 =	smul.u32 $0x4E000, s11;
	s26 =	simm.s32 $0x480;
	[dreg:$0x14] =	wrdreg s24  }
0x16: {  	s13 =	sshrl.u32 s9, $0x3;
	s9 =	simm.s32 $0x1400;
	[dreg:$0x15] =	wrdreg s26  }
0x17: {  	s23 =	ssub.s32 $0x2, s1;
	s12 =	simm.s32 $0x500;
	[dreg:$0x16] =	wrdreg s9  }
0x18: {  	s8 =	sshrl.u32 s23, $0x1;
	s14 =	simm.s32 $0x1480;
	[dreg:$0x17] =	wrdreg s12  }
0x19: {  	s6 =	sshrl.u32 s6, $0x3;
	s18 =	simm.s32 $0x1500;
	[dreg:$0x18] =	wrdreg s14  }
0x1a: {  	s0 =	sadd.s32 $0x2AC00, s5;
	s6 =	sadd.s32 s6, s7;
	[dreg:$0x1a] =	wrdreg s18  }
0x1b: {  	s5 =	ssub.s32 s23, s8;
	s8 =	sadd.s32 s7, s13;
	[dreg:$0x4] =	wrdreg s6  }
0x1c: {  	s21 =	simm.s32 $0x1300;
	[smem:$0x7E0] =	sst s8  }
0x1d: {  	s7 =	sshrl.u32 s16, $0x2;
	s16 =	simm.s32 $0x580;
	[dreg:$0x12] =	wrdreg s21  }
0x1e: {  	s12 =	simm.s32 $0x780;
	[dreg:$0x19] =	wrdreg s16  }
0x1f: {  	s14 =	simm.s32 $0x800;
	[smem:$0x7EF] =	sst s12  }
0x20: {  	s18 =	simm.s32 $0x1800;
	[smem:$0x7F2] =	sst s14  }
0x21: {  	s8 =	sadd.s32 $0x14000, s8;
	[smem:$0x7F6] =	sst s18  }
0x22: {  	s21 =	simm.s32 $0x600;
	[smem:$0x7E1] =	sst s8  }
0x23: {  	s16 =	simm.s32 $0x1780;
	[dreg:$0x1b] =	wrdreg s21  }
0x24: {  	s20 =	sadd.s32 s7, s3;
	[smem:$0x7F3] =	sst s16  }
0x25: {  	s7 =	sadd.s32 $0x1800, s20;
	[smem:$0x7FC] =	sst s20  }
0x26: {  	s23 =	sadd.s32 $0x3000, s20;
	[smem:$0x7E2] =	sst s7  }
0x27: {  	s25 =	sadd.s32 $0x4800, s20;
	[smem:$0x7E3] =	sst s23  }
0x28: {  	s8 =	sadd.s32 $0x6000, s20;
	[smem:$0x7E4] =	sst s25  }
0x29: {  	s10 =	sadd.s32 $0x7800, s20;
	[smem:$0x7E5] =	sst s8  }
0x2a: {  	s28 =	simm.s32 $0x1;
	s13 =	sadd.s32 $0x9000, s20;
	[smem:$0x7E6] =	sst s10  }
0x2b: {  	s29 =	simm.s32 $0x2;
	s15 =	sadd.s32 $0xA800, s20;
	[smem:$0x7E7] =	sst s13  }
0x2c: {  	s30 =	simm.s32 $0x50;
	s17 =	sadd.s32 $0xC000, s20;
	[smem:$0x7E8] =	sst s15  }
0x2d: {  	s31 =	simm.s32 $0x4800;
	s19 =	sadd.s32 $0xD800, s20;
	[smem:$0x7E9] =	sst s17  }
0x2e: {  	p0 =	sne.s32 s11, $0xF;
	s22 =	sadd.s32 $0xF000, s20;
	[smem:$0x7EA] =	sst s19  }
0x2f: {  	s1 =	smul.u32 $0x138800, s1;
	s24 =	sadd.s32 $0x10800, s20;
	[smem:$0x7EB] =	sst s22  }
0x30: {  	s9 =	smul.u32 $0x13800, s11;
	s26 =	sadd.s32 $0x12000, s20;
	[smem:$0x7EC] =	sst s24  }
0x31: {  	s11 =	simm.s32 $0xA80;
	s21 =	sadd.s32 $0x138000, s3;
	[smem:$0x7ED] =	sst s26  }
0x32: {  	s6 =	simm.s32 $0x5;
	s23 =	simm.s32 $0x1580;
	[smem:$0x7FD] =	sst s21  }
0x33: {  	s12 =	simm.s32 $0x1A00;
	s25 =	simm.s32 $0x680;
	[dreg:$0x1c] =	wrdreg s23  }
0x34: {  	s14 =	simm.s32 $0x1A80;
	s7 =	simm.s32 $0x1600;
	[dreg:$0x1d] =	wrdreg s25  }
0x35: {  	s18 =	simm.s32 $0x1C00;
	s8 =	simm.s32 $0x700;
	[dreg:$0x1e] =	wrdreg s7  }
0x36: {  	s16 =	simm.s32 $0xC00;
	s10 =	simm.s32 $0x1680;
	[dreg:$0x1f] =	wrdreg s8  }
0x37: {  	s13 =	simm.s32 $0x1700;
	s17 =	simm.s32 $0x880;
	[smem:$0x7EE] =	sst s10  }
0x38: {  	s19 =	simm.s32 $0x900;
	s22 =	smax.u32 s5, $0x1;
	[smem:$0x7F0] =	sst s13  }
0x39: {  	s24 =	simm.s32 $0x1000;
	s26 =	simm.s32 $0x1900;
	[smem:$0x7F4] =	sst s17  }
0x3a: {  	s5 =	simm.s32 $0x1B00;
	s8 =	sadd.s32 s9, s1;
	[smem:$0x7F7] =	sst s22  }
0x3b: {  	s1 =	sshrl.u32 s1, $0x3;
	[smem:$0x7F8] =	sst s19;
	s23 =	simm.s32 $0x1880  }
0x3c: {  	s25 =	simm.s32 $0x980;
	[smem:$0x7FB] =	sst s26;
	s26 =	simm.s32 $0x4  }
0x3d: {  	s9 =	simm.s32 $0xA00;
	s10 =	simm.s32 $0x1980;
	s13 =	simm.s32 $0xB00  }
0x3e: {  	s17 =	simm.s32 $0x1B80;
	s22 =	simm.s32 $0x0;
	[smem:$0x7F9] =	sst s23  }
0x3f: {  	s8 =	sshrl.u32 s8, $0x3;
	[smem:$0x7FA] =	sst s25;
	s25 =	simm.s32 $0x2000  }
0x40: {  	s15 =	sadd.s32 s0, s8;
	s0 =	sadd.s32 s0, s1;
	s1 =	simm.s32 $0x7000  }
0x41: {  	s8 =	simm.s32 $0x6;
	[smem:$0x7F1] =	sst s15;
	s0 =	sadd.s32 $0x27000, s0  }
0x42: {  	v0 =	vimm.f32 $0.0e+00;
	s15 =	simm.s32 $0xB80;
	[smem:$0x7F5] =	sst s0;
	s0 =	simm.s32 $0x3  }
.LBB2_1:
0x43: {  	s7 =	sld [smem:$0x7E0];
	_ =	sdelay $0x1  }
0x44: {  	s23 =	sld [smem:$0x7E1]  }
0x45: {  	[tilespmem:s4], [sflag:$0x1] =	stream.linear.gather [hbm4b:s7+s4], $0xC80, $0x38;
	[tilespmem:$0x1D080] =	vst v63  }
0x46: {  	_ = 	snop  }
0x47: {  	[tilespmem:s24], [sflag:$0x2] =	stream.linear.gather [hbm4b:s23+s4], $0xC80, $0x38;
	[tilespmem:$0x1D080] =	vst v63  }
0x48: {  	[smem:$0x7DF] =	sst s22;
	s22 =	simm.s32 $0x0;
	s23 =	simm.s32 $0x200  }
.LBB2_2:
0x49: {  	p1 =	sne.s32 s23, $0x5E00;
	[tilespmem:s22+$0x2070] =	vst v0  }
0x4a: {  	[tilespmem:s22+$0x2000] =	vst v0  }
0x4b: {  	[tilespmem:s22+$0x2010] =	vst v0  }
.Ltmp0:
0x4c: {  	[tilespmem:s22+$0x2020] =	vst v0;
	(pc) =	sbr.rel @p1 .LBB2_2-.Ltmp0, $4  }
0x4d: {  	[tilespmem:s22+$0x2030] =	vst v0  }
0x4e: {  	[tilespmem:s22+$0x2040] =	vst v0  }
0x4f: {  	[tilespmem:s22+$0x2050] =	vst v0  }
0x50: {  	[tilespmem:s22+$0x2060] =	vst v0;
	s22 =	sshra.s32 s23, $0x2;
	s23 =	sadd.s32 $0x200, s23  }
0x51: {  	[tilespmem:s22+$0x2070] =	vst v0  }
0x52: {  	[tilespmem:s22+$0x2000] =	vst v0  }
0x53: {  	[tilespmem:s22+$0x2010] =	vst v0  }
0x54: {  	[tilespmem:s22+$0x2020] =	vst v0  }
0x55: {  	[tilespmem:s22+$0x2030] =	vst v0  }
0x56: {  	[tilespmem:s22+$0x2040] =	vst v0  }
0x57: {  	[tilespmem:s22+$0x2050] =	vst v0  }
0x58: {  	[tilespmem:s22+$0x2060] =	vst v0;
	s7 =	sld [smem:$0x7E2]  }
0x59: {  	[spmem:s20] =	stream.linear.scatter [tilespmem:s25], [sflag:$0x4], $0x1800, $0x38;
	[tilespmem:$0x1D080] =	vst v63  }
0x5a: {  	s23 =	sld [smem:$0x7E3]  }
0x5b: {  	[spmem:s7] =	stream.linear.scatter [tilespmem:s25], [sflag:$0x4], $0x1800, $0x38;
	[tilespmem:$0x1D080] =	vst v63  }
0x5c: {  	s19 =	sld [smem:$0x7E4]  }
0x5d: {  	[spmem:s23] =	stream.linear.scatter [tilespmem:s25], [sflag:$0x4], $0x1800, $0x38;
	[tilespmem:$0x1D080] =	vst v63  }
0x5e: {  	s20 =	sld [smem:$0x7E5]  }
0x5f: {  	[spmem:s19] =	stream.linear.scatter [tilespmem:s25], [sflag:$0x4], $0x1800, $0x38;
	[tilespmem:$0x1D080] =	vst v63  }
0x60: {  	s22 =	sld [smem:$0x7E6]  }
0x61: {  	[spmem:s20] =	stream.linear.scatter [tilespmem:s25], [sflag:$0x4], $0x1800, $0x38;
	[tilespmem:$0x1D080] =	vst v63  }
0x62: {  	s23 =	sld [smem:$0x7E7]  }
0x63: {  	[spmem:s22] =	stream.linear.scatter [tilespmem:s25], [sflag:$0x4], $0x1800, $0x38;
	[tilespmem:$0x1D080] =	vst v63  }
0x64: {  	s19 =	sld [smem:$0x7E8]  }
0x65: {  	[spmem:s23] =	stream.linear.scatter [tilespmem:s25], [sflag:$0x4], $0x1800, $0x38;
	[tilespmem:$0x1D080] =	vst v63  }
0x66: {  	s20 =	sld [smem:$0x7E9]  }
0x67: {  	[spmem:s19] =	stream.linear.scatter [tilespmem:s25], [sflag:$0x4], $0x1800, $0x38;
	[tilespmem:$0x1D080] =	vst v63  }
0x68: {  	s22 =	sld [smem:$0x7EA]  }
0x69: {  	[spmem:s20] =	stream.linear.scatter [tilespmem:s25], [sflag:$0x4], $0x1800, $0x38;
	[tilespmem:$0x1D080] =	vst v63  }
0x6a: {  	s23 =	sld [smem:$0x7EB]  }
0x6b: {  	[spmem:s22] =	stream.linear.scatter [tilespmem:s25], [sflag:$0x4], $0x1800, $0x38;
	[tilespmem:$0x1D080] =	vst v63  }
0x6c: {  	s19 =	sld [smem:$0x7EC]  }
0x6d: {  	[spmem:s23] =	stream.linear.scatter [tilespmem:s25], [sflag:$0x4], $0x1800, $0x38;
	[tilespmem:$0x1D080] =	vst v63  }
0x6e: {  	s20 =	sld [smem:$0x7ED]  }
0x6f: {  	[spmem:s19] =	stream.linear.scatter [tilespmem:s25], [sflag:$0x4], $0x1800, $0x38;
	[tilespmem:$0x1D080] =	vst v63  }
0x70: {  	_ = 	snop  }
0x71: {  	[spmem:s20] =	stream.linear.scatter [tilespmem:s25], [sflag:$0x4], $0x1800, $0x38;
	[tilespmem:$0x1D080] =	vst v63  }
0x72: {  	s19 =	simm.s32 @!p0 $0x2000  }
0x73: {  	[spmem:s21] =	stream.linear.scatter @!p0 [tilespmem:s19], [sflag:$0x5], $0x800, $0x38;
	[tilespmem:$0x1D080] =	vst v63  }
0x74: {  	_ =	swait.ge [sflag:s26], $0x1800  }
0x75: {  	[sflag:s26] =	ssyncset.done $0x0  }
0x76: {  	[sflag:s26] =	ssyncadd.s32 $0xFFFFE800  }
0x77: {  	_ =	swait.ge [sflag:s26], $0x1800  }
0x78: {  	[sflag:s26] =	ssyncset.done $0x0  }
0x79: {  	[sflag:s26] =	ssyncadd.s32 $0xFFFFE800  }
0x7a: {  	_ =	swait.ge [sflag:s26], $0x1800  }
0x7b: {  	[sflag:s26] =	ssyncset.done $0x0  }
0x7c: {  	[sflag:s26] =	ssyncadd.s32 $0xFFFFE800  }
0x7d: {  	_ =	swait.ge [sflag:s26], $0x1800  }
0x7e: {  	[sflag:s26] =	ssyncset.done $0x0  }
0x7f: {  	[sflag:s26] =	ssyncadd.s32 $0xFFFFE800  }
0x80: {  	_ =	swait.ge [sflag:s26], $0x1800  }
0x81: {  	[sflag:s26] =	ssyncset.done $0x0  }
0x82: {  	[sflag:s26] =	ssyncadd.s32 $0xFFFFE800  }
0x83: {  	_ =	swait.ge [sflag:s26], $0x1800  }
0x84: {  	[sflag:s26] =	ssyncset.done $0x0  }
0x85: {  	[sflag:s26] =	ssyncadd.s32 $0xFFFFE800  }
0x86: {  	_ =	swait.ge [sflag:s26], $0x1800  }
0x87: {  	[sflag:s26] =	ssyncset.done $0x0  }
0x88: {  	[sflag:s26] =	ssyncadd.s32 $0xFFFFE800  }
0x89: {  	_ =	swait.ge [sflag:s26], $0x1800  }
0x8a: {  	[sflag:s26] =	ssyncset.done $0x0  }
0x8b: {  	[sflag:s26] =	ssyncadd.s32 $0xFFFFE800  }
0x8c: {  	_ =	swait.ge [sflag:s26], $0x1800  }
0x8d: {  	[sflag:s26] =	ssyncset.done $0x0  }
0x8e: {  	[sflag:s26] =	ssyncadd.s32 $0xFFFFE800  }
0x8f: {  	_ =	swait.ge [sflag:s26], $0x1800  }
0x90: {  	[sflag:s26] =	ssyncset.done $0x0  }
0x91: {  	[sflag:s26] =	ssyncadd.s32 $0xFFFFE800  }
0x92: {  	_ =	swait.ge [sflag:s26], $0x1800  }
0x93: {  	[sflag:s26] =	ssyncset.done $0x0  }
0x94: {  	[sflag:s26] =	ssyncadd.s32 $0xFFFFE800  }
0x95: {  	_ =	swait.ge [sflag:s26], $0x1800  }
0x96: {  	[sflag:s26] =	ssyncset.done $0x0  }
0x97: {  	[sflag:s26] =	ssyncadd.s32 $0xFFFFE800  }
0x98: {  	_ =	swait.ge [sflag:s26], $0x1800  }
0x99: {  	[sflag:s26] =	ssyncset.done $0x0  }
0x9a: {  	s19 =	simm.s32 @!p0 $0x5;
	[sflag:s26] =	ssyncadd.s32 $0xFFFFE800  }
0x9b: {  	_ =	swait.ge @!p0 [sflag:s19], $0x800  }
0x9c: {  	[sflag:s19] =	ssyncset.done @!p0 $0x0  }
0x9d: {  	[sflag:s19] =	ssyncadd.s32 @!p0 $0xFFFFF800  }
0x9e: {  	_ =	swait.ge [sflag:s28], $0xC80  }
0x9f: {  	[sflag:s28] =	ssyncset.done $0x0  }
0xa0: {  	[sflag:s28] =	ssyncadd.s32 $0xFFFFF380  }
0xa1: {  	_ =	swait.ge [sflag:s29], $0xC80  }
0xa2: {  	[sflag:s29] =	ssyncset.done $0x0  }
0xa3: {  	[sflag:s29] =	ssyncadd.s32 $0xFFFFF380  }
0xa4: {  	[bflag:$0x0] =	sbarrier.arrive $0xFFFF  }
0xa5: {  	p1 =	por $0x1, $0x1;
	s19 =	rddreg [dreg:$0x5]  }
0xa6: {  	s22 =	simm.s32 @!p1 $0x0;
	s23 =	simm.s32 @!p1 $0x7;
	s19 =	sadd.s32 @!p1 $0x0, s19  }
0xa7: {  	[tilespmem:s22], [sflag:$0x7] =	stream.linear.gather @!p1 [hbm4b:s19+s22], $0xC80, $0x38;
	[tilespmem:$0x1D080] =	vst v63  }
0xa8: {  	_ =	swait.ge @!p1 [sflag:s23], $0xC80  }
0xa9: {  	s19 =	rddreg [dreg:$0x4];
	[sflag:s23] =	ssyncset.done @!p1 $0x0  }
0xaa: {  	s20 =	simm.s32 @!p1 $0x1000;
	[sflag:s23] =	ssyncadd.s32 @!p1 $0xFFFFF380;
	s19 =	sadd.s32 @!p1 $0x0, s19  }
0xab: {  	[tilespmem:s20], [sflag:$0x7] =	stream.linear.gather @!p1 [hbm4b:s19+s22], $0xC80, $0x38;
	[tilespmem:$0x1D080] =	vst v63  }
0xac: {  	_ =	swait.ge @!p1 [sflag:s23], $0xC80  }
0xad: {  	[sflag:s23] =	ssyncset.done @!p1 $0x0  }
0xae: {  	[sflag:s23] =	ssyncadd.s32 @!p1 $0xFFFFF380  }
0xaf: {  	[tilespmem:s25], [sflag:$0x1] =	stream.indirect.gather [hbm4b:s2+s30], $0x80, s4, s30, $0xb8;
	[tilespmem:$0x1D080] =	vst v63  }
0xb0: {  	s22 =	rddreg [dreg:$0x6]  }
0xb1: {  	[tilespmem:s31], [sflag:$0x2] =	stream.indirect.gather [hbm4b:s2+s30], $0x80, s22, s30, $0xb8;
	[tilespmem:$0x1D080] =	vst v63  }
0xb2: {  	_ =	swait.ge [sflag:s28], $0x2800  }
0xb3: {  	[sflag:s28] =	ssyncset.done $0x0  }
0xb4: {  	[sflag:s28] =	ssyncadd.s32 $0xFFFFD800  }
0xb5: {  	[spmem:s3] =	stream.indirect.scatter.add.f32 [tilespmem:s25], [sflag:$0x4], $0x80, s24, s30, $0xb8;
	[tilespmem:$0x1D080] =	vst v63  }
0xb6: {  	s23 =	rddreg [dreg:$0x7]  }
0xb7: {  	[tilespmem:s1], [sflag:$0x3] =	stream.indirect.gather [hbm4b:s2+s30], $0x80, s23, s30, $0xb8;
	[tilespmem:$0x1D080] =	vst v63  }
0xb8: {  	_ =	swait.ge [sflag:s29], $0x2800  }
0xb9: {  	[sflag:s29] =	ssyncset.done $0x0  }
0xba: {  	s7 =	rddreg [dreg:$0x8];
	[sflag:s29] =	ssyncadd.s32 $0xFFFFD800  }
0xbb: {  	[spmem:s3] =	stream.indirect.scatter.add.f32 [tilespmem:s31], [sflag:$0x5], $0x80, s7, s30, $0xb8;
	[tilespmem:$0x1D080] =	vst v63  }
0xbc: {  	_ =	swait.ge [sflag:s26], $0x2800  }
0xbd: {  	[sflag:s26] =	ssyncset.done $0x0  }
0xbe: {  	s20 =	rddreg [dreg:$0x9];
	[sflag:s26] =	ssyncadd.s32 $0xFFFFD800  }
0xbf: {  	[tilespmem:s25], [sflag:$0x1] =	stream.indirect.gather [hbm4b:s2+s30], $0x80, s20, s30, $0xb8;
	[tilespmem:$0x1D080] =	vst v63  }
0xc0: {  	_ =	swait.ge [sflag:s0], $0x2800  }
0xc1: {  	[sflag:s0] =	ssyncset.done $0x0  }
0xc2: {  	s21 =	rddreg [dreg:$0xa];
	[sflag:s0] =	ssyncadd.s32 $0xFFFFD800  }
0xc3: {  	[spmem:s3] =	stream.indirect.scatter.add.f32 [tilespmem:s1], [sflag:$0x6], $0x80, s21, s30, $0xb8;
	[tilespmem:$0x1D080] =	vst v63  }
0xc4: {  	_ =	swait.ge [sflag:s6], $0x2800  }
0xc5: {  	[sflag:s6] =	ssyncset.done $0x0  }
0xc6: {  	s22 =	rddreg [dreg:$0xb];
	[sflag:s6] =	ssyncadd.s32 $0xFFFFD800  }
0xc7: {  	[tilespmem:s31], [sflag:$0x2] =	stream.indirect.gather [hbm4b:s2+s30], $0x80, s22, s30, $0xb8;
	[tilespmem:$0x1D080] =	vst v63  }
0xc8: {  	_ =	swait.ge [sflag:s28], $0x2800  }
0xc9: {  	[sflag:s28] =	ssyncset.done $0x0  }
0xca: {  	s23 =	rddreg [dreg:$0xc];
	[sflag:s28] =	ssyncadd.s32 $0xFFFFD800  }
0xcb: {  	[spmem:s3] =	stream.indirect.scatter.add.f32 [tilespmem:s25], [sflag:$0x4], $0x80, s23, s30, $0xb8;
	[tilespmem:$0x1D080] =	vst v63  }
0xcc: {  	_ =	swait.ge [sflag:s8], $0x2800  }
0xcd: {  	[sflag:s8] =	ssyncset.done $0x0  }
0xce: {  	s7 =	rddreg [dreg:$0xd];
	[sflag:s8] =	ssyncadd.s32 $0xFFFFD800  }
0xcf: {  	[tilespmem:s1], [sflag:$0x3] =	stream.indirect.gather [hbm4b:s2+s30], $0x80, s7, s30, $0xb8;
	[tilespmem:$0x1D080] =	vst v63  }
0xd0: {  	_ =	swait.ge [sflag:s29], $0x2800  }
0xd1: {  	[sflag:s29] =	ssyncset.done $0x0  }
0xd2: {  	s20 =	rddreg [dreg:$0xe];
	[sflag:s29] =	ssyncadd.s32 $0xFFFFD800  }
0xd3: {  	[spmem:s3] =	stream.indirect.scatter.add.f32 [tilespmem:s31], [sflag:$0x5], $0x80, s20, s30, $0xb8;
	[tilespmem:$0x1D080] =	vst v63  }
0xd4: {  	_ =	swait.ge [sflag:s26], $0x2800  }
0xd5: {  	[sflag:s26] =	ssyncset.done $0x0  }
0xd6: {  	s21 =	rddreg [dreg:$0xf];
	[sflag:s26] =	ssyncadd.s32 $0xFFFFD800  }
0xd7: {  	[tilespmem:s25], [sflag:$0x1] =	stream.indirect.gather [hbm4b:s2+s30], $0x80, s21, s30, $0xb8;
	[tilespmem:$0x1D080] =	vst v63  }
0xd8: {  	_ =	swait.ge [sflag:s0], $0x2800  }
0xd9: {  	[sflag:s0] =	ssyncset.done $0x0  }
0xda: {  	s22 =	rddreg [dreg:$0x10];
	[sflag:s0] =	ssyncadd.s32 $0xFFFFD800  }
0xdb: {  	[spmem:s3] =	stream.indirect.scatter.add.f32 [tilespmem:s1], [sflag:$0x6], $0x80, s22, s30, $0xb8;
	[tilespmem:$0x1D080] =	vst v63  }
0xdc: {  	_ =	swait.ge [sflag:s6], $0x2800  }
0xdd: {  	[sflag:s6] =	ssyncset.done $0x0  }
0xde: {  	s23 =	rddreg [dreg:$0x11];
	[sflag:s6] =	ssyncadd.s32 $0xFFFFD800  }
0xdf: {  	[tilespmem:s31], [sflag:$0x2] =	stream.indirect.gather [hbm4b:s2+s30], $0x80, s23, s30, $0xb8;
	[tilespmem:$0x1D080] =	vst v63  }
0xe0: {  	_ =	swait.ge [sflag:s28], $0x2800  }
0xe1: {  	[sflag:s28] =	ssyncset.done $0x0  }
0xe2: {  	s7 =	rddreg [dreg:$0x12];
	[sflag:s28] =	ssyncadd.s32 $0xFFFFD800  }
0xe3: {  	[spmem:s3] =	stream.indirect.scatter.add.f32 [tilespmem:s25], [sflag:$0x4], $0x80, s7, s30, $0xb8;
	[tilespmem:$0x1D080] =	vst v63  }
0xe4: {  	_ =	swait.ge [sflag:s8], $0x2800  }
0xe5: {  	[sflag:s8] =	ssyncset.done $0x0  }
0xe6: {  	s20 =	rddreg [dreg:$0x13];
	[sflag:s8] =	ssyncadd.s32 $0xFFFFD800  }
0xe7: {  	[tilespmem:s1], [sflag:$0x3] =	stream.indirect.gather [hbm4b:s2+s30], $0x80, s20, s30, $0xb8;
	[tilespmem:$0x1D080] =	vst v63  }
0xe8: {  	_ =	swait.ge [sflag:s29], $0x2800  }
0xe9: {  	[sflag:s29] =	ssyncset.done $0x0  }
0xea: {  	s21 =	rddreg [dreg:$0x14];
	[sflag:s29] =	ssyncadd.s32 $0xFFFFD800  }
0xeb: {  	[spmem:s3] =	stream.indirect.scatter.add.f32 [tilespmem:s31], [sflag:$0x5], $0x80, s21, s30, $0xb8;
	[tilespmem:$0x1D080] =	vst v63  }
0xec: {  	_ =	swait.ge [sflag:s26], $0x2800  }
0xed: {  	[sflag:s26] =	ssyncset.done $0x0  }
0xee: {  	s22 =	rddreg [dreg:$0x15];
	[sflag:s26] =	ssyncadd.s32 $0xFFFFD800  }
0xef: {  	[tilespmem:s25], [sflag:$0x1] =	stream.indirect.gather [hbm4b:s2+s30], $0x80, s22, s30, $0xb8;
	[tilespmem:$0x1D080] =	vst v63  }
0xf0: {  	_ =	swait.ge [sflag:s0], $0x2800  }
0xf1: {  	[sflag:s0] =	ssyncset.done $0x0  }
0xf2: {  	s23 =	rddreg [dreg:$0x16];
	[sflag:s0] =	ssyncadd.s32 $0xFFFFD800  }
0xf3: {  	[spmem:s3] =	stream.indirect.scatter.add.f32 [tilespmem:s1], [sflag:$0x6], $0x80, s23, s30, $0xb8;
	[tilespmem:$0x1D080] =	vst v63  }
0xf4: {  	_ =	swait.ge [sflag:s6], $0x2800  }
0xf5: {  	[sflag:s6] =	ssyncset.done $0x0  }
0xf6: {  	s7 =	rddreg [dreg:$0x17];
	[sflag:s6] =	ssyncadd.s32 $0xFFFFD800  }
0xf7: {  	[tilespmem:s31], [sflag:$0x2] =	stream.indirect.gather [hbm4b:s2+s30], $0x80, s7, s30, $0xb8;
	[tilespmem:$0x1D080] =	vst v63  }
0xf8: {  	_ =	swait.ge [sflag:s28], $0x2800  }
0xf9: {  	[sflag:s28] =	ssyncset.done $0x0  }
0xfa: {  	s20 =	rddreg [dreg:$0x18];
	[sflag:s28] =	ssyncadd.s32 $0xFFFFD800  }
0xfb: {  	[spmem:s3] =	stream.indirect.scatter.add.f32 [tilespmem:s25], [sflag:$0x4], $0x80, s20, s30, $0xb8;
	[tilespmem:$0x1D080] =	vst v63  }
0xfc: {  	_ =	swait.ge [sflag:s8], $0x2800  }
0xfd: {  	[sflag:s8] =	ssyncset.done $0x0  }
0xfe: {  	s21 =	rddreg [dreg:$0x19];
	[sflag:s8] =	ssyncadd.s32 $0xFFFFD800  }
0xff: {  	[tilespmem:s1], [sflag:$0x3] =	stream.indirect.gather [hbm4b:s2+s30], $0x80, s21, s30, $0xb8;
	[tilespmem:$0x1D080] =	vst v63  }
0x100: {  	_ =	swait.ge [sflag:s29], $0x2800  }
0x101: {  	[sflag:s29] =	ssyncset.done $0x0  }
0x102: {  	s22 =	rddreg [dreg:$0x1a];
	[sflag:s29] =	ssyncadd.s32 $0xFFFFD800  }
0x103: {  	[spmem:s3] =	stream.indirect.scatter.add.f32 [tilespmem:s31], [sflag:$0x5], $0x80, s22, s30, $0xb8;
	[tilespmem:$0x1D080] =	vst v63  }
0x104: {  	_ =	swait.ge [sflag:s26], $0x2800  }
0x105: {  	[sflag:s26] =	ssyncset.done $0x0  }
0x106: {  	s23 =	rddreg [dreg:$0x1b];
	[sflag:s26] =	ssyncadd.s32 $0xFFFFD800  }
0x107: {  	[tilespmem:s25], [sflag:$0x1] =	stream.indirect.gather [hbm4b:s2+s30], $0x80, s23, s30, $0xb8;
	[tilespmem:$0x1D080] =	vst v63  }
0x108: {  	_ =	swait.ge [sflag:s0], $0x2800  }
0x109: {  	[sflag:s0] =	ssyncset.done $0x0  }
0x10a: {  	s7 =	rddreg [dreg:$0x1c];
	[sflag:s0] =	ssyncadd.s32 $0xFFFFD800  }
0x10b: {  	[spmem:s3] =	stream.indirect.scatter.add.f32 [tilespmem:s1], [sflag:$0x6], $0x80, s7, s30, $0xb8;
	[tilespmem:$0x1D080] =	vst v63  }
0x10c: {  	_ =	swait.ge [sflag:s6], $0x2800  }
0x10d: {  	[sflag:s6] =	ssyncset.done $0x0  }
0x10e: {  	s20 =	rddreg [dreg:$0x1d];
	[sflag:s6] =	ssyncadd.s32 $0xFFFFD800  }
0x10f: {  	[tilespmem:s31], [sflag:$0x2] =	stream.indirect.gather [hbm4b:s2+s30], $0x80, s20, s30, $0xb8;
	[tilespmem:$0x1D080] =	vst v63  }
0x110: {  	_ =	swait.ge [sflag:s28], $0x2800  }
0x111: {  	[sflag:s28] =	ssyncset.done $0x0  }
0x112: {  	s21 =	rddreg [dreg:$0x1e];
	[sflag:s28] =	ssyncadd.s32 $0xFFFFD800  }
0x113: {  	[spmem:s3] =	stream.indirect.scatter.add.f32 [tilespmem:s25], [sflag:$0x4], $0x80, s21, s30, $0xb8;
	[tilespmem:$0x1D080] =	vst v63  }
0x114: {  	_ =	swait.ge [sflag:s8], $0x2800  }
0x115: {  	[sflag:s8] =	ssyncset.done $0x0  }
0x116: {  	s22 =	rddreg [dreg:$0x1f];
	[sflag:s8] =	ssyncadd.s32 $0xFFFFD800  }
0x117: {  	[tilespmem:s1], [sflag:$0x3] =	stream.indirect.gather [hbm4b:s2+s30], $0x80, s22, s30, $0xb8;
	[tilespmem:$0x1D080] =	vst v63  }
0x118: {  	_ =	swait.ge [sflag:s29], $0x2800  }
0x119: {  	s23 =	sld [smem:$0x7EE]  }
0x11a: {  	[sflag:s29] =	ssyncset.done $0x0  }
0x11b: {  	[sflag:s29] =	ssyncadd.s32 $0xFFFFD800  }
0x11c: {  	[spmem:s3] =	stream.indirect.scatter.add.f32 [tilespmem:s31], [sflag:$0x5], $0x80, s23, s30, $0xb8;
	[tilespmem:$0x1D080] =	vst v63  }
0x11d: {  	_ =	swait.ge [sflag:s26], $0x2800  }
0x11e: {  	s7 =	sld [smem:$0x7EF]  }
0x11f: {  	[sflag:s26] =	ssyncset.done $0x0  }
0x120: {  	[sflag:s26] =	ssyncadd.s32 $0xFFFFD800  }
0x121: {  	[tilespmem:s25], [sflag:$0x1] =	stream.indirect.gather [hbm4b:s2+s30], $0x80, s7, s30, $0xb8;
	[tilespmem:$0x1D080] =	vst v63  }
0x122: {  	_ =	swait.ge [sflag:s0], $0x2800  }
0x123: {  	s20 =	sld [smem:$0x7F0]  }
0x124: {  	[sflag:s0] =	ssyncset.done $0x0  }
0x125: {  	[sflag:s0] =	ssyncadd.s32 $0xFFFFD800  }
0x126: {  	[spmem:s3] =	stream.indirect.scatter.add.f32 [tilespmem:s1], [sflag:$0x6], $0x80, s20, s30, $0xb8;
	[tilespmem:$0x1D080] =	vst v63  }
0x127: {  	_ =	swait.ge [sflag:s6], $0x2800  }
0x128: {  	s21 =	sld [smem:$0x7F2]  }
0x129: {  	[sflag:s6] =	ssyncset.done $0x0  }
0x12a: {  	[sflag:s6] =	ssyncadd.s32 $0xFFFFD800  }
0x12b: {  	[tilespmem:s31], [sflag:$0x2] =	stream.indirect.gather [hbm4b:s2+s30], $0x80, s21, s30, $0xb8;
	[tilespmem:$0x1D080] =	vst v63  }
0x12c: {  	_ =	swait.ge [sflag:s28], $0x2800  }
0x12d: {  	s22 =	sld [smem:$0x7F3]  }
0x12e: {  	[sflag:s28] =	ssyncset.done $0x0  }
0x12f: {  	[sflag:s28] =	ssyncadd.s32 $0xFFFFD800  }
0x130: {  	[spmem:s3] =	stream.indirect.scatter.add.f32 [tilespmem:s25], [sflag:$0x4], $0x80, s22, s30, $0xb8;
	[tilespmem:$0x1D080] =	vst v63  }
0x131: {  	_ =	swait.ge [sflag:s8], $0x2800  }
0x132: {  	s23 =	sld [smem:$0x7F4]  }
0x133: {  	[sflag:s8] =	ssyncset.done $0x0  }
0x134: {  	[sflag:s8] =	ssyncadd.s32 $0xFFFFD800  }
0x135: {  	[tilespmem:s1], [sflag:$0x3] =	stream.indirect.gather [hbm4b:s2+s30], $0x80, s23, s30, $0xb8;
	[tilespmem:$0x1D080] =	vst v63  }
0x136: {  	_ =	swait.ge [sflag:s29], $0x2800  }
0x137: {  	s7 =	sld [smem:$0x7F6]  }
0x138: {  	[sflag:s29] =	ssyncset.done $0x0  }
0x139: {  	[sflag:s29] =	ssyncadd.s32 $0xFFFFD800  }
0x13a: {  	[spmem:s3] =	stream.indirect.scatter.add.f32 [tilespmem:s31], [sflag:$0x5], $0x80, s7, s30, $0xb8;
	[tilespmem:$0x1D080] =	vst v63  }
0x13b: {  	_ =	swait.ge [sflag:s26], $0x2800  }
0x13c: {  	s20 =	sld [smem:$0x7F8]  }
0x13d: {  	[sflag:s26] =	ssyncset.done $0x0  }
0x13e: {  	[sflag:s26] =	ssyncadd.s32 $0xFFFFD800  }
0x13f: {  	[tilespmem:s25], [sflag:$0x1] =	stream.indirect.gather [hbm4b:s2+s30], $0x80, s20, s30, $0xb8;
	[tilespmem:$0x1D080] =	vst v63  }
0x140: {  	_ =	swait.ge [sflag:s0], $0x2800  }
0x141: {  	s21 =	sld [smem:$0x7F9]  }
0x142: {  	[sflag:s0] =	ssyncset.done $0x0  }
0x143: {  	[sflag:s0] =	ssyncadd.s32 $0xFFFFD800  }
0x144: {  	[spmem:s3] =	stream.indirect.scatter.add.f32 [tilespmem:s1], [sflag:$0x6], $0x80, s21, s30, $0xb8;
	[tilespmem:$0x1D080] =	vst v63  }
0x145: {  	_ =	swait.ge [sflag:s6], $0x2800  }
0x146: {  	s22 =	sld [smem:$0x7FA]  }
0x147: {  	[sflag:s6] =	ssyncset.done $0x0  }
0x148: {  	[sflag:s6] =	ssyncadd.s32 $0xFFFFD800  }
0x149: {  	[tilespmem:s31], [sflag:$0x2] =	stream.indirect.gather [hbm4b:s2+s30], $0x80, s22, s30, $0xb8;
	[tilespmem:$0x1D080] =	vst v63  }
0x14a: {  	_ =	swait.ge [sflag:s28], $0x2800  }
0x14b: {  	s23 =	sld [smem:$0x7FB]  }
0x14c: {  	[sflag:s28] =	ssyncset.done $0x0  }
0x14d: {  	[sflag:s28] =	ssyncadd.s32 $0xFFFFD800  }
0x14e: {  	[spmem:s3] =	stream.indirect.scatter.add.f32 [tilespmem:s25], [sflag:$0x4], $0x80, s23, s30, $0xb8;
	[tilespmem:$0x1D080] =	vst v63  }
0x14f: {  	_ =	swait.ge [sflag:s8], $0x2800  }
0x150: {  	[sflag:s8] =	ssyncset.done $0x0  }
0x151: {  	[sflag:s8] =	ssyncadd.s32 $0xFFFFD800  }
0x152: {  	[tilespmem:s1], [sflag:$0x3] =	stream.indirect.gather [hbm4b:s2+s30], $0x80, s9, s30, $0xb8;
	[tilespmem:$0x1D080] =	vst v63  }
0x153: {  	_ =	swait.ge [sflag:s29], $0x2800  }
0x154: {  	[sflag:s29] =	ssyncset.done $0x0  }
0x155: {  	[sflag:s29] =	ssyncadd.s32 $0xFFFFD800  }
0x156: {  	[spmem:s3] =	stream.indirect.scatter.add.f32 [tilespmem:s31], [sflag:$0x5], $0x80, s10, s30, $0xb8;
	[tilespmem:$0x1D080] =	vst v63  }
0x157: {  	_ =	swait.ge [sflag:s26], $0x2800  }
0x158: {  	[sflag:s26] =	ssyncset.done $0x0  }
0x159: {  	[sflag:s26] =	ssyncadd.s32 $0xFFFFD800  }
0x15a: {  	[tilespmem:s25], [sflag:$0x1] =	stream.indirect.gather [hbm4b:s2+s30], $0x80, s11, s30, $0xb8;
	[tilespmem:$0x1D080] =	vst v63  }
0x15b: {  	_ =	swait.ge [sflag:s0], $0x2800  }
0x15c: {  	[sflag:s0] =	ssyncset.done $0x0  }
0x15d: {  	[sflag:s0] =	ssyncadd.s32 $0xFFFFD800  }
0x15e: {  	[spmem:s3] =	stream.indirect.scatter.add.f32 [tilespmem:s1], [sflag:$0x6], $0x80, s12, s30, $0xb8;
	[tilespmem:$0x1D080] =	vst v63  }
0x15f: {  	_ =	swait.ge [sflag:s6], $0x2800  }
0x160: {  	[sflag:s6] =	ssyncset.done $0x0  }
0x161: {  	[sflag:s6] =	ssyncadd.s32 $0xFFFFD800  }
0x162: {  	[tilespmem:s31], [sflag:$0x2] =	stream.indirect.gather [hbm4b:s2+s30], $0x80, s13, s30, $0xb8;
	[tilespmem:$0x1D080] =	vst v63  }
0x163: {  	_ =	swait.ge [sflag:s28], $0x2800  }
0x164: {  	[sflag:s28] =	ssyncset.done $0x0  }
0x165: {  	[sflag:s28] =	ssyncadd.s32 $0xFFFFD800  }
0x166: {  	[spmem:s3] =	stream.indirect.scatter.add.f32 [tilespmem:s25], [sflag:$0x4], $0x80, s14, s30, $0xb8;
	[tilespmem:$0x1D080] =	vst v63  }
0x167: {  	_ =	swait.ge [sflag:s8], $0x2800  }
0x168: {  	[sflag:s8] =	ssyncset.done $0x0  }
0x169: {  	[sflag:s8] =	ssyncadd.s32 $0xFFFFD800  }
0x16a: {  	[tilespmem:s1], [sflag:$0x3] =	stream.indirect.gather [hbm4b:s2+s30], $0x80, s15, s30, $0xb8;
	[tilespmem:$0x1D080] =	vst v63  }
0x16b: {  	_ =	swait.ge [sflag:s29], $0x2800  }
0x16c: {  	[sflag:s29] =	ssyncset.done $0x0  }
0x16d: {  	[sflag:s29] =	ssyncadd.s32 $0xFFFFD800  }
0x16e: {  	[spmem:s3] =	stream.indirect.scatter.add.f32 [tilespmem:s31], [sflag:$0x5], $0x80, s5, s30, $0xb8;
	[tilespmem:$0x1D080] =	vst v63  }
0x16f: {  	_ =	swait.ge [sflag:s26], $0x2800  }
0x170: {  	[sflag:s26] =	ssyncset.done $0x0  }
0x171: {  	[sflag:s26] =	ssyncadd.s32 $0xFFFFD800  }
0x172: {  	[tilespmem:s25], [sflag:$0x1] =	stream.indirect.gather [hbm4b:s2+s30], $0x80, s16, s30, $0xb8;
	[tilespmem:$0x1D080] =	vst v63  }
0x173: {  	_ =	swait.ge [sflag:s0], $0x2800  }
0x174: {  	[sflag:s0] =	ssyncset.done $0x0  }
0x175: {  	[sflag:s0] =	ssyncadd.s32 $0xFFFFD800  }
0x176: {  	[spmem:s3] =	stream.indirect.scatter.add.f32 [tilespmem:s1], [sflag:$0x6], $0x80, s17, s30, $0xb8;
	[tilespmem:$0x1D080] =	vst v63  }
0x177: {  	_ =	swait.ge [sflag:s6], $0x2800  }
0x178: {  	[sflag:s6] =	ssyncset.done $0x0  }
0x179: {  	[sflag:s6] =	ssyncadd.s32 $0xFFFFD800  }
0x17a: {  	_ =	swait.ge [sflag:s28], $0x2800  }
0x17b: {  	[sflag:s28] =	ssyncset.done $0x0  }
0x17c: {  	[sflag:s28] =	ssyncadd.s32 $0xFFFFD800  }
0x17d: {  	[spmem:s3] =	stream.indirect.scatter.add.f32 [tilespmem:s25], [sflag:$0x4], $0x80, s18, s30, $0xb8;
	[tilespmem:$0x1D080] =	vst v63  }
0x17e: {  	_ =	swait.ge [sflag:s8], $0x2800  }
0x17f: {  	[sflag:s8] =	ssyncset.done $0x0  }
0x180: {  	[sflag:s8] =	ssyncadd.s32 $0xFFFFD800  }
0x181: {  	s22 =	simm.s32 $0x200;
	_ =	swait.ge [sflag:s26], $0x2800  }
0x182: {  	s23 =	simm.s32 $0x400;
	s19 =	rddreg [dreg:$0x5];
	[sflag:s26] =	ssyncset.done $0x0  }
.LBB2_4:
0x183: {  	[sflag:s26] =	ssyncadd.s32 $0xFFFFD800;
	p2 =	seq.s32 s22, $0x0  }
0x184: {  	s19 =	sadd.s32 @!p2 s22, s19;
	s7 =	simm.s32 @!p2 $0x0;
	s21 =	simm.s32 @!p2 $0x7  }
0x185: {  	[tilespmem:s7], [sflag:$0x7] =	stream.linear.gather @!p2 [hbm4b:s19+s7], $0xC80, $0x38;
	[tilespmem:$0x1D080] =	vst v63  }
0x186: {  	_ =	swait.ge @!p2 [sflag:s21], $0xC80  }
0x187: {  	s19 =	rddreg [dreg:$0x4];
	[sflag:s21] =	ssyncset.done @!p2 $0x0  }
0x188: {  	[sflag:s21] =	ssyncadd.s32 @!p2 $0xFFFFF380;
	s19 =	sadd.s32 @!p2 s22, s19;
	s22 =	simm.s32 @!p2 $0x1000  }
0x189: {  	[tilespmem:s22], [sflag:$0x7] =	stream.linear.gather @!p2 [hbm4b:s19+s7], $0xC80, $0x38;
	[tilespmem:$0x1D080] =	vst v63  }
0x18a: {  	_ =	swait.ge @!p2 [sflag:s21], $0xC80  }
0x18b: {  	[sflag:s21] =	ssyncset.done @!p2 $0x0  }
0x18c: {  	[sflag:s21] =	ssyncadd.s32 @!p2 $0xFFFFF380  }
0x18d: {  	[tilespmem:s25], [sflag:$0x1] =	stream.indirect.gather [hbm4b:s2+s30], $0x80, s4, s30, $0xb8;
	[tilespmem:$0x1D080] =	vst v63  }
0x18e: {  	s21 =	rddreg [dreg:$0x6]  }
0x18f: {  	[tilespmem:s31], [sflag:$0x2] =	stream.indirect.gather [hbm4b:s2+s30], $0x80, s21, s30, $0xb8;
	[tilespmem:$0x1D080] =	vst v63  }
0x190: {  	_ =	swait.ge [sflag:s28], $0x2800  }
0x191: {  	[sflag:s28] =	ssyncset.done $0x0  }
0x192: {  	[sflag:s28] =	ssyncadd.s32 $0xFFFFD800  }
0x193: {  	[spmem:s3] =	stream.indirect.scatter.add.f32 [tilespmem:s25], [sflag:$0x4], $0x80, s24, s30, $0xb8;
	[tilespmem:$0x1D080] =	vst v63  }
0x194: {  	s19 =	rddreg [dreg:$0x7]  }
0x195: {  	[tilespmem:s1], [sflag:$0x3] =	stream.indirect.gather [hbm4b:s2+s30], $0x80, s19, s30, $0xb8;
	[tilespmem:$0x1D080] =	vst v63  }
0x196: {  	_ =	swait.ge [sflag:s29], $0x2800  }
0x197: {  	s20 =	smov.u32 s23;
	[sflag:s29] =	ssyncset.done $0x0  }
0x198: {  	s22 =	smov.u32 s20;
	s20 =	rddreg [dreg:$0x8];
	[sflag:s29] =	ssyncadd.s32 $0xFFFFD800  }
0x199: {  	[spmem:s3] =	stream.indirect.scatter.add.f32 [tilespmem:s31], [sflag:$0x5], $0x80, s20, s30, $0xb8;
	[tilespmem:$0x1D080] =	vst v63  }
0x19a: {  	_ =	swait.ge [sflag:s26], $0x2800  }
0x19b: {  	[sflag:s26] =	ssyncset.done $0x0  }
0x19c: {  	s21 =	rddreg [dreg:$0x9];
	[sflag:s26] =	ssyncadd.s32 $0xFFFFD800  }
0x19d: {  	[tilespmem:s25], [sflag:$0x1] =	stream.indirect.gather [hbm4b:s2+s30], $0x80, s21, s30, $0xb8;
	[tilespmem:$0x1D080] =	vst v63  }
0x19e: {  	_ =	swait.ge [sflag:s0], $0x2800  }
0x19f: {  	[sflag:s0] =	ssyncset.done $0x0  }
0x1a0: {  	s19 =	rddreg [dreg:$0xa];
	[sflag:s0] =	ssyncadd.s32 $0xFFFFD800  }
0x1a1: {  	[spmem:s3] =	stream.indirect.scatter.add.f32 [tilespmem:s1], [sflag:$0x6], $0x80, s19, s30, $0xb8;
	[tilespmem:$0x1D080] =	vst v63  }
0x1a2: {  	_ =	swait.ge [sflag:s6], $0x2800  }
0x1a3: {  	[sflag:s6] =	ssyncset.done $0x0  }
0x1a4: {  	s20 =	rddreg [dreg:$0xb];
	[sflag:s6] =	ssyncadd.s32 $0xFFFFD800  }
0x1a5: {  	[tilespmem:s31], [sflag:$0x2] =	stream.indirect.gather [hbm4b:s2+s30], $0x80, s20, s30, $0xb8;
	[tilespmem:$0x1D080] =	vst v63  }
0x1a6: {  	_ =	swait.ge [sflag:s28], $0x2800  }
0x1a7: {  	[sflag:s28] =	ssyncset.done $0x0  }
0x1a8: {  	s21 =	rddreg [dreg:$0xc];
	[sflag:s28] =	ssyncadd.s32 $0xFFFFD800  }
0x1a9: {  	[spmem:s3] =	stream.indirect.scatter.add.f32 [tilespmem:s25], [sflag:$0x4], $0x80, s21, s30, $0xb8;
	[tilespmem:$0x1D080] =	vst v63  }
0x1aa: {  	_ =	swait.ge [sflag:s8], $0x2800  }
0x1ab: {  	[sflag:s8] =	ssyncset.done $0x0  }
0x1ac: {  	s19 =	rddreg [dreg:$0xd];
	[sflag:s8] =	ssyncadd.s32 $0xFFFFD800  }
0x1ad: {  	[tilespmem:s1], [sflag:$0x3] =	stream.indirect.gather [hbm4b:s2+s30], $0x80, s19, s30, $0xb8;
	[tilespmem:$0x1D080] =	vst v63  }
0x1ae: {  	_ =	swait.ge [sflag:s29], $0x2800  }
0x1af: {  	[sflag:s29] =	ssyncset.done $0x0  }
0x1b0: {  	s20 =	rddreg [dreg:$0xe];
	[sflag:s29] =	ssyncadd.s32 $0xFFFFD800  }
0x1b1: {  	[spmem:s3] =	stream.indirect.scatter.add.f32 [tilespmem:s31], [sflag:$0x5], $0x80, s20, s30, $0xb8;
	[tilespmem:$0x1D080] =	vst v63  }
0x1b2: {  	_ =	swait.ge [sflag:s26], $0x2800  }
0x1b3: {  	[sflag:s26] =	ssyncset.done $0x0  }
0x1b4: {  	s21 =	rddreg [dreg:$0xf];
	[sflag:s26] =	ssyncadd.s32 $0xFFFFD800  }
0x1b5: {  	[tilespmem:s25], [sflag:$0x1] =	stream.indirect.gather [hbm4b:s2+s30], $0x80, s21, s30, $0xb8;
	[tilespmem:$0x1D080] =	vst v63  }
0x1b6: {  	_ =	swait.ge [sflag:s0], $0x2800  }
0x1b7: {  	[sflag:s0] =	ssyncset.done $0x0  }
0x1b8: {  	s19 =	rddreg [dreg:$0x10];
	[sflag:s0] =	ssyncadd.s32 $0xFFFFD800  }
0x1b9: {  	[spmem:s3] =	stream.indirect.scatter.add.f32 [tilespmem:s1], [sflag:$0x6], $0x80, s19, s30, $0xb8;
	[tilespmem:$0x1D080] =	vst v63  }
0x1ba: {  	_ =	swait.ge [sflag:s6], $0x2800  }
0x1bb: {  	[sflag:s6] =	ssyncset.done $0x0  }
0x1bc: {  	s20 =	rddreg [dreg:$0x11];
	[sflag:s6] =	ssyncadd.s32 $0xFFFFD800  }
0x1bd: {  	[tilespmem:s31], [sflag:$0x2] =	stream.indirect.gather [hbm4b:s2+s30], $0x80, s20, s30, $0xb8;
	[tilespmem:$0x1D080] =	vst v63  }
0x1be: {  	_ =	swait.ge [sflag:s28], $0x2800  }
0x1bf: {  	[sflag:s28] =	ssyncset.done $0x0  }
0x1c0: {  	s21 =	rddreg [dreg:$0x12];
	[sflag:s28] =	ssyncadd.s32 $0xFFFFD800  }
0x1c1: {  	[spmem:s3] =	stream.indirect.scatter.add.f32 [tilespmem:s25], [sflag:$0x4], $0x80, s21, s30, $0xb8;
	[tilespmem:$0x1D080] =	vst v63  }
0x1c2: {  	_ =	swait.ge [sflag:s8], $0x2800  }
0x1c3: {  	[sflag:s8] =	ssyncset.done $0x0  }
0x1c4: {  	s19 =	rddreg [dreg:$0x13];
	[sflag:s8] =	ssyncadd.s32 $0xFFFFD800  }
0x1c5: {  	[tilespmem:s1], [sflag:$0x3] =	stream.indirect.gather [hbm4b:s2+s30], $0x80, s19, s30, $0xb8;
	[tilespmem:$0x1D080] =	vst v63  }
0x1c6: {  	_ =	swait.ge [sflag:s29], $0x2800  }
0x1c7: {  	[sflag:s29] =	ssyncset.done $0x0  }
0x1c8: {  	s20 =	rddreg [dreg:$0x14];
	[sflag:s29] =	ssyncadd.s32 $0xFFFFD800  }
0x1c9: {  	[spmem:s3] =	stream.indirect.scatter.add.f32 [tilespmem:s31], [sflag:$0x5], $0x80, s20, s30, $0xb8;
	[tilespmem:$0x1D080] =	vst v63  }
0x1ca: {  	_ =	swait.ge [sflag:s26], $0x2800  }
0x1cb: {  	[sflag:s26] =	ssyncset.done $0x0  }
0x1cc: {  	s21 =	rddreg [dreg:$0x15];
	[sflag:s26] =	ssyncadd.s32 $0xFFFFD800  }
0x1cd: {  	[tilespmem:s25], [sflag:$0x1] =	stream.indirect.gather [hbm4b:s2+s30], $0x80, s21, s30, $0xb8;
	[tilespmem:$0x1D080] =	vst v63  }
0x1ce: {  	_ =	swait.ge [sflag:s0], $0x2800  }
0x1cf: {  	[sflag:s0] =	ssyncset.done $0x0  }
0x1d0: {  	s19 =	rddreg [dreg:$0x16];
	[sflag:s0] =	ssyncadd.s32 $0xFFFFD800  }
0x1d1: {  	[spmem:s3] =	stream.indirect.scatter.add.f32 [tilespmem:s1], [sflag:$0x6], $0x80, s19, s30, $0xb8;
	[tilespmem:$0x1D080] =	vst v63  }
0x1d2: {  	_ =	swait.ge [sflag:s6], $0x2800  }
0x1d3: {  	[sflag:s6] =	ssyncset.done $0x0  }
0x1d4: {  	s20 =	rddreg [dreg:$0x17];
	[sflag:s6] =	ssyncadd.s32 $0xFFFFD800  }
0x1d5: {  	[tilespmem:s31], [sflag:$0x2] =	stream.indirect.gather [hbm4b:s2+s30], $0x80, s20, s30, $0xb8;
	[tilespmem:$0x1D080] =	vst v63  }
0x1d6: {  	_ =	swait.ge [sflag:s28], $0x2800  }
0x1d7: {  	[sflag:s28] =	ssyncset.done $0x0  }
0x1d8: {  	s21 =	rddreg [dreg:$0x18];
	[sflag:s28] =	ssyncadd.s32 $0xFFFFD800  }
0x1d9: {  	[spmem:s3] =	stream.indirect.scatter.add.f32 [tilespmem:s25], [sflag:$0x4], $0x80, s21, s30, $0xb8;
	[tilespmem:$0x1D080] =	vst v63  }
0x1da: {  	_ =	swait.ge [sflag:s8], $0x2800  }
0x1db: {  	[sflag:s8] =	ssyncset.done $0x0  }
0x1dc: {  	s19 =	rddreg [dreg:$0x19];
	[sflag:s8] =	ssyncadd.s32 $0xFFFFD800  }
0x1dd: {  	[tilespmem:s1], [sflag:$0x3] =	stream.indirect.gather [hbm4b:s2+s30], $0x80, s19, s30, $0xb8;
	[tilespmem:$0x1D080] =	vst v63  }
0x1de: {  	_ =	swait.ge [sflag:s29], $0x2800  }
0x1df: {  	[sflag:s29] =	ssyncset.done $0x0  }
0x1e0: {  	s20 =	rddreg [dreg:$0x1a];
	[sflag:s29] =	ssyncadd.s32 $0xFFFFD800  }
0x1e1: {  	[spmem:s3] =	stream.indirect.scatter.add.f32 [tilespmem:s31], [sflag:$0x5], $0x80, s20, s30, $0xb8;
	[tilespmem:$0x1D080] =	vst v63  }
0x1e2: {  	_ =	swait.ge [sflag:s26], $0x2800  }
0x1e3: {  	[sflag:s26] =	ssyncset.done $0x0  }
0x1e4: {  	s21 =	rddreg [dreg:$0x1b];
	[sflag:s26] =	ssyncadd.s32 $0xFFFFD800  }
0x1e5: {  	[tilespmem:s25], [sflag:$0x1] =	stream.indirect.gather [hbm4b:s2+s30], $0x80, s21, s30, $0xb8;
	[tilespmem:$0x1D080] =	vst v63  }
0x1e6: {  	_ =	swait.ge [sflag:s0], $0x2800  }
0x1e7: {  	[sflag:s0] =	ssyncset.done $0x0  }
0x1e8: {  	s19 =	rddreg [dreg:$0x1c];
	[sflag:s0] =	ssyncadd.s32 $0xFFFFD800  }
0x1e9: {  	[spmem:s3] =	stream.indirect.scatter.add.f32 [tilespmem:s1], [sflag:$0x6], $0x80, s19, s30, $0xb8;
	[tilespmem:$0x1D080] =	vst v63  }
0x1ea: {  	_ =	swait.ge [sflag:s6], $0x2800  }
0x1eb: {  	[sflag:s6] =	ssyncset.done $0x0  }
0x1ec: {  	s20 =	rddreg [dreg:$0x1d];
	[sflag:s6] =	ssyncadd.s32 $0xFFFFD800  }
0x1ed: {  	[tilespmem:s31], [sflag:$0x2] =	stream.indirect.gather [hbm4b:s2+s30], $0x80, s20, s30, $0xb8;
	[tilespmem:$0x1D080] =	vst v63  }
0x1ee: {  	_ =	swait.ge [sflag:s28], $0x2800  }
0x1ef: {  	[sflag:s28] =	ssyncset.done $0x0  }
0x1f0: {  	s21 =	rddreg [dreg:$0x1e];
	[sflag:s28] =	ssyncadd.s32 $0xFFFFD800  }
0x1f1: {  	[spmem:s3] =	stream.indirect.scatter.add.f32 [tilespmem:s25], [sflag:$0x4], $0x80, s21, s30, $0xb8;
	[tilespmem:$0x1D080] =	vst v63  }
0x1f2: {  	_ =	swait.ge [sflag:s8], $0x2800  }
0x1f3: {  	[sflag:s8] =	ssyncset.done $0x0  }
0x1f4: {  	s19 =	rddreg [dreg:$0x1f];
	[sflag:s8] =	ssyncadd.s32 $0xFFFFD800  }
0x1f5: {  	[tilespmem:s1], [sflag:$0x3] =	stream.indirect.gather [hbm4b:s2+s30], $0x80, s19, s30, $0xb8;
	[tilespmem:$0x1D080] =	vst v63  }
0x1f6: {  	_ =	swait.ge [sflag:s29], $0x2800  }
0x1f7: {  	s20 =	sld [smem:$0x7EE]  }
0x1f8: {  	[sflag:s29] =	ssyncset.done $0x0  }
0x1f9: {  	[sflag:s29] =	ssyncadd.s32 $0xFFFFD800  }
0x1fa: {  	[spmem:s3] =	stream.indirect.scatter.add.f32 [tilespmem:s31], [sflag:$0x5], $0x80, s20, s30, $0xb8;
	[tilespmem:$0x1D080] =	vst v63  }
0x1fb: {  	_ =	swait.ge [sflag:s26], $0x2800  }
0x1fc: {  	s21 =	sld [smem:$0x7EF]  }
0x1fd: {  	[sflag:s26] =	ssyncset.done $0x0  }
0x1fe: {  	[sflag:s26] =	ssyncadd.s32 $0xFFFFD800  }
0x1ff: {  	[tilespmem:s25], [sflag:$0x1] =	stream.indirect.gather [hbm4b:s2+s30], $0x80, s21, s30, $0xb8;
	[tilespmem:$0x1D080] =	vst v63  }
0x200: {  	_ =	swait.ge [sflag:s0], $0x2800  }
0x201: {  	s19 =	sld [smem:$0x7F0]  }
0x202: {  	[sflag:s0] =	ssyncset.done $0x0  }
0x203: {  	[sflag:s0] =	ssyncadd.s32 $0xFFFFD800  }
0x204: {  	[spmem:s3] =	stream.indirect.scatter.add.f32 [tilespmem:s1], [sflag:$0x6], $0x80, s19, s30, $0xb8;
	[tilespmem:$0x1D080] =	vst v63  }
0x205: {  	_ =	swait.ge [sflag:s6], $0x2800  }
0x206: {  	s20 =	sld [smem:$0x7F2]  }
0x207: {  	[sflag:s6] =	ssyncset.done $0x0  }
0x208: {  	[sflag:s6] =	ssyncadd.s32 $0xFFFFD800  }
0x209: {  	[tilespmem:s31], [sflag:$0x2] =	stream.indirect.gather [hbm4b:s2+s30], $0x80, s20, s30, $0xb8;
	[tilespmem:$0x1D080] =	vst v63  }
0x20a: {  	_ =	swait.ge [sflag:s28], $0x2800  }
0x20b: {  	s21 =	sld [smem:$0x7F3]  }
0x20c: {  	[sflag:s28] =	ssyncset.done $0x0  }
0x20d: {  	[sflag:s28] =	ssyncadd.s32 $0xFFFFD800  }
0x20e: {  	[spmem:s3] =	stream.indirect.scatter.add.f32 [tilespmem:s25], [sflag:$0x4], $0x80, s21, s30, $0xb8;
	[tilespmem:$0x1D080] =	vst v63  }
0x20f: {  	_ =	swait.ge [sflag:s8], $0x2800  }
0x210: {  	s19 =	sld [smem:$0x7F4]  }
0x211: {  	[sflag:s8] =	ssyncset.done $0x0  }
0x212: {  	[sflag:s8] =	ssyncadd.s32 $0xFFFFD800  }
0x213: {  	[tilespmem:s1], [sflag:$0x3] =	stream.indirect.gather [hbm4b:s2+s30], $0x80, s19, s30, $0xb8;
	[tilespmem:$0x1D080] =	vst v63  }
0x214: {  	_ =	swait.ge [sflag:s29], $0x2800  }
0x215: {  	s20 =	sld [smem:$0x7F6]  }
0x216: {  	[sflag:s29] =	ssyncset.done $0x0  }
0x217: {  	[sflag:s29] =	ssyncadd.s32 $0xFFFFD800  }
0x218: {  	[spmem:s3] =	stream.indirect.scatter.add.f32 [tilespmem:s31], [sflag:$0x5], $0x80, s20, s30, $0xb8;
	[tilespmem:$0x1D080] =	vst v63  }
0x219: {  	_ =	swait.ge [sflag:s26], $0x2800  }
0x21a: {  	s21 =	sld [smem:$0x7F8]  }
0x21b: {  	[sflag:s26] =	ssyncset.done $0x0  }
0x21c: {  	[sflag:s26] =	ssyncadd.s32 $0xFFFFD800  }
0x21d: {  	[tilespmem:s25], [sflag:$0x1] =	stream.indirect.gather [hbm4b:s2+s30], $0x80, s21, s30, $0xb8;
	[tilespmem:$0x1D080] =	vst v63  }
0x21e: {  	_ =	swait.ge [sflag:s0], $0x2800  }
0x21f: {  	s19 =	sld [smem:$0x7F9]  }
0x220: {  	[sflag:s0] =	ssyncset.done $0x0  }
0x221: {  	[sflag:s0] =	ssyncadd.s32 $0xFFFFD800  }
0x222: {  	[spmem:s3] =	stream.indirect.scatter.add.f32 [tilespmem:s1], [sflag:$0x6], $0x80, s19, s30, $0xb8;
	[tilespmem:$0x1D080] =	vst v63  }
0x223: {  	_ =	swait.ge [sflag:s6], $0x2800  }
0x224: {  	s20 =	sld [smem:$0x7FA]  }
0x225: {  	[sflag:s6] =	ssyncset.done $0x0  }
0x226: {  	[sflag:s6] =	ssyncadd.s32 $0xFFFFD800  }
0x227: {  	[tilespmem:s31], [sflag:$0x2] =	stream.indirect.gather [hbm4b:s2+s30], $0x80, s20, s30, $0xb8;
	[tilespmem:$0x1D080] =	vst v63  }
0x228: {  	_ =	swait.ge [sflag:s28], $0x2800  }
0x229: {  	s21 =	sld [smem:$0x7FB]  }
0x22a: {  	[sflag:s28] =	ssyncset.done $0x0  }
0x22b: {  	[sflag:s28] =	ssyncadd.s32 $0xFFFFD800  }
0x22c: {  	[spmem:s3] =	stream.indirect.scatter.add.f32 [tilespmem:s25], [sflag:$0x4], $0x80, s21, s30, $0xb8;
	[tilespmem:$0x1D080] =	vst v63  }
0x22d: {  	_ =	swait.ge [sflag:s8], $0x2800  }
0x22e: {  	[sflag:s8] =	ssyncset.done $0x0  }
0x22f: {  	[sflag:s8] =	ssyncadd.s32 $0xFFFFD800  }
0x230: {  	[tilespmem:s1], [sflag:$0x3] =	stream.indirect.gather [hbm4b:s2+s30], $0x80, s9, s30, $0xb8;
	[tilespmem:$0x1D080] =	vst v63  }
0x231: {  	_ =	swait.ge [sflag:s29], $0x2800  }
0x232: {  	[sflag:s29] =	ssyncset.done $0x0  }
0x233: {  	[sflag:s29] =	ssyncadd.s32 $0xFFFFD800  }
0x234: {  	[spmem:s3] =	stream.indirect.scatter.add.f32 [tilespmem:s31], [sflag:$0x5], $0x80, s10, s30, $0xb8;
	[tilespmem:$0x1D080] =	vst v63  }
0x235: {  	_ =	swait.ge [sflag:s26], $0x2800  }
0x236: {  	[sflag:s26] =	ssyncset.done $0x0  }
0x237: {  	[sflag:s26] =	ssyncadd.s32 $0xFFFFD800  }
0x238: {  	[tilespmem:s25], [sflag:$0x1] =	stream.indirect.gather [hbm4b:s2+s30], $0x80, s11, s30, $0xb8;
	[tilespmem:$0x1D080] =	vst v63  }
0x239: {  	_ =	swait.ge [sflag:s0], $0x2800  }
0x23a: {  	[sflag:s0] =	ssyncset.done $0x0  }
0x23b: {  	[sflag:s0] =	ssyncadd.s32 $0xFFFFD800  }
0x23c: {  	[spmem:s3] =	stream.indirect.scatter.add.f32 [tilespmem:s1], [sflag:$0x6], $0x80, s12, s30, $0xb8;
	[tilespmem:$0x1D080] =	vst v63  }
0x23d: {  	_ =	swait.ge [sflag:s6], $0x2800  }
0x23e: {  	[sflag:s6] =	ssyncset.done $0x0  }
0x23f: {  	[sflag:s6] =	ssyncadd.s32 $0xFFFFD800  }
0x240: {  	[tilespmem:s31], [sflag:$0x2] =	stream.indirect.gather [hbm4b:s2+s30], $0x80, s13, s30, $0xb8;
	[tilespmem:$0x1D080] =	vst v63  }
0x241: {  	_ =	swait.ge [sflag:s28], $0x2800  }
0x242: {  	[sflag:s28] =	ssyncset.done $0x0  }
0x243: {  	[sflag:s28] =	ssyncadd.s32 $0xFFFFD800  }
0x244: {  	[spmem:s3] =	stream.indirect.scatter.add.f32 [tilespmem:s25], [sflag:$0x4], $0x80, s14, s30, $0xb8;
	[tilespmem:$0x1D080] =	vst v63  }
0x245: {  	_ =	swait.ge [sflag:s8], $0x2800  }
0x246: {  	[sflag:s8] =	ssyncset.done $0x0  }
0x247: {  	[sflag:s8] =	ssyncadd.s32 $0xFFFFD800  }
0x248: {  	[tilespmem:s1], [sflag:$0x3] =	stream.indirect.gather [hbm4b:s2+s30], $0x80, s15, s30, $0xb8;
	[tilespmem:$0x1D080] =	vst v63  }
0x249: {  	_ =	swait.ge [sflag:s29], $0x2800  }
0x24a: {  	[sflag:s29] =	ssyncset.done $0x0  }
0x24b: {  	[sflag:s29] =	ssyncadd.s32 $0xFFFFD800  }
0x24c: {  	[spmem:s3] =	stream.indirect.scatter.add.f32 [tilespmem:s31], [sflag:$0x5], $0x80, s5, s30, $0xb8;
	[tilespmem:$0x1D080] =	vst v63  }
0x24d: {  	_ =	swait.ge [sflag:s26], $0x2800  }
0x24e: {  	[sflag:s26] =	ssyncset.done $0x0  }
0x24f: {  	[sflag:s26] =	ssyncadd.s32 $0xFFFFD800  }
0x250: {  	[tilespmem:s25], [sflag:$0x1] =	stream.indirect.gather [hbm4b:s2+s30], $0x80, s16, s30, $0xb8;
	[tilespmem:$0x1D080] =	vst v63  }
0x251: {  	_ =	swait.ge [sflag:s0], $0x2800  }
0x252: {  	[sflag:s0] =	ssyncset.done $0x0  }
0x253: {  	[sflag:s0] =	ssyncadd.s32 $0xFFFFD800  }
0x254: {  	[spmem:s3] =	stream.indirect.scatter.add.f32 [tilespmem:s1], [sflag:$0x6], $0x80, s17, s30, $0xb8;
	[tilespmem:$0x1D080] =	vst v63  }
0x255: {  	_ =	swait.ge [sflag:s6], $0x2800  }
0x256: {  	[sflag:s6] =	ssyncset.done $0x0  }
0x257: {  	[sflag:s6] =	ssyncadd.s32 $0xFFFFD800  }
0x258: {  	_ =	swait.ge [sflag:s28], $0x2800  }
0x259: {  	s23 =	sadd.s32 $0x200, s23;
	[sflag:s28] =	ssyncset.done $0x0  }
0x25a: {  	p1 =	sne.s32 s23, $0xA00;
	[sflag:s28] =	ssyncadd.s32 $0xFFFFD800  }
0x25b: {  	[spmem:s3] =	stream.indirect.scatter.add.f32 [tilespmem:s25], [sflag:$0x4], $0x80, s18, s30, $0xb8;
	[tilespmem:$0x1D080] =	vst v63  }
.Ltmp1:
0x25c: {  	_ =	swait.ge [sflag:s8], $0x2800;
	(pc) =	sbr.rel @p1 .LBB2_4-.Ltmp1, $4  }
0x25d: {  	[sflag:s8] =	ssyncset.done $0x0  }
0x25e: {  	[sflag:s8] =	ssyncadd.s32 $0xFFFFD800  }
0x25f: {  	_ =	swait.ge [sflag:s26], $0x2800  }
0x260: {  	s19 =	rddreg [dreg:$0x5];
	[sflag:s26] =	ssyncset.done $0x0  }
0x261: {  	[sflag:s26] =	ssyncadd.s32 $0xFFFFD800;
	p1 =	seq.s32 s22, $0x0  }
0x262: {  	s7 =	sadd.s32 @!p1 s22, s19;
	s19 =	simm.s32 @!p1 $0x0;
	s20 =	simm.s32 @!p1 $0x7  }
0x263: {  	[tilespmem:s19], [sflag:$0x7] =	stream.linear.gather @!p1 [hbm4b:s7+s19], $0xC80, $0x38;
	[tilespmem:$0x1D080] =	vst v63  }
0x264: {  	_ =	swait.ge @!p1 [sflag:s20], $0xC80  }
0x265: {  	s7 =	rddreg [dreg:$0x4];
	[sflag:s20] =	ssyncset.done @!p1 $0x0  }
0x266: {  	s21 =	simm.s32 @!p1 $0x1000;
	[sflag:s20] =	ssyncadd.s32 @!p1 $0xFFFFF380;
	s7 =	sadd.s32 @!p1 s22, s7  }
0x267: {  	[tilespmem:s21], [sflag:$0x7] =	stream.linear.gather @!p1 [hbm4b:s7+s19], $0xC80, $0x38;
	[tilespmem:$0x1D080] =	vst v63  }
0x268: {  	_ =	swait.ge @!p1 [sflag:s20], $0xC80  }
0x269: {  	[sflag:s20] =	ssyncset.done @!p1 $0x0  }
0x26a: {  	[sflag:s20] =	ssyncadd.s32 @!p1 $0xFFFFF380  }
0x26b: {  	[tilespmem:s25], [sflag:$0x1] =	stream.indirect.gather [hbm4b:s2+s30], $0x80, s4, s30, $0xb8;
	[tilespmem:$0x1D080] =	vst v63  }
0x26c: {  	s23 =	rddreg [dreg:$0x6]  }
0x26d: {  	[tilespmem:s31], [sflag:$0x2] =	stream.indirect.gather [hbm4b:s2+s30], $0x80, s23, s30, $0xb8;
	[tilespmem:$0x1D080] =	vst v63  }
0x26e: {  	_ =	swait.ge [sflag:s28], $0x2800  }
0x26f: {  	[sflag:s28] =	ssyncset.done $0x0  }
0x270: {  	[sflag:s28] =	ssyncadd.s32 $0xFFFFD800  }
0x271: {  	[spmem:s3] =	stream.indirect.scatter.add.f32 [tilespmem:s25], [sflag:$0x4], $0x80, s24, s30, $0xb8;
	[tilespmem:$0x1D080] =	vst v63  }
0x272: {  	s19 =	rddreg [dreg:$0x7]  }
0x273: {  	[tilespmem:s1], [sflag:$0x3] =	stream.indirect.gather [hbm4b:s2+s30], $0x80, s19, s30, $0xb8;
	[tilespmem:$0x1D080] =	vst v63  }
0x274: {  	_ =	swait.ge [sflag:s29], $0x2800  }
0x275: {  	[sflag:s29] =	ssyncset.done $0x0  }
0x276: {  	s20 =	rddreg [dreg:$0x8];
	[sflag:s29] =	ssyncadd.s32 $0xFFFFD800  }
0x277: {  	[spmem:s3] =	stream.indirect.scatter.add.f32 [tilespmem:s31], [sflag:$0x5], $0x80, s20, s30, $0xb8;
	[tilespmem:$0x1D080] =	vst v63  }
0x278: {  	_ =	swait.ge [sflag:s26], $0x2800  }
0x279: {  	[sflag:s26] =	ssyncset.done $0x0  }
0x27a: {  	s21 =	rddreg [dreg:$0x9];
	[sflag:s26] =	ssyncadd.s32 $0xFFFFD800  }
0x27b: {  	[tilespmem:s25], [sflag:$0x1] =	stream.indirect.gather [hbm4b:s2+s30], $0x80, s21, s30, $0xb8;
	[tilespmem:$0x1D080] =	vst v63  }
0x27c: {  	_ =	swait.ge [sflag:s0], $0x2800  }
0x27d: {  	[sflag:s0] =	ssyncset.done $0x0  }
0x27e: {  	s22 =	rddreg [dreg:$0xa];
	[sflag:s0] =	ssyncadd.s32 $0xFFFFD800  }
0x27f: {  	[spmem:s3] =	stream.indirect.scatter.add.f32 [tilespmem:s1], [sflag:$0x6], $0x80, s22, s30, $0xb8;
	[tilespmem:$0x1D080] =	vst v63  }
0x280: {  	_ =	swait.ge [sflag:s6], $0x2800  }
0x281: {  	[sflag:s6] =	ssyncset.done $0x0  }
0x282: {  	s23 =	rddreg [dreg:$0xb];
	[sflag:s6] =	ssyncadd.s32 $0xFFFFD800  }
0x283: {  	[tilespmem:s31], [sflag:$0x2] =	stream.indirect.gather [hbm4b:s2+s30], $0x80, s23, s30, $0xb8;
	[tilespmem:$0x1D080] =	vst v63  }
0x284: {  	_ =	swait.ge [sflag:s28], $0x2800  }
0x285: {  	[sflag:s28] =	ssyncset.done $0x0  }
0x286: {  	s19 =	rddreg [dreg:$0xc];
	[sflag:s28] =	ssyncadd.s32 $0xFFFFD800  }
0x287: {  	[spmem:s3] =	stream.indirect.scatter.add.f32 [tilespmem:s25], [sflag:$0x4], $0x80, s19, s30, $0xb8;
	[tilespmem:$0x1D080] =	vst v63  }
0x288: {  	_ =	swait.ge [sflag:s8], $0x2800  }
0x289: {  	[sflag:s8] =	ssyncset.done $0x0  }
0x28a: {  	s20 =	rddreg [dreg:$0xd];
	[sflag:s8] =	ssyncadd.s32 $0xFFFFD800  }
0x28b: {  	[tilespmem:s1], [sflag:$0x3] =	stream.indirect.gather [hbm4b:s2+s30], $0x80, s20, s30, $0xb8;
	[tilespmem:$0x1D080] =	vst v63  }
0x28c: {  	_ =	swait.ge [sflag:s29], $0x2800  }
0x28d: {  	[sflag:s29] =	ssyncset.done $0x0  }
0x28e: {  	s21 =	rddreg [dreg:$0xe];
	[sflag:s29] =	ssyncadd.s32 $0xFFFFD800  }
0x28f: {  	[spmem:s3] =	stream.indirect.scatter.add.f32 [tilespmem:s31], [sflag:$0x5], $0x80, s21, s30, $0xb8;
	[tilespmem:$0x1D080] =	vst v63  }
0x290: {  	_ =	swait.ge [sflag:s26], $0x2800  }
0x291: {  	[sflag:s26] =	ssyncset.done $0x0  }
0x292: {  	s22 =	rddreg [dreg:$0xf];
	[sflag:s26] =	ssyncadd.s32 $0xFFFFD800  }
0x293: {  	[tilespmem:s25], [sflag:$0x1] =	stream.indirect.gather [hbm4b:s2+s30], $0x80, s22, s30, $0xb8;
	[tilespmem:$0x1D080] =	vst v63  }
0x294: {  	_ =	swait.ge [sflag:s0], $0x2800  }
0x295: {  	[sflag:s0] =	ssyncset.done $0x0  }
0x296: {  	s23 =	rddreg [dreg:$0x10];
	[sflag:s0] =	ssyncadd.s32 $0xFFFFD800  }
0x297: {  	[spmem:s3] =	stream.indirect.scatter.add.f32 [tilespmem:s1], [sflag:$0x6], $0x80, s23, s30, $0xb8;
	[tilespmem:$0x1D080] =	vst v63  }
0x298: {  	_ =	swait.ge [sflag:s6], $0x2800  }
0x299: {  	[sflag:s6] =	ssyncset.done $0x0  }
0x29a: {  	s19 =	rddreg [dreg:$0x11];
	[sflag:s6] =	ssyncadd.s32 $0xFFFFD800  }
0x29b: {  	[tilespmem:s31], [sflag:$0x2] =	stream.indirect.gather [hbm4b:s2+s30], $0x80, s19, s30, $0xb8;
	[tilespmem:$0x1D080] =	vst v63  }
0x29c: {  	_ =	swait.ge [sflag:s28], $0x2800  }
0x29d: {  	[sflag:s28] =	ssyncset.done $0x0  }
0x29e: {  	s20 =	rddreg [dreg:$0x12];
	[sflag:s28] =	ssyncadd.s32 $0xFFFFD800  }
0x29f: {  	[spmem:s3] =	stream.indirect.scatter.add.f32 [tilespmem:s25], [sflag:$0x4], $0x80, s20, s30, $0xb8;
	[tilespmem:$0x1D080] =	vst v63  }
0x2a0: {  	_ =	swait.ge [sflag:s8], $0x2800  }
0x2a1: {  	[sflag:s8] =	ssyncset.done $0x0  }
0x2a2: {  	s21 =	rddreg [dreg:$0x13];
	[sflag:s8] =	ssyncadd.s32 $0xFFFFD800  }
0x2a3: {  	[tilespmem:s1], [sflag:$0x3] =	stream.indirect.gather [hbm4b:s2+s30], $0x80, s21, s30, $0xb8;
	[tilespmem:$0x1D080] =	vst v63  }
0x2a4: {  	_ =	swait.ge [sflag:s29], $0x2800  }
0x2a5: {  	[sflag:s29] =	ssyncset.done $0x0  }
0x2a6: {  	s22 =	rddreg [dreg:$0x14];
	[sflag:s29] =	ssyncadd.s32 $0xFFFFD800  }
0x2a7: {  	[spmem:s3] =	stream.indirect.scatter.add.f32 [tilespmem:s31], [sflag:$0x5], $0x80, s22, s30, $0xb8;
	[tilespmem:$0x1D080] =	vst v63  }
0x2a8: {  	_ =	swait.ge [sflag:s26], $0x2800  }
0x2a9: {  	[sflag:s26] =	ssyncset.done $0x0  }
0x2aa: {  	s23 =	rddreg [dreg:$0x15];
	[sflag:s26] =	ssyncadd.s32 $0xFFFFD800  }
0x2ab: {  	[tilespmem:s25], [sflag:$0x1] =	stream.indirect.gather [hbm4b:s2+s30], $0x80, s23, s30, $0xb8;
	[tilespmem:$0x1D080] =	vst v63  }
0x2ac: {  	_ =	swait.ge [sflag:s0], $0x2800  }
0x2ad: {  	[sflag:s0] =	ssyncset.done $0x0  }
0x2ae: {  	s19 =	rddreg [dreg:$0x16];
	[sflag:s0] =	ssyncadd.s32 $0xFFFFD800  }
0x2af: {  	[spmem:s3] =	stream.indirect.scatter.add.f32 [tilespmem:s1], [sflag:$0x6], $0x80, s19, s30, $0xb8;
	[tilespmem:$0x1D080] =	vst v63  }
0x2b0: {  	_ =	swait.ge [sflag:s6], $0x2800  }
0x2b1: {  	[sflag:s6] =	ssyncset.done $0x0  }
0x2b2: {  	s20 =	rddreg [dreg:$0x17];
	[sflag:s6] =	ssyncadd.s32 $0xFFFFD800  }
0x2b3: {  	[tilespmem:s31], [sflag:$0x2] =	stream.indirect.gather [hbm4b:s2+s30], $0x80, s20, s30, $0xb8;
	[tilespmem:$0x1D080] =	vst v63  }
0x2b4: {  	_ =	swait.ge [sflag:s28], $0x2800  }
0x2b5: {  	[sflag:s28] =	ssyncset.done $0x0  }
0x2b6: {  	s21 =	rddreg [dreg:$0x18];
	[sflag:s28] =	ssyncadd.s32 $0xFFFFD800  }
0x2b7: {  	[spmem:s3] =	stream.indirect.scatter.add.f32 [tilespmem:s25], [sflag:$0x4], $0x80, s21, s30, $0xb8;
	[tilespmem:$0x1D080] =	vst v63  }
0x2b8: {  	_ =	swait.ge [sflag:s8], $0x2800  }
0x2b9: {  	[sflag:s8] =	ssyncset.done $0x0  }
0x2ba: {  	s22 =	rddreg [dreg:$0x19];
	[sflag:s8] =	ssyncadd.s32 $0xFFFFD800  }
0x2bb: {  	[tilespmem:s1], [sflag:$0x3] =	stream.indirect.gather [hbm4b:s2+s30], $0x80, s22, s30, $0xb8;
	[tilespmem:$0x1D080] =	vst v63  }
0x2bc: {  	_ =	swait.ge [sflag:s29], $0x2800  }
0x2bd: {  	[sflag:s29] =	ssyncset.done $0x0  }
0x2be: {  	s23 =	rddreg [dreg:$0x1a];
	[sflag:s29] =	ssyncadd.s32 $0xFFFFD800  }
0x2bf: {  	[spmem:s3] =	stream.indirect.scatter.add.f32 [tilespmem:s31], [sflag:$0x5], $0x80, s23, s30, $0xb8;
	[tilespmem:$0x1D080] =	vst v63  }
0x2c0: {  	_ =	swait.ge [sflag:s26], $0x2800  }
0x2c1: {  	[sflag:s26] =	ssyncset.done $0x0  }
0x2c2: {  	s19 =	rddreg [dreg:$0x1b];
	[sflag:s26] =	ssyncadd.s32 $0xFFFFD800  }
0x2c3: {  	[tilespmem:s25], [sflag:$0x1] =	stream.indirect.gather [hbm4b:s2+s30], $0x80, s19, s30, $0xb8;
	[tilespmem:$0x1D080] =	vst v63  }
0x2c4: {  	_ =	swait.ge [sflag:s0], $0x2800  }
0x2c5: {  	[sflag:s0] =	ssyncset.done $0x0  }
0x2c6: {  	s20 =	rddreg [dreg:$0x1c];
	[sflag:s0] =	ssyncadd.s32 $0xFFFFD800  }
0x2c7: {  	[spmem:s3] =	stream.indirect.scatter.add.f32 [tilespmem:s1], [sflag:$0x6], $0x80, s20, s30, $0xb8;
	[tilespmem:$0x1D080] =	vst v63  }
0x2c8: {  	_ =	swait.ge [sflag:s6], $0x2800  }
0x2c9: {  	[sflag:s6] =	ssyncset.done $0x0  }
0x2ca: {  	s21 =	rddreg [dreg:$0x1d];
	[sflag:s6] =	ssyncadd.s32 $0xFFFFD800  }
0x2cb: {  	[tilespmem:s31], [sflag:$0x2] =	stream.indirect.gather [hbm4b:s2+s30], $0x80, s21, s30, $0xb8;
	[tilespmem:$0x1D080] =	vst v63  }
0x2cc: {  	_ =	swait.ge [sflag:s28], $0x2800  }
0x2cd: {  	[sflag:s28] =	ssyncset.done $0x0  }
0x2ce: {  	s22 =	rddreg [dreg:$0x1e];
	[sflag:s28] =	ssyncadd.s32 $0xFFFFD800  }
0x2cf: {  	[spmem:s3] =	stream.indirect.scatter.add.f32 [tilespmem:s25], [sflag:$0x4], $0x80, s22, s30, $0xb8;
	[tilespmem:$0x1D080] =	vst v63  }
0x2d0: {  	_ =	swait.ge [sflag:s8], $0x2800  }
0x2d1: {  	[sflag:s8] =	ssyncset.done $0x0  }
0x2d2: {  	s23 =	rddreg [dreg:$0x1f];
	[sflag:s8] =	ssyncadd.s32 $0xFFFFD800  }
0x2d3: {  	[tilespmem:s1], [sflag:$0x3] =	stream.indirect.gather [hbm4b:s2+s30], $0x80, s23, s30, $0xb8;
	[tilespmem:$0x1D080] =	vst v63  }
0x2d4: {  	_ =	swait.ge [sflag:s29], $0x2800  }
0x2d5: {  	s19 =	sld [smem:$0x7EE]  }
0x2d6: {  	[sflag:s29] =	ssyncset.done $0x0  }
0x2d7: {  	[sflag:s29] =	ssyncadd.s32 $0xFFFFD800  }
0x2d8: {  	[spmem:s3] =	stream.indirect.scatter.add.f32 [tilespmem:s31], [sflag:$0x5], $0x80, s19, s30, $0xb8;
	[tilespmem:$0x1D080] =	vst v63  }
0x2d9: {  	_ =	swait.ge [sflag:s26], $0x2800  }
0x2da: {  	s20 =	sld [smem:$0x7EF]  }
0x2db: {  	[sflag:s26] =	ssyncset.done $0x0  }
0x2dc: {  	[sflag:s26] =	ssyncadd.s32 $0xFFFFD800  }
0x2dd: {  	[tilespmem:s25], [sflag:$0x1] =	stream.indirect.gather [hbm4b:s2+s30], $0x80, s20, s30, $0xb8;
	[tilespmem:$0x1D080] =	vst v63  }
0x2de: {  	_ =	swait.ge [sflag:s0], $0x2800  }
0x2df: {  	s21 =	sld [smem:$0x7F0]  }
0x2e0: {  	[sflag:s0] =	ssyncset.done $0x0  }
0x2e1: {  	[sflag:s0] =	ssyncadd.s32 $0xFFFFD800  }
0x2e2: {  	[spmem:s3] =	stream.indirect.scatter.add.f32 [tilespmem:s1], [sflag:$0x6], $0x80, s21, s30, $0xb8;
	[tilespmem:$0x1D080] =	vst v63  }
0x2e3: {  	_ =	swait.ge [sflag:s6], $0x2800  }
0x2e4: {  	s22 =	sld [smem:$0x7F2]  }
0x2e5: {  	[sflag:s6] =	ssyncset.done $0x0  }
0x2e6: {  	[sflag:s6] =	ssyncadd.s32 $0xFFFFD800  }
0x2e7: {  	[tilespmem:s31], [sflag:$0x2] =	stream.indirect.gather [hbm4b:s2+s30], $0x80, s22, s30, $0xb8;
	[tilespmem:$0x1D080] =	vst v63  }
0x2e8: {  	_ =	swait.ge [sflag:s28], $0x2800  }
0x2e9: {  	s23 =	sld [smem:$0x7F3]  }
0x2ea: {  	[sflag:s28] =	ssyncset.done $0x0  }
0x2eb: {  	[sflag:s28] =	ssyncadd.s32 $0xFFFFD800  }
0x2ec: {  	[spmem:s3] =	stream.indirect.scatter.add.f32 [tilespmem:s25], [sflag:$0x4], $0x80, s23, s30, $0xb8;
	[tilespmem:$0x1D080] =	vst v63  }
0x2ed: {  	_ =	swait.ge [sflag:s8], $0x2800  }
0x2ee: {  	s19 =	sld [smem:$0x7F4]  }
0x2ef: {  	[sflag:s8] =	ssyncset.done $0x0  }
0x2f0: {  	[sflag:s8] =	ssyncadd.s32 $0xFFFFD800  }
0x2f1: {  	[tilespmem:s1], [sflag:$0x3] =	stream.indirect.gather [hbm4b:s2+s30], $0x80, s19, s30, $0xb8;
	[tilespmem:$0x1D080] =	vst v63  }
0x2f2: {  	_ =	swait.ge [sflag:s29], $0x2800  }
0x2f3: {  	s20 =	sld [smem:$0x7F6]  }
0x2f4: {  	[sflag:s29] =	ssyncset.done $0x0  }
0x2f5: {  	[sflag:s29] =	ssyncadd.s32 $0xFFFFD800  }
0x2f6: {  	[spmem:s3] =	stream.indirect.scatter.add.f32 [tilespmem:s31], [sflag:$0x5], $0x80, s20, s30, $0xb8;
	[tilespmem:$0x1D080] =	vst v63  }
0x2f7: {  	_ =	swait.ge [sflag:s26], $0x2800  }
0x2f8: {  	s21 =	sld [smem:$0x7F8]  }
0x2f9: {  	[sflag:s26] =	ssyncset.done $0x0  }
0x2fa: {  	[sflag:s26] =	ssyncadd.s32 $0xFFFFD800  }
0x2fb: {  	[tilespmem:s25], [sflag:$0x1] =	stream.indirect.gather [hbm4b:s2+s30], $0x80, s21, s30, $0xb8;
	[tilespmem:$0x1D080] =	vst v63  }
0x2fc: {  	_ =	swait.ge [sflag:s0], $0x2800  }
0x2fd: {  	s22 =	sld [smem:$0x7F9]  }
0x2fe: {  	[sflag:s0] =	ssyncset.done $0x0  }
0x2ff: {  	[sflag:s0] =	ssyncadd.s32 $0xFFFFD800  }
0x300: {  	[spmem:s3] =	stream.indirect.scatter.add.f32 [tilespmem:s1], [sflag:$0x6], $0x80, s22, s30, $0xb8;
	[tilespmem:$0x1D080] =	vst v63  }
0x301: {  	_ =	swait.ge [sflag:s6], $0x2800  }
0x302: {  	s23 =	sld [smem:$0x7FA]  }
0x303: {  	[sflag:s6] =	ssyncset.done $0x0  }
0x304: {  	[sflag:s6] =	ssyncadd.s32 $0xFFFFD800  }
0x305: {  	[tilespmem:s31], [sflag:$0x2] =	stream.indirect.gather [hbm4b:s2+s30], $0x80, s23, s30, $0xb8;
	[tilespmem:$0x1D080] =	vst v63  }
0x306: {  	_ =	swait.ge [sflag:s28], $0x2800  }
0x307: {  	s19 =	sld [smem:$0x7FB]  }
0x308: {  	[sflag:s28] =	ssyncset.done $0x0  }
0x309: {  	[sflag:s28] =	ssyncadd.s32 $0xFFFFD800  }
0x30a: {  	[spmem:s3] =	stream.indirect.scatter.add.f32 [tilespmem:s25], [sflag:$0x4], $0x80, s19, s30, $0xb8;
	[tilespmem:$0x1D080] =	vst v63  }
0x30b: {  	_ =	swait.ge [sflag:s8], $0x2800  }
0x30c: {  	[sflag:s8] =	ssyncset.done $0x0  }
0x30d: {  	[sflag:s8] =	ssyncadd.s32 $0xFFFFD800  }
0x30e: {  	[tilespmem:s1], [sflag:$0x3] =	stream.indirect.gather [hbm4b:s2+s30], $0x80, s9, s30, $0xb8;
	[tilespmem:$0x1D080] =	vst v63  }
0x30f: {  	_ =	swait.ge [sflag:s29], $0x2800  }
0x310: {  	[sflag:s29] =	ssyncset.done $0x0  }
0x311: {  	[sflag:s29] =	ssyncadd.s32 $0xFFFFD800  }
0x312: {  	[spmem:s3] =	stream.indirect.scatter.add.f32 [tilespmem:s31], [sflag:$0x5], $0x80, s10, s30, $0xb8;
	[tilespmem:$0x1D080] =	vst v63  }
0x313: {  	_ =	swait.ge [sflag:s26], $0x2800  }
0x314: {  	[sflag:s26] =	ssyncset.done $0x0  }
0x315: {  	[sflag:s26] =	ssyncadd.s32 $0xFFFFD800  }
0x316: {  	[tilespmem:s25], [sflag:$0x1] =	stream.indirect.gather [hbm4b:s2+s30], $0x80, s11, s30, $0xb8;
	[tilespmem:$0x1D080] =	vst v63  }
0x317: {  	_ =	swait.ge [sflag:s0], $0x2800  }
0x318: {  	[sflag:s0] =	ssyncset.done $0x0  }
0x319: {  	[sflag:s0] =	ssyncadd.s32 $0xFFFFD800  }
0x31a: {  	[spmem:s3] =	stream.indirect.scatter.add.f32 [tilespmem:s1], [sflag:$0x6], $0x80, s12, s30, $0xb8;
	[tilespmem:$0x1D080] =	vst v63  }
0x31b: {  	_ =	swait.ge [sflag:s6], $0x2800  }
0x31c: {  	[sflag:s6] =	ssyncset.done $0x0  }
0x31d: {  	[sflag:s6] =	ssyncadd.s32 $0xFFFFD800  }
0x31e: {  	[tilespmem:s31], [sflag:$0x2] =	stream.indirect.gather [hbm4b:s2+s30], $0x80, s13, s30, $0xb8;
	[tilespmem:$0x1D080] =	vst v63  }
0x31f: {  	_ =	swait.ge [sflag:s28], $0x2800  }
0x320: {  	[sflag:s28] =	ssyncset.done $0x0  }
0x321: {  	[sflag:s28] =	ssyncadd.s32 $0xFFFFD800  }
0x322: {  	[spmem:s3] =	stream.indirect.scatter.add.f32 [tilespmem:s25], [sflag:$0x4], $0x80, s14, s30, $0xb8;
	[tilespmem:$0x1D080] =	vst v63  }
0x323: {  	_ =	swait.ge [sflag:s8], $0x2800  }
0x324: {  	[sflag:s8] =	ssyncset.done $0x0  }
0x325: {  	[sflag:s8] =	ssyncadd.s32 $0xFFFFD800  }
0x326: {  	[tilespmem:s1], [sflag:$0x3] =	stream.indirect.gather [hbm4b:s2+s30], $0x80, s15, s30, $0xb8;
	[tilespmem:$0x1D080] =	vst v63  }
0x327: {  	_ =	swait.ge [sflag:s29], $0x2800  }
0x328: {  	[sflag:s29] =	ssyncset.done $0x0  }
0x329: {  	[sflag:s29] =	ssyncadd.s32 $0xFFFFD800  }
0x32a: {  	[spmem:s3] =	stream.indirect.scatter.add.f32 [tilespmem:s31], [sflag:$0x5], $0x80, s5, s30, $0xb8;
	[tilespmem:$0x1D080] =	vst v63  }
0x32b: {  	_ =	swait.ge [sflag:s26], $0x2800  }
0x32c: {  	[sflag:s26] =	ssyncset.done $0x0  }
0x32d: {  	[sflag:s26] =	ssyncadd.s32 $0xFFFFD800  }
0x32e: {  	[tilespmem:s25], [sflag:$0x1] =	stream.indirect.gather [hbm4b:s2+s30], $0x80, s16, s30, $0xb8;
	[tilespmem:$0x1D080] =	vst v63  }
0x32f: {  	_ =	swait.ge [sflag:s0], $0x2800  }
0x330: {  	[sflag:s0] =	ssyncset.done $0x0  }
0x331: {  	[sflag:s0] =	ssyncadd.s32 $0xFFFFD800  }
0x332: {  	[spmem:s3] =	stream.indirect.scatter.add.f32 [tilespmem:s1], [sflag:$0x6], $0x80, s17, s30, $0xb8;
	[tilespmem:$0x1D080] =	vst v63  }
0x333: {  	_ =	swait.ge [sflag:s6], $0x2800  }
0x334: {  	[sflag:s6] =	ssyncset.done $0x0  }
0x335: {  	[sflag:s6] =	ssyncadd.s32 $0xFFFFD800  }
0x336: {  	_ =	swait.ge [sflag:s28], $0x2800  }
0x337: {  	[sflag:s28] =	ssyncset.done $0x0  }
0x338: {  	[sflag:s28] =	ssyncadd.s32 $0xFFFFD800  }
0x339: {  	[spmem:s3] =	stream.indirect.scatter.add.f32 [tilespmem:s25], [sflag:$0x4], $0x80, s18, s30, $0xb8;
	[tilespmem:$0x1D080] =	vst v63  }
0x33a: {  	_ =	swait.ge [sflag:s8], $0x2800  }
0x33b: {  	[sflag:s8] =	ssyncset.done $0x0  }
0x33c: {  	[sflag:s8] =	ssyncadd.s32 $0xFFFFD800  }
0x33d: {  	_ =	swait.ge [sflag:s26], $0x2800  }
0x33e: {  	[sflag:s26] =	ssyncset.done $0x0  }
0x33f: {  	[sflag:s26] =	ssyncadd.s32 $0xFFFFD800  }
0x340: {  	s20 =	stileid.u32;
	[bflag:$0x0] =	sbarrier.arrive $0xFFFF  }
0x341: {  	s7 =	sshll.u32 s20, $0x6;
	s20 =	sld [smem:$0x7FC]  }
0x342: {  	s22 =	sld [smem:$0x7F1];
	_ =	sdelay $0x1  }
0x343: {  	s7 =	sor.u32 $0x1C07, s7;
	s23 =	simm.s32 $0x7;
	s21 =	sshrl.u32 s20, $0x3  }
0x344: {  	[hbm:s22], [sflag:s7] =	dma.local [spmem:s21], $0x2700  }
0x345: {  	_ =	swait.ge [sflag:s23], $0x2700  }
0x346: {  	s21 =	sld [smem:$0x7FD]  }
0x347: {  	s22 =	sld [smem:$0x7F5]  }
0x348: {  	[sflag:s23] =	ssyncset.done $0x0  }
0x349: {  	[sflag:s23] =	ssyncadd.s32 $0xFFFFD900;
	s19 =	sshrl.u32 @!p0 s21, $0x3  }
0x34a: {  	[hbm:s22], [sflag:s7] =	dma.local @!p0 [spmem:s19], $0x100  }
0x34b: {  	s7 =	simm.s32 @!p0 $0x7  }
0x34c: {  	_ =	swait.ge @!p0 [sflag:s7], $0x100  }
0x34d: {  	s19 =	sld [smem:$0x7DF]  }
0x34e: {  	s23 =	sld [smem:$0x7F7];
	_ =	sdelay $0x1  }
0x34f: {  	s22 =	sadd.s32 $0x1, s19  }
0x350: {  	p1 =	sne.s32 s22, s23  }
.Ltmp2:
0x351: {  	_ = 	snop;
	(pc) =	sbr.rel @p1 .LBB2_1-.Ltmp2, $3  }
0x352: {  	_ =	sdelay $0x1  }
0x353: {  	[sflag:s7] =	ssyncset.done @!p0 $0x0  }
0x354: {  	[sflag:s7] =	ssyncadd.s32 @!p0 $0xFFFFFF00  }
0x355: {  	_ =	sfence.sel $0x180000  }
0x356: {  	[bflag:$0x0] =	sbarrier.arrive $0xFFFF  }
0x357: {  	_ =	strace $0x9000004A  }
0x358: {  	s0 =	stileid.u32;
	[bflag:$0x2] =	sbarrier.arrive $0xFFFF  }
0x359: {  	p0 =	sne.s32 s0, $0x0;
	s0 =	rddreg [dreg:$0x3]  }
0x35a: {  	s0 =	sadd.s32 @!p0 $0x100000, s0  }
0x35b: {  	[sflag:s0] =	ssyncadd.tile.s32 @!p0 $0x1;
	_ =	shalt  }
.Lfunc_end2:
_tile_overlayer_lowered:
.L_overlay_start_2:
0x35c: {  	(tag) =	ssettag $0x2  }
0x35d: {  	s0 =	rddreg [dreg:$0x0];
	s2 =	stileid.u32  }
0x35e: {  	s1 =	rddreg [dreg:$0x1];
	p0 =	sne.s32 s2, $0x0  }
0x35f: {  	s3 =	rddreg [dreg:$0x2];
	[bflag:$0x3] =	sbarrier.arrive $0xFFFF;
	s2 =	simm.s32 @!p0 $0x1C07  }
0x360: {  	[timem:s3], [sflag:s2] =	dma.local @!p0 [hbm:s0], s1  }
0x361: {  	s0 =	simm.s32 @!p0 $0x7  }
0x362: {  	_ =	swait.ge @!p0 [sflag:s0], s1  }
0x363: {  	s1 =	ssub.s32 @!p0 $0x0, s1;
	[sflag:s0] =	ssyncset.done @!p0 $0x0  }
0x364: {  	[sflag:s0] =	ssyncadd.s32 @!p0 s1  }
0x365: {  	[bflag:$0x3] =	sbarrier.arrive $0xFFFF  }
0x366: {  	_ =	shalt  }

// kernel: sc_sage_agg_cnt.3.cloned.1.call-start
scs
__scs_entry_jumppad:
0x0: {  	(pc) =	sbr.rel $0x88, $3  }
0x1: {  	(tag) =	ssettag $0x0;
	lr =	simm.s32 $0x1  }
0x2: {  	[smem:$0x3F99] =	sst lr;
	_ =	strace $0xD0000000  }
0x3: {  	_ = 	snop  }
0x4: {  	_ = 	snop  }
0x5: {  	_ = 	snop  }
0x6: {  	_ = 	snop  }
0x7: {  	_ = 	snop  }
__scs_overlays_trampoline_lowered:
0x8: {  	[smem:$0x3FA8] =	sst s0  }
0x9: {  	[smem:$0x3FA9] =	sst s1  }
0xa: {  	[smem:$0x3FAA] =	sst s2  }
0xb: {  	[smem:$0x3FAB] =	sst s3  }
0xc: {  	[smem:$0x3FAC] =	sst s4  }
0xd: {  	[smem:$0x3FAD] =	sst s5  }
0xe: {  	[smem:$0x3FAE] =	sst s6  }
0xf: {  	[smem:$0x3FAF] =	sst s7  }
0x10: {  	[smem:$0x3FB0] =	sst s8  }
0x11: {  	[smem:$0x3FB1] =	sst s9;
	s0 =	simm.s32 @!p0 $0x0  }
0x12: {  	s1 =	sld [smem:$0x3F97];
	s0 =	simm.s32 @p0 $0x1  }
0x13: {  	[smem:$0x3FB2] =	sst s0;
	s0 =	simm.s32 @!p1 $0x0  }
0x14: {  	s2 =	sld [smem:$0x3F96];
	s0 =	simm.s32 @p1 $0x1  }
0x15: {  	[smem:$0x3FB3] =	sst s0;
	s0 =	simm.s32 @!p2 $0x0  }
0x16: {  	s3 =	sld [smem:$0x3FDB];
	s0 =	simm.s32 @p2 $0x1  }
0x17: {  	s4 =	simm.s32 $0x1BF5;
	[smem:$0x3FB5] =	sst s0  }
0x18: {  	s0 =	sld [smem:$0x3F98];
	_ =	swait.ge [sflag:s4], $0x0  }
0x19: {  	s7 =	sld [smem:$0x3F99]  }
0x1a: {  	s8 =	sadd.s32 $0xFFFFE003, lr  }
0x1b: {  	s9 =	sadd.s32 $0xFFFFFEF7, lr;
	s5 =	simm.s32 $0xFFFFFFFF;
	p2 =	slt.u32 s8, $0xFFFFF086  }
0x1c: {  	p1 =	slt.u32 s9, $0xF7A;
	s5 =	simm.s32 @!p2 $0x0  }
0x1d: {  	s5 =	simm.s32 @p1 $0x1;
	p0 =	seq.s32 s7, s2  }
0x1e: {  	s7 =	smul.u32 @!p0 $0xF7A, s2;
	p2 =	seq.s32 @!p0 s5, $0x0  }
0x1f: {  	s9 =	smul.u32 $0xF7A, s1;
	s8 =	simm.s32 @!p0 $0x1BF5;
	p2 =	por !p2, p0  }
0x20: {  	[sflag:s8] =	ssyncset.s32 @!p0 $0xFFFFF086;
	s6 =	sadd.s32 @!p0 s3, s7;
	s7 =	simm.s32 @!p0 $0x108  }
0x21: {  	s3 =	sadd.s32 s3, s9;
	s6 =	sadd.s32 @!p0 $0x88, s6;
	s7 =	simm.s32 @p2 $0x1082  }
0x22: {  	[simem:s7], [sflag:s8] =	dma.local @!p0 [hbm:s6], $0xF7A  }
0x23: {  	s9 =	sor.u32 $0xD0000000, s2;
	s6 =	simm.s32 $0x108;
	_ =	swait.ge @!p0 [sflag:s8], $0x0  }
0x24: {  	s3 =	sadd.s32 $0x88, s3;
	s6 =	simm.s32 @!p1 $0x1082;
	[sflag:s4] =	ssyncset.s32 $0xFFFFF086  }
0x25: {  	[simem:s6], [sflag:s4] =	dma.local [hbm:s3], $0xF7A  }
0x26: {  	[smem:$0x3F99] =	sst s1;
	(tag) =	ssettag s2;
	_ =	strace s9  }
0x27: {  	s1 =	sld [smem:$0x3FA9]  }
0x28: {  	s2 =	sld [smem:$0x3FAA]  }
0x29: {  	s4 =	sld [smem:$0x3FAC]  }
0x2a: {  	p0 =	seq.s32 s5, $0x0;
	s5 =	sld [smem:$0x3FAD]  }
0x2b: {  	s6 =	sld [smem:$0x3FAE]  }
0x2c: {  	s7 =	sld [smem:$0x3FAF]  }
0x2d: {  	s3 =	simm.s32 $0x108;
	s8 =	sld [smem:$0x3FB0]  }
0x2e: {  	s3 =	simm.s32 @!p0 $0x1082;
	s9 =	sld [smem:$0x3FB1]  }
0x2f: {  	lr =	sadd.s32 s0, s3;
	s0 =	sld [smem:$0x3FA8]  }
0x30: {  	s3 =	sld [smem:$0x3FAB]  }
0x31: {  	[smem:$0x3FB4] =	sst s10  }
0x32: {  	s10 =	sld [smem:$0x3FB2];
	_ =	sdelay $0x3  }
0x33: {  	p0 =	seq.s32 s10, $0x1;
	s10 =	sld [smem:$0x3FB4];
	_ =	sdelay $0x3  }
0x34: {  	[smem:$0x3FB4] =	sst s10  }
0x35: {  	s10 =	sld [smem:$0x3FB3];
	_ =	sdelay $0x3  }
0x36: {  	p1 =	seq.s32 s10, $0x1;
	s10 =	sld [smem:$0x3FB4];
	_ =	sdelay $0x3  }
0x37: {  	[smem:$0x3FB4] =	sst s10  }
0x38: {  	s10 =	sld [smem:$0x3FB5]  }
0x39: {  	_ = 	snop;
	(pc) =	sbr.ind lr, $3  }
0x3a: {  	_ = 	snop  }
0x3b: {  	_ = 	snop  }
0x3c: {  	p2 =	seq.s32 s10, $0x1;
	s10 =	sld [smem:$0x3FB4]  }
0x3d: {  	_ =	shalt  }
0x3e: {  	_ =	shalt  }
0x3f: {  	_ =	shalt  }
0x40: {  	_ =	shalt  }
0x41: {  	_ =	shalt  }
0x42: {  	_ =	shalt  }
0x43: {  	_ =	shalt  }
0x44: {  	_ =	shalt  }
0x45: {  	_ =	shalt  }
0x46: {  	_ =	shalt  }
0x47: {  	_ =	shalt  }
0x48: {  	_ =	shalt  }
0x49: {  	_ =	shalt  }
0x4a: {  	_ =	shalt  }
0x4b: {  	_ =	shalt  }
0x4c: {  	_ =	shalt  }
0x4d: {  	_ =	shalt  }
0x4e: {  	_ =	shalt  }
0x4f: {  	_ =	shalt  }
0x50: {  	_ =	shalt  }
0x51: {  	_ =	shalt  }
0x52: {  	_ =	shalt  }
0x53: {  	_ =	shalt  }
0x54: {  	_ =	shalt  }
0x55: {  	_ =	shalt  }
0x56: {  	_ =	shalt  }
0x57: {  	_ =	shalt  }
0x58: {  	_ =	shalt  }
0x59: {  	_ =	shalt  }
0x5a: {  	_ =	shalt  }
0x5b: {  	_ =	shalt  }
0x5c: {  	_ =	shalt  }
0x5d: {  	_ =	shalt  }
0x5e: {  	_ =	shalt  }
0x5f: {  	_ =	shalt  }
0x60: {  	_ =	shalt  }
0x61: {  	_ =	shalt  }
0x62: {  	_ =	shalt  }
0x63: {  	_ =	shalt  }
0x64: {  	_ =	shalt  }
0x65: {  	_ =	shalt  }
0x66: {  	_ =	shalt  }
0x67: {  	_ =	shalt  }
0x68: {  	_ =	shalt  }
0x69: {  	_ =	shalt  }
0x6a: {  	_ =	shalt  }
0x6b: {  	_ =	shalt  }
0x6c: {  	_ =	shalt  }
0x6d: {  	_ =	shalt  }
0x6e: {  	_ =	shalt  }
0x6f: {  	_ =	shalt  }
0x70: {  	_ =	shalt  }
0x71: {  	_ =	shalt  }
0x72: {  	_ =	shalt  }
0x73: {  	_ =	shalt  }
0x74: {  	_ =	shalt  }
0x75: {  	_ =	shalt  }
0x76: {  	_ =	shalt  }
0x77: {  	_ =	shalt  }
0x78: {  	_ =	shalt  }
0x79: {  	_ =	shalt  }
0x7a: {  	_ =	shalt  }
0x7b: {  	_ =	shalt  }
0x7c: {  	_ =	shalt  }
0x7d: {  	_ =	shalt  }
0x7e: {  	_ =	shalt  }
0x7f: {  	_ =	shalt  }
0x80: {  	_ =	shalt  }
0x81: {  	_ =	shalt  }
0x82: {  	_ =	shalt  }
0x83: {  	_ =	shalt  }
0x84: {  	_ =	shalt  }
0x85: {  	_ =	shalt  }
0x86: {  	_ =	shalt  }
0x87: {  	_ =	shalt  }
.Lfunc_end0:
.L_simem_size_0:
called_computation_lowered:
.L_overlay_start_0:
0x88: {  	s2 =	sld [smem:$0x3FD9]  }
0x89: {  	s3 =	sld [smem:$0x3FFE];
	_ =	sdelay $0x1  }
0x8a: {  	s1 =	srdreg.scid  }
0x8b: {  	s0 =	sand.u32 $0x1, s1  }
0x8c: {  	s17 =	sshll.u32 s0, $0xA;
	s2 =	sadd.s32 s3, s2  }
0x8d: {  	s2 =	sadd.s32 s2, s17  }
0x8e: {  	[smem:$0x3FC0] =	sst s2  }
0x8f: {  	_ = 	snop  }
0x90: {  	s2 =	sld [smem:$0x3FC9];
	(tm) =	ssettm $0x1  }
0x91: {  	s18 =	sld [smem:$0x3FFB];
	_ =	sdelay $0x3  }
0x92: {  	_ =	strace s18  }
0x93: {  	s3 =	sld [smem:$0x3FFC];
	_ =	sdelay $0x3  }
0x94: {  	_ =	strace s3  }
0x95: {  	s3 =	sld [smem:$0x3FFD];
	_ =	sdelay $0x3  }
0x96: {  	_ =	strace s3  }
0x97: {  	_ =	strace $0x8FFFFFFF  }
0x98: {  	s19 =	sld [smem:$0x3FDB];
	_ =	sdelay $0x1  }
0x99: {  	s4 =	simm.s32 $_scs_section_size  }
0x9a: {  	s5 =	simm.s32 $_size__tile_overlayer_lowered;
	s6 =	simm.s32 $_tile_overlayer_lowered  }
0x9b: {  	s22 =	simm.s32 $0x1BFF;
	s21 =	sshll.u32 s6, $0x1;
	s3 =	sadd.s32 s4, s19  }
0x9c: {  	s7 =	simm.s32 $0x0;
	s20 =	sshll.u32 s5, $0x1;
	s5 =	sadd.s32 s21, s3  }
0x9d: {  	[timem:s7], [sflag:s22] =	dma.local [hbm:s5], s20  }
0x9e: {  	_ =	swait.ge [sflag:s22], s20  }
0x9f: {  	s4 =	ssub.s32 $0x0, s20;
	[sflag:s22] =	ssyncset.done $0x0  }
0xa0: {  	[sflag:s22] =	ssyncadd.s32 s4;
	_ =	sdelay $0x1  }
0xa1: {  	s23 =	simm.s32 $0x1B8B  }
0xa2: {  	_ =	swait.ge [sflag:s23], $0x1  }
0xa3: {  	[sflag:s23] =	ssyncset.done $0x0  }
0xa4: {  	s25 =	simm.s32 $0x1B8E;
	s24 =	sld [smem:$0x3FFE];
	[sflag:s23] =	ssyncadd.s32 $0xFFFFFFFF  }
0xa5: {  	s26 =	simm.s32 $execute0_lowered;
	[smem:$0x3FD2] =	sst s25  }
0xa6: {  	s5 =	sshll.u32 s26, $0x1;
	_ =	strace $0x80000046;
	[dreg:$0x1] =	wrdreg $0xFFFFFFFF  }
0xa7: {  	s28 =	simm.s32 $_size_execute0_lowered;
	s3 =	sadd.s32 s3, s5;
	[dreg:$0x0] =	wrdreg $0x0  }
0xa8: {  	s5 =	sshll.u32 s28, $0x1;
	[dreg:$0x2] =	wrdreg s3  }
0xa9: {  	[dreg:$0x3] =	wrdreg s5  }
0xaa: {  	[dreg:$0x4] =	wrdreg $0xC0  }
0xab: {  	_ =	task [dreg:s7], $0x5FFFF  }
0xac: {  	[dreg:$0x1] =	wrdreg $0xFFFFFFFF  }
0xad: {  	[dreg:$0x0] =	wrdreg $0x60  }
0xae: {  	[dreg:$0x2] =	wrdreg s24  }
0xaf: {  	[dreg:$0x3] =	wrdreg s2  }
0xb0: {  	[dreg:$0x4] =	wrdreg $0xBF800  }
0xb1: {  	[dreg:$0x5] =	wrdreg $0x9  }
0xb2: {  	_ =	task.clear_ibuf [dreg:s7], $0x6FFFF;
	_ =	strace $0x90000046  }
0xb3: {  	s29 =	simm.s32 $0x9;
	_ =	strace $0x80000048  }
0xb4: {  	_ =	swait.ge [sflag:s29], $0x1  }
0xb5: {  	[sflag:s29] =	ssyncadd.s32 $0xFFFFFFFF  }
0xb6: {  	_ =	strace $0x90000048  }
0xb7: {  	_ =	sfence  }
0xb8: {  	s30 =	sld [smem:$0x0];
	_ =	sdelay $0x2  }
0xb9: {  	s31 =	sshll.u32 s1, $0xD;
	s1 =	sshrl.u32 s1, $0x2  }
0xba: {  	s3 =	sand.u32 $0x4000, s31;
	s1 =	sadd.s32 s1, s30  }
0xbb: {  	s0 =	sor.u32 s3, s0;
	s1 =	sshll.u32 s1, $0x11  }
0xbc: {  	s0 =	sor.u32 s1, s0  }
0xbd: {  	s0 =	sadd.s32 $0x8F2B, s0  }
0xbe: {  	[sflag:s0] =	ssyncadd.remote.s32 $0x1  }
0xbf: {  	_ =	sfence.sel $0xFFFF  }
0xc0: {  	[dreg:$0x0] =	wrdreg $0xFFFFFFFF;
	(pc) =	sbr.abs _section_cstart, $3  }
0xc1: {  	[dreg:$0x1] =	wrdreg $0xFFFFFFFF  }
0xc2: {  	_ =	task.clear_ibuf [dreg:s7], $0x2FFFF;
	_ =	strace $0x9FFFFFFF  }
0xc3: {  	(tm) =	ssettm $0x7FFFFFFF  }
tec
execute0_lowered:
.L_overlay_start_1:
0x0: {  	(tag) =	ssettag $0x1  }
0x1: {  	s0 =	rddreg [dreg:$0x0]  }
0x2: {  	s2 =	rddreg [dreg:$0x1]  }
0x3: {  	s1 =	srdreg.scid;
	s3 =	rddreg [dreg:$0x2]  }
0x4: {  	s11 =	stileid.u32;
	s23 =	simm.s32 $0x0;
	s28 =	simm.s32 $0x1000  }
0x5: {  	s29 =	simm.s32 $0x2000;
	s30 =	simm.s32 $0x4;
	s31 =	simm.s32 $0x1  }
0x6: {  	s1 =	sand.u32 $0x1, s1;
	[smem:$0x7FF] =	sst s23;
	s8 =	smul.u32 $0x4E000, s11  }
0x7: {  	s6 =	sadd.s32 $0x2C00, s0;
	s25 =	sadd.s32 $0x2AC00, s0;
	s15 =	smul.u32 $0x13800, s11  }
0x8: {  	p0 =	sne.s32 s11, $0xF;
	s4 =	sshll.u32 s1, $0x4;
	s8 =	sshrl.u32 s8, $0x2  }
0x9: {  	_ =	strace $0x80000047;
	s26 =	ssub.s32 $0x2, s1;
	s24 =	sadd.s32 s8, s3  }
0xa: {  	s1 =	smul.u32 $0x138800, s1;
	s8 =	sadd.s32 $0x1800, s24;
	[dreg:$0x6] =	wrdreg s24  }
0xb: {  	s4 =	sor.u32 s11, s4;
	s12 =	sadd.s32 $0x3000, s24;
	[dreg:$0x7] =	wrdreg s8  }
0xc: {  	s10 =	sshrl.u32 s26, $0x1;
	s13 =	sadd.s32 $0x4800, s24;
	[dreg:$0x8] =	wrdreg s12  }
0xd: {  	s11 =	simm.s32 $0x9800;
	s14 =	sadd.s32 $0x6000, s24;
	[dreg:$0x9] =	wrdreg s13  }
0xe: {  	s7 =	smul.u32 $0x4F0, s4;
	s16 =	sadd.s32 $0x7800, s24;
	[dreg:$0xa] =	wrdreg s14  }
0xf: {  	s5 =	smul.u32 $0x5000, s4;
	s17 =	sadd.s32 $0x9000, s24;
	[dreg:$0xb] =	wrdreg s16  }
0x10: {  	s18 =	sadd.s32 $0xA800, s24;
	s19 =	sadd.s32 $0xC000, s24;
	[dreg:$0xc] =	wrdreg s17  }
0x11: {  	s20 =	sadd.s32 $0xD800, s24;
	s21 =	sadd.s32 $0xF000, s24;
	[dreg:$0xd] =	wrdreg s18  }
0x12: {  	s22 =	sadd.s32 $0x10800, s24;
	s0 =	sadd.s32 s7, s0;
	[dreg:$0xe] =	wrdreg s19  }
0x13: {  	s9 =	sshrl.u32 s5, $0x3;
	s7 =	ssub.s32 s26, s10;
	[dreg:$0xf] =	wrdreg s20  }
0x14: {  	s8 =	sadd.s32 s15, s1;
	[dreg:$0x10] =	wrdreg s21;
	s1 =	sshrl.u32 s1, $0x3  }
0x15: {  	[dreg:$0x11] =	wrdreg s22;
	s10 =	simm.s32 $0x4800;
	s12 =	simm.s32 $0x100  }
0x16: {  	s13 =	simm.s32 $0x7000;
	s14 =	simm.s32 $0x1080;
	s15 =	simm.s32 $0x3  }
0x17: {  	s16 =	simm.s32 $0x1100;
	s17 =	simm.s32 $0x5;
	s18 =	simm.s32 $0x200  }
0x18: {  	s19 =	simm.s32 $0x6;
	s20 =	simm.s32 $0x1C00;
	s9 =	sadd.s32 s6, s9  }
0x19: {  	s21 =	simm.s32 $0x7;
	s0 =	sadd.s32 $0x78E00, s0;
	[dreg:$0x4] =	wrdreg s9  }
0x1a: {  	s22 =	simm.s32 $0x0;
	s26 =	smax.u32 s7, $0x1;
	[dreg:$0x15] =	wrdreg s0  }
0x1b: {  	s8 =	sshrl.u32 s8, $0x3;
	s9 =	sadd.s32 $0x14000, s9;
	[dreg:$0x16] =	wrdreg s26  }
.Ltmp0:
0x1c: {  	s8 =	sadd.s32 s25, s8;
	[dreg:$0x5] =	wrdreg s9;
	(pc) =	sbr.rel .LBB2_1-.Ltmp0, $4  }
0x1d: {  	s1 =	sadd.s32 s25, s1;
	s25 =	sadd.s32 $0x12000, s24;
	[dreg:$0x12] =	wrdreg s8  }
0x1e: {  	s7 =	simm.s32 $0x180;
	s1 =	sadd.s32 $0x27000, s1;
	[dreg:$0x13] =	wrdreg s25  }
0x1f: {  	s0 =	simm.s32 $0x2;
	[dreg:$0x14] =	wrdreg s1;
	s25 =	sadd.s32 $0x138000, s3  }
0x20: {  	v0 =	vimm.f32 $0.0e+00;
	v1 =	vimm.f32 $1.000000000e+00;
	s1 =	simm.s32 $0x50;
	s8 =	simm.s32 $0x80;
	[dreg:$0x17] =	wrdreg s25  }
.LBB2_10:
0x21: {  	s4 =	stileid.u32;
	[bflag:$0x0] =	sbarrier.arrive $0xFFFF  }
0x22: {  	s4 =	sshll.u32 s4, $0x6;
	s24 =	rddreg [dreg:$0x6]  }
0x23: {  	s23 =	rddreg [dreg:$0x12];
	s4 =	sor.u32 $0x1C07, s4;
	s9 =	sshrl.u32 s24, $0x3  }
0x24: {  	[hbm:s23], [sflag:s4] =	dma.local [spmem:s9], $0x2700  }
0x25: {  	_ =	swait.ge [sflag:s21], $0x2700  }
0x26: {  	[sflag:s21] =	ssyncset.done $0x0;
	s25 =	rddreg [dreg:$0x17]  }
0x27: {  	s23 =	rddreg [dreg:$0x14];
	[sflag:s21] =	ssyncadd.s32 $0xFFFFD900;
	s9 =	sshrl.u32 @!p0 s25, $0x3  }
0x28: {  	[hbm:s23], [sflag:s4] =	dma.local @!p0 [spmem:s9], $0x100  }
0x29: {  	s4 =	simm.s32 @!p0 $0x7  }
0x2a: {  	_ =	swait.ge @!p0 [sflag:s4], $0x100  }
0x2b: {  	[sflag:s4] =	ssyncset.done @!p0 $0x0  }
0x2c: {  	s23 =	simm.s32 $0x0;
	s9 =	rddreg [dreg:$0x15];
	[sflag:s4] =	ssyncadd.s32 @!p0 $0xFFFFFF00  }
0x2d: {  	[hbm4b:s9+s23] =	stream.linear.scatter [tilespmem:s11], [sflag:$0x7], $0x2780, $0x38;
	[tilespmem:$0x1F800] =	vst v63  }
0x2e: {  	_ =	swait.ge [sflag:s21], $0x2780  }
0x2f: {  	s22 =	sadd.s32 $0x1, s22;
	s26 =	rddreg [dreg:$0x16]  }
0x30: {  	p1 =	sne.s32 s22, s26  }
.Ltmp1:
0x31: {  	_ = 	snop;
	(pc) =	sbr.rel @!p1 .LBB2_11-.Ltmp1, $3  }
0x32: {  	_ =	sdelay $0x1  }
0x33: {  	[sflag:s21] =	ssyncset.done $0x0  }
0x34: {  	[sflag:s21] =	ssyncadd.s32 $0xFFFFD880  }
.LBB2_1:
0x35: {  	s4 =	rddreg [dreg:$0x4]  }
0x36: {  	[tilespmem:s23], [sflag:$0x1] =	stream.linear.gather [hbm4b:s4+s23], $0xC80, $0x38;
	[tilespmem:$0x1F800] =	vst v63  }
0x37: {  	s26 =	rddreg [dreg:$0x5]  }
0x38: {  	[tilespmem:s28], [sflag:$0x2] =	stream.linear.gather [hbm4b:s26+s23], $0xC80, $0x38;
	[tilespmem:$0x1F800] =	vst v63  }
0x39: {  	s4 =	simm.s32 $0x0;
	s23 =	simm.s32 $0x200  }
.LBB2_2:
0x3a: {  	p1 =	sne.s32 s23, $0x5E00;
	[tilespmem:s4+$0x2070] =	vst v0  }
0x3b: {  	[tilespmem:s4+$0x2000] =	vst v0  }
0x3c: {  	[tilespmem:s4+$0x2010] =	vst v0  }
.Ltmp2:
0x3d: {  	[tilespmem:s4+$0x2020] =	vst v0;
	(pc) =	sbr.rel @p1 .LBB2_2-.Ltmp2, $4  }
0x3e: {  	[tilespmem:s4+$0x2030] =	vst v0  }
0x3f: {  	[tilespmem:s4+$0x2040] =	vst v0  }
0x40: {  	[tilespmem:s4+$0x2050] =	vst v0  }
0x41: {  	[tilespmem:s4+$0x2060] =	vst v0;
	s4 =	sshra.s32 s23, $0x2;
	s23 =	sadd.s32 $0x200, s23  }
0x42: {  	[tilespmem:s4+$0x2070] =	vst v0  }
0x43: {  	[tilespmem:s4+$0x2000] =	vst v0  }
0x44: {  	[tilespmem:s4+$0x2010] =	vst v0  }
0x45: {  	[tilespmem:s4+$0x2020] =	vst v0  }
0x46: {  	[tilespmem:s4+$0x2030] =	vst v0  }
0x47: {  	[tilespmem:s4+$0x2040] =	vst v0  }
0x48: {  	[tilespmem:s4+$0x2050] =	vst v0  }
0x49: {  	[tilespmem:s4+$0x2060] =	vst v0  }
0x4a: {  	[spmem:s24] =	stream.linear.scatter [tilespmem:s29], [sflag:$0x4], $0x1800, $0x38;
	[tilespmem:$0x1F800] =	vst v63  }
0x4b: {  	s9 =	rddreg [dreg:$0x7]  }
0x4c: {  	[spmem:s9] =	stream.linear.scatter [tilespmem:s29], [sflag:$0x4], $0x1800, $0x38;
	[tilespmem:$0x1F800] =	vst v63  }
0x4d: {  	s23 =	rddreg [dreg:$0x8]  }
0x4e: {  	[spmem:s23] =	stream.linear.scatter [tilespmem:s29], [sflag:$0x4], $0x1800, $0x38;
	[tilespmem:$0x1F800] =	vst v63  }
0x4f: {  	s24 =	rddreg [dreg:$0x9]  }
0x50: {  	[spmem:s24] =	stream.linear.scatter [tilespmem:s29], [sflag:$0x4], $0x1800, $0x38;
	[tilespmem:$0x1F800] =	vst v63  }
0x51: {  	s26 =	rddreg [dreg:$0xa]  }
0x52: {  	[spmem:s26] =	stream.linear.scatter [tilespmem:s29], [sflag:$0x4], $0x1800, $0x38;
	[tilespmem:$0x1F800] =	vst v63  }
0x53: {  	s9 =	rddreg [dreg:$0xb]  }
0x54: {  	[spmem:s9] =	stream.linear.scatter [tilespmem:s29], [sflag:$0x4], $0x1800, $0x38;
	[tilespmem:$0x1F800] =	vst v63  }
0x55: {  	s23 =	rddreg [dreg:$0xc]  }
0x56: {  	[spmem:s23] =	stream.linear.scatter [tilespmem:s29], [sflag:$0x4], $0x1800, $0x38;
	[tilespmem:$0x1F800] =	vst v63  }
0x57: {  	s24 =	rddreg [dreg:$0xd]  }
0x58: {  	[spmem:s24] =	stream.linear.scatter [tilespmem:s29], [sflag:$0x4], $0x1800, $0x38;
	[tilespmem:$0x1F800] =	vst v63  }
0x59: {  	s26 =	rddreg [dreg:$0xe]  }
0x5a: {  	[spmem:s26] =	stream.linear.scatter [tilespmem:s29], [sflag:$0x4], $0x1800, $0x38;
	[tilespmem:$0x1F800] =	vst v63  }
0x5b: {  	s9 =	rddreg [dreg:$0xf]  }
0x5c: {  	[spmem:s9] =	stream.linear.scatter [tilespmem:s29], [sflag:$0x4], $0x1800, $0x38;
	[tilespmem:$0x1F800] =	vst v63  }
0x5d: {  	s23 =	rddreg [dreg:$0x10]  }
0x5e: {  	[spmem:s23] =	stream.linear.scatter [tilespmem:s29], [sflag:$0x4], $0x1800, $0x38;
	[tilespmem:$0x1F800] =	vst v63  }
0x5f: {  	s24 =	rddreg [dreg:$0x11]  }
0x60: {  	[spmem:s24] =	stream.linear.scatter [tilespmem:s29], [sflag:$0x4], $0x1800, $0x38;
	[tilespmem:$0x1F800] =	vst v63  }
0x61: {  	s26 =	rddreg [dreg:$0x13]  }
0x62: {  	[spmem:s26] =	stream.linear.scatter [tilespmem:s29], [sflag:$0x4], $0x1800, $0x38;
	[tilespmem:$0x1F800] =	vst v63  }
0x63: {  	s4 =	simm.s32 @!p0 $0x2000  }
0x64: {  	[spmem:s25] =	stream.linear.scatter @!p0 [tilespmem:s4], [sflag:$0x5], $0x800, $0x38;
	[tilespmem:$0x1F800] =	vst v63  }
0x65: {  	s23 =	simm.s32 $0x0;
	s4 =	simm.s32 $0x40  }
.LBB2_4:
0x66: {  	p1 =	sne.s32 s4, $0x9C00;
	[tilespmem:s23+$0x9800] =	vst v0;
	s23 =	smov.u32 s4;
	s4 =	sadd.s32 $0x40, s4  }
.Ltmp3:
0x67: {  	(pc) =	sbr.rel @p1 .LBB2_4-.Ltmp3, $2  }
0x68: {  	_ =	sdelay $0x2  }
0x69: {  	s23 =	sshra.s32 s23, $0x2  }
0x6a: {  	[tilespmem:s23+$0x9800] =	vst v0  }
0x6b: {  	_ =	swait.ge [sflag:s30], $0x1800  }
0x6c: {  	[sflag:s30] =	ssyncset.done $0x0  }
0x6d: {  	[sflag:s30] =	ssyncadd.s32 $0xFFFFE800  }
0x6e: {  	_ =	swait.ge [sflag:s30], $0x1800  }
0x6f: {  	[sflag:s30] =	ssyncset.done $0x0  }
0x70: {  	[sflag:s30] =	ssyncadd.s32 $0xFFFFE800  }
0x71: {  	_ =	swait.ge [sflag:s30], $0x1800  }
0x72: {  	[sflag:s30] =	ssyncset.done $0x0  }
0x73: {  	[sflag:s30] =	ssyncadd.s32 $0xFFFFE800  }
0x74: {  	_ =	swait.ge [sflag:s30], $0x1800  }
0x75: {  	[sflag:s30] =	ssyncset.done $0x0  }
0x76: {  	[sflag:s30] =	ssyncadd.s32 $0xFFFFE800  }
0x77: {  	_ =	swait.ge [sflag:s30], $0x1800  }
0x78: {  	[sflag:s30] =	ssyncset.done $0x0  }
0x79: {  	[sflag:s30] =	ssyncadd.s32 $0xFFFFE800  }
0x7a: {  	_ =	swait.ge [sflag:s30], $0x1800  }
0x7b: {  	[sflag:s30] =	ssyncset.done $0x0  }
0x7c: {  	[sflag:s30] =	ssyncadd.s32 $0xFFFFE800  }
0x7d: {  	_ =	swait.ge [sflag:s30], $0x1800  }
0x7e: {  	[sflag:s30] =	ssyncset.done $0x0  }
0x7f: {  	[sflag:s30] =	ssyncadd.s32 $0xFFFFE800  }
0x80: {  	_ =	swait.ge [sflag:s30], $0x1800  }
0x81: {  	[sflag:s30] =	ssyncset.done $0x0  }
0x82: {  	[sflag:s30] =	ssyncadd.s32 $0xFFFFE800  }
0x83: {  	_ =	swait.ge [sflag:s30], $0x1800  }
0x84: {  	[sflag:s30] =	ssyncset.done $0x0  }
0x85: {  	[sflag:s30] =	ssyncadd.s32 $0xFFFFE800  }
0x86: {  	_ =	swait.ge [sflag:s30], $0x1800  }
0x87: {  	[sflag:s30] =	ssyncset.done $0x0  }
0x88: {  	[sflag:s30] =	ssyncadd.s32 $0xFFFFE800  }
0x89: {  	_ =	swait.ge [sflag:s30], $0x1800  }
0x8a: {  	[sflag:s30] =	ssyncset.done $0x0  }
0x8b: {  	[sflag:s30] =	ssyncadd.s32 $0xFFFFE800  }
0x8c: {  	_ =	swait.ge [sflag:s30], $0x1800  }
0x8d: {  	[sflag:s30] =	ssyncset.done $0x0  }
0x8e: {  	[sflag:s30] =	ssyncadd.s32 $0xFFFFE800  }
0x8f: {  	_ =	swait.ge [sflag:s30], $0x1800  }
0x90: {  	[sflag:s30] =	ssyncset.done $0x0  }
0x91: {  	s4 =	simm.s32 @!p0 $0x5;
	[sflag:s30] =	ssyncadd.s32 $0xFFFFE800  }
0x92: {  	_ =	swait.ge @!p0 [sflag:s4], $0x800  }
0x93: {  	[sflag:s4] =	ssyncset.done @!p0 $0x0  }
0x94: {  	[sflag:s4] =	ssyncadd.s32 @!p0 $0xFFFFF800  }
0x95: {  	_ =	swait.ge [sflag:s31], $0xC80  }
0x96: {  	[sflag:s31] =	ssyncset.done $0x0  }
0x97: {  	[sflag:s31] =	ssyncadd.s32 $0xFFFFF380  }
.Ltmp4:
0x98: {  	_ =	swait.ge [sflag:s0], $0xC80;
	(pc) =	sbr.rel .LBB2_6-.Ltmp4, $4  }
0x99: {  	[sflag:s0] =	ssyncset.done $0x0  }
0x9a: {  	[sflag:s0] =	ssyncadd.s32 $0xFFFFF380  }
0x9b: {  	[bflag:$0x0] =	sbarrier.arrive $0xFFFF  }
0x9c: {  	s23 =	simm.s32 $0x0;
	s24 =	simm.s32 $0x0  }
.LBB2_9:
0x9d: {  	_ =	swait.ge [sflag:s31], $0x2800  }
0x9e: {  	[sflag:s31] =	ssyncset.done $0x0  }
0x9f: {  	[sflag:s31] =	ssyncadd.s32 $0xFFFFD800  }
0xa0: {  	[spmem:s3] =	stream.indirect.scatter.add.f32 [tilespmem:s29], [sflag:$0x4], $0x80, s20, s1, $0xb8;
	[tilespmem:$0x1F800] =	vst v63  }
0xa1: {  	v2 =	vld [tilespmem:$0x1C00];
	_ =	sdelay $0x7  }
0xa2: {  	[tilespmem:v2+s11+$0x0] =	vst.idx.add.f32.msk $0xffff, v1  }
0xa3: {  	v2 =	vld [tilespmem:$0x1C10];
	_ =	sdelay $0x7  }
0xa4: {  	[tilespmem:v2+s11+$0x0] =	vst.idx.add.f32.msk $0xffff, v1  }
0xa5: {  	v2 =	vld [tilespmem:$0x1C20];
	_ =	sdelay $0x7  }
0xa6: {  	[tilespmem:v2+s11+$0x0] =	vst.idx.add.f32.msk $0xffff, v1  }
0xa7: {  	v2 =	vld [tilespmem:$0x1C30];
	_ =	sdelay $0x7  }
0xa8: {  	[tilespmem:v2+s11+$0x0] =	vst.idx.add.f32.msk $0xffff, v1  }
0xa9: {  	v2 =	vld [tilespmem:$0x1C40];
	_ =	sdelay $0x7  }
0xaa: {  	s24 =	sadd.s32 $0x1, s24;
	[tilespmem:v2+s11+$0x0] =	vst.idx.add.f32.msk $0xffff, v1  }
0xab: {  	p1 =	sne.s32 s24, $0x5;
	_ =	swait.ge [sflag:s19], $0x2800  }
.Ltmp5:
0xac: {  	[sflag:s19] =	ssyncset.done $0x0;
	(pc) =	sbr.rel @!p1 .LBB2_10-.Ltmp5, $4  }
0xad: {  	[sflag:s19] =	ssyncadd.s32 $0xFFFFD800  }
0xae: {  	_ =	swait.ge [sflag:s30], $0x2800  }
0xaf: {  	[sflag:s30] =	ssyncset.done $0x0  }
0xb0: {  	[sflag:s30] =	ssyncadd.s32 $0xFFFFD800  }
.LBB2_6:
0xb1: {  	p1 =	seq.s32 s24, $0x0  }
0xb2: {  	s4 =	sshll.u32 @!p1 s24, $0xC  }
0xb3: {  	s4 =	sadd.s32 @!p1 s5, s4  }
0xb4: {  	s4 =	sshrl.u32 @!p1 s4, $0x3  }
0xb5: {  	s25 =	simm.s32 @!p1 $0x0;
	s26 =	simm.s32 @!p1 $0x7;
	s4 =	sadd.s32 @!p1 s6, s4  }
0xb6: {  	[tilespmem:s25], [sflag:$0x7] =	stream.linear.gather @!p1 [hbm4b:s4+s25], $0xC80, $0x38;
	[tilespmem:$0x1F800] =	vst v63  }
0xb7: {  	_ =	swait.ge @!p1 [sflag:s26], $0xC80  }
0xb8: {  	[sflag:s26] =	ssyncset.done @!p1 $0x0  }
0xb9: {  	s9 =	simm.s32 @!p1 $0x1000;
	s4 =	sadd.s32 @!p1 $0x14000, s4;
	[sflag:s26] =	ssyncadd.s32 @!p1 $0xFFFFF380  }
0xba: {  	[tilespmem:s9], [sflag:$0x7] =	stream.linear.gather @!p1 [hbm4b:s4+s25], $0xC80, $0x38;
	[tilespmem:$0x1F800] =	vst v63  }
0xbb: {  	_ =	swait.ge @!p1 [sflag:s26], $0xC80  }
0xbc: {  	[sflag:s26] =	ssyncset.done @!p1 $0x0  }
0xbd: {  	[sflag:s26] =	ssyncadd.s32 @!p1 $0xFFFFF380  }
0xbe: {  	[tilespmem:s29], [sflag:$0x1] =	stream.indirect.gather [hbm4b:s2+s1], $0x80, s23, s1, $0xb8;
	[tilespmem:$0x1F800] =	vst v63  }
0xbf: {  	_ = 	snop  }
0xc0: {  	[tilespmem:s10], [sflag:$0x2] =	stream.indirect.gather [hbm4b:s2+s1], $0x80, s8, s1, $0xb8;
	[tilespmem:$0x1F800] =	vst v63  }
0xc1: {  	_ =	swait.ge [sflag:s31], $0x2800  }
0xc2: {  	[sflag:s31] =	ssyncset.done $0x0  }
0xc3: {  	[sflag:s31] =	ssyncadd.s32 $0xFFFFD800  }
0xc4: {  	[spmem:s3] =	stream.indirect.scatter.add.f32 [tilespmem:s29], [sflag:$0x4], $0x80, s28, s1, $0xb8;
	[tilespmem:$0x1F800] =	vst v63  }
0xc5: {  	v2 =	vld [tilespmem:$0x1000];
	_ =	sdelay $0x7  }
0xc6: {  	[tilespmem:v2+s11+$0x0] =	vst.idx.add.f32.msk $0xffff, v1  }
0xc7: {  	v2 =	vld [tilespmem:$0x1010];
	_ =	sdelay $0x7  }
0xc8: {  	[tilespmem:v2+s11+$0x0] =	vst.idx.add.f32.msk $0xffff, v1  }
0xc9: {  	v2 =	vld [tilespmem:$0x1020];
	_ =	sdelay $0x7  }
0xca: {  	[tilespmem:v2+s11+$0x0] =	vst.idx.add.f32.msk $0xffff, v1  }
0xcb: {  	v2 =	vld [tilespmem:$0x1030];
	_ =	sdelay $0x7  }
0xcc: {  	[tilespmem:v2+s11+$0x0] =	vst.idx.add.f32.msk $0xffff, v1  }
0xcd: {  	v2 =	vld [tilespmem:$0x1040];
	_ =	sdelay $0x7  }
0xce: {  	[tilespmem:v2+s11+$0x0] =	vst.idx.add.f32.msk $0xffff, v1  }
0xcf: {  	[tilespmem:s13], [sflag:$0x3] =	stream.indirect.gather [hbm4b:s2+s1], $0x80, s12, s1, $0xb8;
	[tilespmem:$0x1F800] =	vst v63  }
0xd0: {  	_ =	swait.ge [sflag:s0], $0x2800  }
0xd1: {  	[sflag:s0] =	ssyncset.done $0x0  }
0xd2: {  	[sflag:s0] =	ssyncadd.s32 $0xFFFFD800  }
0xd3: {  	[spmem:s3] =	stream.indirect.scatter.add.f32 [tilespmem:s10], [sflag:$0x5], $0x80, s14, s1, $0xb8;
	[tilespmem:$0x1F800] =	vst v63  }
0xd4: {  	v2 =	vld [tilespmem:$0x1080];
	_ =	sdelay $0x7  }
0xd5: {  	[tilespmem:v2+s11+$0x0] =	vst.idx.add.f32.msk $0xffff, v1  }
0xd6: {  	v2 =	vld [tilespmem:$0x1090];
	_ =	sdelay $0x7  }
0xd7: {  	[tilespmem:v2+s11+$0x0] =	vst.idx.add.f32.msk $0xffff, v1  }
0xd8: {  	v2 =	vld [tilespmem:$0x10A0];
	_ =	sdelay $0x7  }
0xd9: {  	[tilespmem:v2+s11+$0x0] =	vst.idx.add.f32.msk $0xffff, v1  }
0xda: {  	v2 =	vld [tilespmem:$0x10B0];
	_ =	sdelay $0x7  }
0xdb: {  	[tilespmem:v2+s11+$0x0] =	vst.idx.add.f32.msk $0xffff, v1  }
0xdc: {  	v2 =	vld [tilespmem:$0x10C0];
	_ =	sdelay $0x7  }
0xdd: {  	[tilespmem:v2+s11+$0x0] =	vst.idx.add.f32.msk $0xffff, v1  }
0xde: {  	_ =	swait.ge [sflag:s30], $0x2800  }
0xdf: {  	[sflag:s30] =	ssyncset.done $0x0  }
0xe0: {  	[sflag:s30] =	ssyncadd.s32 $0xFFFFD800  }
0xe1: {  	[tilespmem:s29], [sflag:$0x1] =	stream.indirect.gather [hbm4b:s2+s1], $0x80, s7, s1, $0xb8;
	[tilespmem:$0x1F800] =	vst v63  }
0xe2: {  	_ =	swait.ge [sflag:s15], $0x2800  }
0xe3: {  	[sflag:s15] =	ssyncset.done $0x0  }
0xe4: {  	[sflag:s15] =	ssyncadd.s32 $0xFFFFD800  }
0xe5: {  	[spmem:s3] =	stream.indirect.scatter.add.f32 [tilespmem:s13], [sflag:$0x6], $0x80, s16, s1, $0xb8;
	[tilespmem:$0x1F800] =	vst v63  }
0xe6: {  	v2 =	vld [tilespmem:$0x1100];
	_ =	sdelay $0x7  }
0xe7: {  	[tilespmem:v2+s11+$0x0] =	vst.idx.add.f32.msk $0xffff, v1  }
0xe8: {  	v2 =	vld [tilespmem:$0x1110];
	_ =	sdelay $0x7  }
0xe9: {  	[tilespmem:v2+s11+$0x0] =	vst.idx.add.f32.msk $0xffff, v1  }
0xea: {  	v2 =	vld [tilespmem:$0x1120];
	_ =	sdelay $0x7  }
0xeb: {  	[tilespmem:v2+s11+$0x0] =	vst.idx.add.f32.msk $0xffff, v1  }
0xec: {  	v2 =	vld [tilespmem:$0x1130];
	_ =	sdelay $0x7  }
0xed: {  	[tilespmem:v2+s11+$0x0] =	vst.idx.add.f32.msk $0xffff, v1  }
0xee: {  	v2 =	vld [tilespmem:$0x1140];
	_ =	sdelay $0x7  }
0xef: {  	[tilespmem:v2+s11+$0x0] =	vst.idx.add.f32.msk $0xffff, v1  }
0xf0: {  	_ =	swait.ge [sflag:s17], $0x2800  }
0xf1: {  	[sflag:s17] =	ssyncset.done $0x0  }
0xf2: {  	s25 =	simm.s32 $0x0;
	[sflag:s17] =	ssyncadd.s32 $0xFFFFD800  }
0xf3: {  	[tilespmem:s10], [sflag:$0x2] =	stream.indirect.gather [hbm4b:s2+s1], $0x80, s18, s1, $0xb8;
	[tilespmem:$0x1F800] =	vst v63  }
.LBB2_7:
0xf4: {  	_ =	swait.ge [sflag:s31], $0x2800  }
0xf5: {  	s4 =	sshra.s32 s25, $0x2;
	[sflag:s31] =	ssyncset.done $0x0  }
0xf6: {  	s9 =	sadd.s32 $0x1180, s4;
	[sflag:s31] =	ssyncadd.s32 $0xFFFFD800  }
0xf7: {  	[spmem:s3] =	stream.indirect.scatter.add.f32 [tilespmem:s29], [sflag:$0x4], $0x80, s9, s1, $0xb8;
	[tilespmem:$0x1F800] =	vst v63  }
0xf8: {  	v2 =	vld [tilespmem:s4+$0x1180];
	_ =	sdelay $0x7  }
0xf9: {  	[tilespmem:v2+s11+$0x0] =	vst.idx.add.f32.msk $0xffff, v1  }
0xfa: {  	v2 =	vld [tilespmem:s4+$0x1190];
	_ =	sdelay $0x7  }
0xfb: {  	[tilespmem:v2+s11+$0x0] =	vst.idx.add.f32.msk $0xffff, v1  }
0xfc: {  	v2 =	vld [tilespmem:s4+$0x11A0];
	_ =	sdelay $0x7  }
0xfd: {  	[tilespmem:v2+s11+$0x0] =	vst.idx.add.f32.msk $0xffff, v1  }
0xfe: {  	v2 =	vld [tilespmem:s4+$0x11B0];
	_ =	sdelay $0x7  }
0xff: {  	[tilespmem:v2+s11+$0x0] =	vst.idx.add.f32.msk $0xffff, v1  }
0x100: {  	v2 =	vld [tilespmem:s4+$0x11C0];
	_ =	sdelay $0x7  }
0x101: {  	[tilespmem:v2+s11+$0x0] =	vst.idx.add.f32.msk $0xffff, v1  }
0x102: {  	_ =	swait.ge [sflag:s19], $0x2800  }
0x103: {  	[sflag:s19] =	ssyncset.done $0x0  }
0x104: {  	s26 =	sadd.s32 $0x280, s4;
	[sflag:s19] =	ssyncadd.s32 $0xFFFFD800  }
0x105: {  	[tilespmem:s13], [sflag:$0x3] =	stream.indirect.gather [hbm4b:s2+s1], $0x80, s26, s1, $0xb8;
	[tilespmem:$0x1F800] =	vst v63  }
0x106: {  	_ =	swait.ge [sflag:s0], $0x2800  }
0x107: {  	[sflag:s0] =	ssyncset.done $0x0  }
0x108: {  	s26 =	sadd.s32 $0x1200, s4;
	[sflag:s0] =	ssyncadd.s32 $0xFFFFD800  }
0x109: {  	[spmem:s3] =	stream.indirect.scatter.add.f32 [tilespmem:s10], [sflag:$0x5], $0x80, s26, s1, $0xb8;
	[tilespmem:$0x1F800] =	vst v63  }
0x10a: {  	v2 =	vld [tilespmem:s4+$0x1200];
	_ =	sdelay $0x7  }
0x10b: {  	[tilespmem:v2+s11+$0x0] =	vst.idx.add.f32.msk $0xffff, v1  }
0x10c: {  	v2 =	vld [tilespmem:s4+$0x1210];
	_ =	sdelay $0x7  }
0x10d: {  	[tilespmem:v2+s11+$0x0] =	vst.idx.add.f32.msk $0xffff, v1  }
0x10e: {  	v2 =	vld [tilespmem:s4+$0x1220];
	_ =	sdelay $0x7  }
0x10f: {  	[tilespmem:v2+s11+$0x0] =	vst.idx.add.f32.msk $0xffff, v1  }
0x110: {  	v2 =	vld [tilespmem:s4+$0x1230];
	_ =	sdelay $0x7  }
0x111: {  	[tilespmem:v2+s11+$0x0] =	vst.idx.add.f32.msk $0xffff, v1  }
0x112: {  	v2 =	vld [tilespmem:s4+$0x1240];
	_ =	sdelay $0x7  }
0x113: {  	[tilespmem:v2+s11+$0x0] =	vst.idx.add.f32.msk $0xffff, v1  }
0x114: {  	_ =	swait.ge [sflag:s30], $0x2800  }
0x115: {  	[sflag:s30] =	ssyncset.done $0x0  }
0x116: {  	s26 =	sadd.s32 $0x300, s4;
	[sflag:s30] =	ssyncadd.s32 $0xFFFFD800  }
0x117: {  	[tilespmem:s29], [sflag:$0x1] =	stream.indirect.gather [hbm4b:s2+s1], $0x80, s26, s1, $0xb8;
	[tilespmem:$0x1F800] =	vst v63  }
0x118: {  	_ =	swait.ge [sflag:s15], $0x2800  }
0x119: {  	[sflag:s15] =	ssyncset.done $0x0  }
0x11a: {  	s26 =	sadd.s32 $0x1280, s4;
	[sflag:s15] =	ssyncadd.s32 $0xFFFFD800  }
0x11b: {  	[spmem:s3] =	stream.indirect.scatter.add.f32 [tilespmem:s13], [sflag:$0x6], $0x80, s26, s1, $0xb8;
	[tilespmem:$0x1F800] =	vst v63  }
0x11c: {  	v2 =	vld [tilespmem:s4+$0x1280];
	_ =	sdelay $0x7  }
0x11d: {  	[tilespmem:v2+s11+$0x0] =	vst.idx.add.f32.msk $0xffff, v1  }
0x11e: {  	v2 =	vld [tilespmem:s4+$0x1290];
	_ =	sdelay $0x7  }
0x11f: {  	[tilespmem:v2+s11+$0x0] =	vst.idx.add.f32.msk $0xffff, v1  }
0x120: {  	v2 =	vld [tilespmem:s4+$0x12A0];
	_ =	sdelay $0x7  }
0x121: {  	[tilespmem:v2+s11+$0x0] =	vst.idx.add.f32.msk $0xffff, v1  }
0x122: {  	v2 =	vld [tilespmem:s4+$0x12B0];
	_ =	sdelay $0x7  }
0x123: {  	[tilespmem:v2+s11+$0x0] =	vst.idx.add.f32.msk $0xffff, v1  }
0x124: {  	v2 =	vld [tilespmem:s4+$0x12C0];
	_ =	sdelay $0x5  }
0x125: {  	p1 =	seq.s32 s25, $0x2400  }
.Ltmp6:
0x126: {  	_ = 	snop;
	(pc) =	sbr.rel @p1 .LBB2_9-.Ltmp6, $4  }
0x127: {  	[tilespmem:v2+s11+$0x0] =	vst.idx.add.f32.msk $0xffff, v1  }
0x128: {  	_ =	swait.ge [sflag:s17], $0x2800  }
0x129: {  	[sflag:s17] =	ssyncset.done $0x0  }
0x12a: {  	[sflag:s17] =	ssyncadd.s32 $0xFFFFD800  }
.Ltmp7:
0x12b: {  	(pc) =	sbr.rel .LBB2_7-.Ltmp7, $3  }
0x12c: {  	_ =	sdelay $0x1  }
0x12d: {  	s4 =	sadd.s32 $0x380, s4;
	s25 =	sadd.s32 $0x600, s25  }
0x12e: {  	[tilespmem:s10], [sflag:$0x2] =	stream.indirect.gather [hbm4b:s2+s1], $0x80, s4, s1, $0xb8;
	[tilespmem:$0x1F800] =	vst v63  }
.LBB2_11:
0x12f: {  	_ =	sfence.sel $0x180000  }
0x130: {  	[bflag:$0x0] =	sbarrier.arrive $0xFFFF  }
0x131: {  	_ =	strace $0x90000047  }
0x132: {  	s0 =	stileid.u32;
	[bflag:$0x2] =	sbarrier.arrive $0xFFFF  }
0x133: {  	p0 =	sne.s32 s0, $0x0;
	s0 =	rddreg [dreg:$0x3]  }
0x134: {  	s0 =	sadd.s32 @!p0 $0x100000, s0  }
0x135: {  	[sflag:s0] =	ssyncadd.tile.s32 @!p0 $0x1;
	_ =	shalt  }
.Lfunc_end2:
_tile_overlayer_lowered:
.L_overlay_start_2:
0x136: {  	(tag) =	ssettag $0x2  }
0x137: {  	s0 =	rddreg [dreg:$0x0];
	s2 =	stileid.u32  }
0x138: {  	s1 =	rddreg [dreg:$0x1];
	p0 =	sne.s32 s2, $0x0  }
0x139: {  	s3 =	rddreg [dreg:$0x2];
	[bflag:$0x3] =	sbarrier.arrive $0xFFFF;
	s2 =	simm.s32 @!p0 $0x1C07  }
0x13a: {  	[timem:s3], [sflag:s2] =	dma.local @!p0 [hbm:s0], s1  }
0x13b: {  	s0 =	simm.s32 @!p0 $0x7  }
0x13c: {  	_ =	swait.ge @!p0 [sflag:s0], s1  }
0x13d: {  	s1 =	ssub.s32 @!p0 $0x0, s1;
	[sflag:s0] =	ssyncset.done @!p0 $0x0  }
0x13e: {  	[sflag:s0] =	ssyncadd.s32 @!p0 s1  }
0x13f: {  	[bflag:$0x3] =	sbarrier.arrive $0xFFFF  }
0x140: {  	_ =	shalt  }

</sc_bundles>
